<compile_context>
chip_gen: v7x
topology: tpu7x:2x2x1
jax: 0.10.2.dev20260603
libtpu: 0.0.44.dev20260713+nightly
codegen_flags: <defaults>
</compile_context>

<pallas_src>
import functools

import jax
import jax.numpy as jnp
from jax import lax
from jax.experimental import pallas as pl
from jax.experimental.pallas import tpu as pltpu
from jax.experimental.pallas import tpu_sc as plsc

NUM_USERS = 1000000
EMBED_DIM = 64
BATCH = 16384
_BLK = 128

_info = plsc.get_sparse_core_info()
_NC, _NS, _L = _info.num_cores, _info.num_subcores, _info.num_lanes
_NW = _NC * _NS
_BPW = BATCH // _NW
_NV = _BPW // _L
_GROUPS = EMBED_DIM // _L
_NBUF = 8

_mesh = plsc.VectorSubcoreMesh(core_axis_name="c", subcore_axis_name="s")


@functools.partial(
    pl.kernel,
    mesh=_mesh,
    out_type=jax.ShapeDtypeStruct((BATCH, EMBED_DIM), jnp.float32),
    scratch_types=[
        pltpu.VMEM((_BPW + _L,), jnp.int32),
        pltpu.VMEM((4 * _L, EMBED_DIM), jnp.float32),
        pltpu.VMEM((EMBED_DIM,), jnp.float32),
    ]
    + [pltpu.VMEM((EMBED_DIM, _BLK), jnp.float32) for _ in range(_NBUF)]
    + [pltpu.SemaphoreType.DMA for _ in range(_NBUF)]
    + [pltpu.SemaphoreType.DMA],
    compiler_params=pltpu.CompilerParams(needs_layout_passes=False),
)
def _sc_lookup(table_t_hbm, idx_hbm, rel_hbm, out_hbm,
               idx_v, rows_v, rel_v,
               b0, b1, b2, b3, b4, b5, b6, b7,
               s0, s1, s2, s3, s4, s5, s6, s7, sem):
    bufs = (b0, b1, b2, b3, b4, b5, b6, b7)
    sems = (s0, s1, s2, s3, s4, s5, s6, s7)
    wid = lax.axis_index("s") * _NC + lax.axis_index("c")
    base = wid * _BPW

    pltpu.sync_copy(idx_hbm.at[pl.ds(base, _BPW)], idx_v.at[pl.ds(0, _BPW)])
    pltpu.sync_copy(idx_hbm.at[pl.ds(0, _L)], idx_v.at[pl.ds(_BPW, _L)])
    pltpu.sync_copy(rel_hbm, rel_v)
    rel_regs = [rel_v[pl.ds(g * _L, _L)] for g in range(_GROUPS)]
    c0 = lax.iota(jnp.int32, _L)
    ones = c0 * 0 + 1

    def fire(slot, u):
        u = lax.min(lax.max(u, 0), NUM_USERS - 1)
        bstart = pl.multiple_of((u // _BLK) * _BLK, _BLK)
        pltpu.make_async_copy(
            table_t_hbm.at[:, pl.ds(bstart, _BLK)], bufs[slot], sems[slot]
        ).start()

    vec0 = idx_v[pl.ds(0, _L)]
    for j in range(_NBUF):
        fire(j, vec0[j])

    def body(v, carry):
        vec = idx_v[pl.ds(v * _L, _L)]
        vecn = idx_v[pl.ds(v * _L + _L, _L)]
        bank = lax.rem(v, 4) * _L
        @pl.when(v >= 4)
        def _():
            pltpu.make_async_copy(
                rows_v.at[pl.ds(0, _L)],
                out_hbm.at[pl.ds(base, _L)],
                sem,
            ).wait()
        for j in range(_L):
            i = v * _L + j
            slot = j % _NBUF
            pltpu.make_async_copy(
                table_t_hbm.at[:, pl.ds(0, _BLK)], bufs[slot], sems[slot]
            ).wait()
            u = vec[j]
            colv = ones * (u % _BLK)
            for g in range(_GROUPS):
                vals = plsc.load_gather(bufs[slot], [c0 + g * _L, colv])
                rows_v[bank + j, pl.ds(g * _L, _L)] = vals + rel_regs[g]
            u_next = vec[j + _NBUF] if j + _NBUF < _L else vecn[j + _NBUF - _L]
            fire(slot, u_next)
        pltpu.make_async_copy(
            rows_v.at[pl.ds(bank, _L)],
            out_hbm.at[pl.ds(base + v * _L, _L)],
            sem,
        ).start()
        return carry

    lax.fori_loop(0, _NV, body, 0)

    for j in range(_NBUF):
        pltpu.make_async_copy(
            table_t_hbm.at[:, pl.ds(0, _BLK)], bufs[j], sems[j]
        ).wait()
    for _ in range(4):
        pltpu.make_async_copy(
            rows_v.at[pl.ds(0, _L)], out_hbm.at[pl.ds(base, _L)], sem
        ).wait()


def kernel(batch_users, user_emb_weight, rel_emb_weight):
    idx = batch_users.astype(jnp.int32)
    table_t = jnp.swapaxes(user_emb_weight, 0, 1)
    rel_row = rel_emb_weight[-1]
    return _sc_lookup(table_t, idx, rel_row)

# --- scband reference (transcript-rebuilt; emitter-appended) ---
"""Pipeline reference for scband-cfkgquery-encoder-51204600103359 (READ-ONLY COPY).

The authoritative reference and input builder live on the scoring server;
editing this copy changes nothing except your own understanding.
"""

import jax, jax.numpy as jnp
import numpy as np

NUM_USERS = 1000000
EMBED_DIM = 64
NUM_REL = 10
BATCH = 16384


def setup_inputs(seed: int = 0) -> dict:
    key = jax.random.key(seed)
    k1, k2, k3 = jax.random.split(key, 3)
    batch_users = jax.random.randint(k1, (BATCH,), 0, NUM_USERS)
    user_emb_weight = jax.random.normal(k2, (NUM_USERS, EMBED_DIM), dtype=jnp.float32) * 0.02
    # padding_idx=0 -> row 0 initialized to zeros (torch nn.Embedding semantics)
    user_emb_weight = user_emb_weight.at[0].set(0.0)
    rel_emb_weight = jax.random.normal(k3, (NUM_REL, EMBED_DIM), dtype=jnp.float32) * 0.02
    return {
        "batch_users": batch_users,
        "user_emb_weight": user_emb_weight,
        "rel_emb_weight": rel_emb_weight,
    }


def reference(batch_users, user_emb_weight, rel_emb_weight):
    # forward(batch_users, add_inter_emb=True):
    #   user_emb(batch_users) + rel_emb.weight[-1]
    gathered = jnp.take(user_emb_weight, batch_users, axis=0)
    return gathered + rel_emb_weight[-1]

if __name__ == "__main__":
    import jax
    _d = setup_inputs()
    print(jax.jit(kernel)(*tuple(_d.values())))

</pallas_src>

<mosaic_0001>
#map = affine_map<(d0, d1) -> (0, 0)>
#map1 = affine_map<(d0, d1) -> (0)>
module attributes {stable_mosaic.version = 14 : i64} {
  func.func @_sc_lookup(%arg0: i32, %arg1: i32, %arg2: memref<64x1000000xf32, #tpu.memory_space<hbm>>, %arg3: memref<16384xi32, #tpu.memory_space<hbm>>, %arg4: memref<64xf32, #tpu.memory_space<hbm>>, %arg5: memref<16384x64xf32, #tpu.memory_space<hbm>>, %arg6: memref<528xi32, #tpu.memory_space<vmem>>, %arg7: memref<64x64xf32, #tpu.memory_space<vmem>>, %arg8: memref<64xf32, #tpu.memory_space<vmem>>, %arg9: memref<64x128xf32, #tpu.memory_space<vmem>>, %arg10: memref<64x128xf32, #tpu.memory_space<vmem>>, %arg11: memref<64x128xf32, #tpu.memory_space<vmem>>, %arg12: memref<64x128xf32, #tpu.memory_space<vmem>>, %arg13: memref<64x128xf32, #tpu.memory_space<vmem>>, %arg14: memref<64x128xf32, #tpu.memory_space<vmem>>, %arg15: memref<64x128xf32, #tpu.memory_space<vmem>>, %arg16: memref<64x128xf32, #tpu.memory_space<vmem>>, %arg17: memref<!tpu.dma_semaphore, #tpu.memory_space<semaphore_mem>>, %arg18: memref<!tpu.dma_semaphore, #tpu.memory_space<semaphore_mem>>, %arg19: memref<!tpu.dma_semaphore, #tpu.memory_space<semaphore_mem>>, %arg20: memref<!tpu.dma_semaphore, #tpu.memory_space<semaphore_mem>>, %arg21: memref<!tpu.dma_semaphore, #tpu.memory_space<semaphore_mem>>, %arg22: memref<!tpu.dma_semaphore, #tpu.memory_space<semaphore_mem>>, %arg23: memref<!tpu.dma_semaphore, #tpu.memory_space<semaphore_mem>>, %arg24: memref<!tpu.dma_semaphore, #tpu.memory_space<semaphore_mem>>, %arg25: memref<!tpu.dma_semaphore, #tpu.memory_space<semaphore_mem>>) attributes {dimension_semantics = [#tpu.dimension_semantics<core_parallel>, #tpu.dimension_semantics<subcore_parallel>], iteration_bounds = array<i64: 2, 16>, scalar_prefetch = 0 : i64, scratch_operands = 20 : i64, tpu.core_type = #tpu.core_type<sc_vector_subcore>, window_params = [{transform_indices = #map}, {transform_indices = #map1}, {transform_indices = #map1}, {transform_indices = #map}]} {
    %mul3A = arith.constant 2 : i32
    %mul3A_0 = arith.muli %arg1, %mul3A : i32
    %add3A = arith.addi %mul3A_0, %arg0 : i32
    %mul3A_1 = arith.constant 512 : i32
    %mul3A_2 = arith.muli %add3A, %mul3A_1 : i32
    "tpu.region"() ({
      %run_scoped3A = tpu.sem_alloc : memref<!tpu.dma_semaphore, #tpu.memory_space<semaphore_mem>>
      %dma_start3A_392 = arith.constant 0 : i32
      %dma_start3A_393 = tpu.memref_slice %arg6[%dma_start3A_392] : memref<528xi32, #tpu.memory_space<vmem>> -> memref<512xi32, #tpu.memory_space<vmem>>
      %dma_start3A_394 = tpu.memref_slice %arg3[%mul3A_2] : memref<16384xi32, #tpu.memory_space<hbm>> -> memref<512xi32, #tpu.memory_space<hbm>>
      %dma_start3A_395 = arith.constant 0 : i32
      %dma_start3A_396 = tpu.memref_slice %arg6[%dma_start3A_395] : memref<528xi32, #tpu.memory_space<vmem>> -> memref<512xi32, #tpu.memory_space<vmem>>
      %dma_start3A_397 = tpu.memref_slice %arg3[%mul3A_2] : memref<16384xi32, #tpu.memory_space<hbm>> -> memref<512xi32, #tpu.memory_space<hbm>>
      tpu.enqueue_dma source(%dma_start3A_397 : memref<512xi32, #tpu.memory_space<hbm>>) target(%dma_start3A_396 : memref<512xi32, #tpu.memory_space<vmem>>) target_semaphore(%run_scoped3A : memref<!tpu.dma_semaphore, #tpu.memory_space<semaphore_mem>>)
      %dma_wait3A_398 = arith.constant 0 : i32
      %dma_wait3A_399 = tpu.memref_slice %arg6[%dma_wait3A_398] : memref<528xi32, #tpu.memory_space<vmem>> -> memref<512xi32, #tpu.memory_space<vmem>>
      %dma_wait3A_400 = tpu.memref_slice %arg3[%mul3A_2] : memref<16384xi32, #tpu.memory_space<hbm>> -> memref<512xi32, #tpu.memory_space<hbm>>
      %dma_wait3A_401 = arith.constant 0 : i32
      %dma_wait3A_402 = tpu.memref_slice %arg6[%dma_wait3A_401] : memref<528xi32, #tpu.memory_space<vmem>> -> memref<512xi32, #tpu.memory_space<vmem>>
      %dma_wait3A_403 = tpu.memref_slice %arg3[%mul3A_2] : memref<16384xi32, #tpu.memory_space<hbm>> -> memref<512xi32, #tpu.memory_space<hbm>>
      tpu.wait_dma2 semaphore(%run_scoped3A : memref<!tpu.dma_semaphore, #tpu.memory_space<semaphore_mem>>) src(%dma_wait3A_403 : memref<512xi32, #tpu.memory_space<hbm>>) dst(%dma_wait3A_402 : memref<512xi32, #tpu.memory_space<vmem>>)
      tpu.yield
    }) : () -> ()
    "tpu.region"() ({
      %run_scoped3A = tpu.sem_alloc : memref<!tpu.dma_semaphore, #tpu.memory_space<semaphore_mem>>
      %dma_start3A_392 = arith.constant 512 : i32
      %dma_start3A_393 = tpu.memref_slice %arg6[%dma_start3A_392] : memref<528xi32, #tpu.memory_space<vmem>> -> memref<16xi32, #tpu.memory_space<vmem>>
      %dma_start3A_394 = arith.constant 0 : i32
      %dma_start3A_395 = tpu.memref_slice %arg3[%dma_start3A_394] : memref<16384xi32, #tpu.memory_space<hbm>> -> memref<16xi32, #tpu.memory_space<hbm>>
      %dma_start3A_396 = arith.constant 512 : i32
      %dma_start3A_397 = tpu.memref_slice %arg6[%dma_start3A_396] : memref<528xi32, #tpu.memory_space<vmem>> -> memref<16xi32, #tpu.memory_space<vmem>>
      %dma_start3A_398 = arith.constant 0 : i32
      %dma_start3A_399 = tpu.memref_slice %arg3[%dma_start3A_398] : memref<16384xi32, #tpu.memory_space<hbm>> -> memref<16xi32, #tpu.memory_space<hbm>>
      tpu.enqueue_dma source(%dma_start3A_399 : memref<16xi32, #tpu.memory_space<hbm>>) target(%dma_start3A_397 : memref<16xi32, #tpu.memory_space<vmem>>) target_semaphore(%run_scoped3A : memref<!tpu.dma_semaphore, #tpu.memory_space<semaphore_mem>>)
      %dma_wait3A_400 = arith.constant 512 : i32
      %dma_wait3A_401 = tpu.memref_slice %arg6[%dma_wait3A_400] : memref<528xi32, #tpu.memory_space<vmem>> -> memref<16xi32, #tpu.memory_space<vmem>>
      %dma_wait3A_402 = arith.constant 0 : i32
      %dma_wait3A_403 = tpu.memref_slice %arg3[%dma_wait3A_402] : memref<16384xi32, #tpu.memory_space<hbm>> -> memref<16xi32, #tpu.memory_space<hbm>>
      %dma_wait3A_404 = arith.constant 512 : i32
      %dma_wait3A_405 = tpu.memref_slice %arg6[%dma_wait3A_404] : memref<528xi32, #tpu.memory_space<vmem>> -> memref<16xi32, #tpu.memory_space<vmem>>
      %dma_wait3A_406 = arith.constant 0 : i32
      %dma_wait3A_407 = tpu.memref_slice %arg3[%dma_wait3A_406] : memref<16384xi32, #tpu.memory_space<hbm>> -> memref<16xi32, #tpu.memory_space<hbm>>
      tpu.wait_dma2 semaphore(%run_scoped3A : memref<!tpu.dma_semaphore, #tpu.memory_space<semaphore_mem>>) src(%dma_wait3A_407 : memref<16xi32, #tpu.memory_space<hbm>>) dst(%dma_wait3A_405 : memref<16xi32, #tpu.memory_space<vmem>>)
      tpu.yield
    }) : () -> ()
    "tpu.region"() ({
      %run_scoped3A = tpu.sem_alloc : memref<!tpu.dma_semaphore, #tpu.memory_space<semaphore_mem>>
      tpu.enqueue_dma source(%arg4 : memref<64xf32, #tpu.memory_space<hbm>>) target(%arg8 : memref<64xf32, #tpu.memory_space<vmem>>) target_semaphore(%run_scoped3A : memref<!tpu.dma_semaphore, #tpu.memory_space<semaphore_mem>>)
      tpu.wait_dma2 semaphore(%run_scoped3A : memref<!tpu.dma_semaphore, #tpu.memory_space<semaphore_mem>>) src(%arg4 : memref<64xf32, #tpu.memory_space<hbm>>) dst(%arg8 : memref<64xf32, #tpu.memory_space<vmem>>)
      tpu.yield
    }) : () -> ()
    %get3A = arith.constant 0 : index
    %get3A_3 = tpu.vector_load %arg8[%get3A] {strides = array<i32>} : memref<64xf32, #tpu.memory_space<vmem>>, vector<16xf32>,
    %get3A_4 = arith.constant 16 : index
    %get3A_5 = tpu.vector_load %arg8[%get3A_4] {strides = array<i32>} : memref<64xf32, #tpu.memory_space<vmem>>, vector<16xf32>,
    %get3A_6 = arith.constant 32 : index
    %get3A_7 = tpu.vector_load %arg8[%get3A_6] {strides = array<i32>} : memref<64xf32, #tpu.memory_space<vmem>>, vector<16xf32>,
    %get3A_8 = arith.constant 48 : index
    %get3A_9 = tpu.vector_load %arg8[%get3A_8] {strides = array<i32>} : memref<64xf32, #tpu.memory_space<vmem>>, vector<16xf32>,
    %iota3A = tpu.iota {dimensions = array<i32: 0>} : vector<16xi32>
    %mul3A_10 = arith.constant 0 : i32
    %mul3A_11 = vector.broadcast %mul3A_10 : i32 to vector<16xi32>
    %mul3A_12 = arith.muli %iota3A, %mul3A_11 : vector<16xi32>
    %add3A_13 = arith.constant 1 : i32
    %add3A_14 = vector.broadcast %add3A_13 : i32 to vector<16xi32>
    %add3A_15 = arith.addi %mul3A_12, %add3A_14 : vector<16xi32>
    %get3A_16 = arith.constant 0 : index
    %get3A_17 = tpu.vector_load %arg6[%get3A_16] {strides = array<i32>} : memref<528xi32, #tpu.memory_space<vmem>>, vector<16xi32>,
    %slice3A = vector.extract_strided_slice %get3A_17 {offsets = [0], sizes = [1], strides = [1]} : vector<16xi32> to vector<1xi32>
    %squeeze3A = vector.extract %slice3A[0] : i32 from vector<1xi32>
    %max3A = arith.constant 0 : i32
    %max3A_18 = arith.maxsi %squeeze3A, %max3A : i32
    %min3A = arith.constant 999999 : i32
    %min3A_19 = arith.minsi %max3A_18, %min3A : i32
    %jit3A = arith.constant 128 : i32
    %div3A = arith.divsi %min3A_19, %jit3A : i32
    %sign3A = arith.constant 0 : i32
    %sign3A_20 = arith.cmpi sgt, %min3A_19, %sign3A : i32
    %sign3A_21 = arith.extui %sign3A_20 : i1 to i32
    %sign3A_22 = arith.constant 0 : i32
    %sign3A_23 = arith.cmpi slt, %min3A_19, %sign3A_22 : i32
    %sign3A_24 = arith.extui %sign3A_23 : i1 to i32
    %sign3A_25 = arith.subi %sign3A_21, %sign3A_24 : i32
    %sign3A_26 = arith.constant 0 : i32
    %sign3A_27 = arith.cmpi sgt, %jit3A, %sign3A_26 : i32
    %sign3A_28 = arith.extui %sign3A_27 : i1 to i32
    %sign3A_29 = arith.constant 0 : i32
    %sign3A_30 = arith.cmpi slt, %jit3A, %sign3A_29 : i32
    %sign3A_31 = arith.extui %sign3A_30 : i1 to i32
    %sign3A_32 = arith.subi %sign3A_28, %sign3A_31 : i32
    %ne3A = arith.cmpi ne, %sign3A_25, %sign3A_32 : i32
    %rem3A = arith.remsi %min3A_19, %jit3A : i32
    %ne3A_33 = arith.constant 0 : i32
    %ne3A_34 = arith.cmpi ne, %rem3A, %ne3A_33 : i32
    %and3A = arith.andi %ne3A, %ne3A_34 : i1
    %sub3A = arith.constant 1 : i32
    %sub3A_35 = arith.subi %div3A, %sub3A : i32
    %select_n3A = arith.select %and3A, %sub3A_35, %div3A : i32
    %mul3A_36 = arith.constant 128 : i32
    %mul3A_37 = arith.muli %select_n3A, %mul3A_36 : i32
    %multiple_of3A = tpu.assume_multiple %mul3A_37, 128 : i32
    %dma_start3A = arith.constant 0 : i32
    %dma_start3A_38 = tpu.memref_slice %arg2[%dma_start3A, %multiple_of3A] : memref<64x1000000xf32, #tpu.memory_space<hbm>> -> memref<64x128xf32, #tpu.memory_space<hbm>>
    %dma_start3A_39 = arith.constant 0 : i32
    %dma_start3A_40 = tpu.memref_slice %arg2[%dma_start3A_39, %multiple_of3A] : memref<64x1000000xf32, #tpu.memory_space<hbm>> -> memref<64x128xf32, #tpu.memory_space<hbm>>
    tpu.enqueue_dma source(%dma_start3A_40 : memref<64x128xf32, #tpu.memory_space<hbm>>) target(%arg9 : memref<64x128xf32, #tpu.memory_space<vmem>>) target_semaphore(%arg17 : memref<!tpu.dma_semaphore, #tpu.memory_space<semaphore_mem>>)
    %slice3A_41 = vector.extract_strided_slice %get3A_17 {offsets = [1], sizes = [1], strides = [1]} : vector<16xi32> to vector<1xi32>
    %squeeze3A_42 = vector.extract %slice3A_41[0] : i32 from vector<1xi32>
    %max3A_43 = arith.constant 0 : i32
    %max3A_44 = arith.maxsi %squeeze3A_42, %max3A_43 : i32
    %min3A_45 = arith.constant 999999 : i32
    %min3A_46 = arith.minsi %max3A_44, %min3A_45 : i32
    %jit3A_47 = arith.constant 128 : i32
    %div3A_48 = arith.divsi %min3A_46, %jit3A_47 : i32
    %sign3A_49 = arith.constant 0 : i32
    %sign3A_50 = arith.cmpi sgt, %min3A_46, %sign3A_49 : i32
    %sign3A_51 = arith.extui %sign3A_50 : i1 to i32
    %sign3A_52 = arith.constant 0 : i32
    %sign3A_53 = arith.cmpi slt, %min3A_46, %sign3A_52 : i32
    %sign3A_54 = arith.extui %sign3A_53 : i1 to i32
    %sign3A_55 = arith.subi %sign3A_51, %sign3A_54 : i32
    %sign3A_56 = arith.constant 0 : i32
    %sign3A_57 = arith.cmpi sgt, %jit3A_47, %sign3A_56 : i32
    %sign3A_58 = arith.extui %sign3A_57 : i1 to i32
    %sign3A_59 = arith.constant 0 : i32
    %sign3A_60 = arith.cmpi slt, %jit3A_47, %sign3A_59 : i32
    %sign3A_61 = arith.extui %sign3A_60 : i1 to i32
    %sign3A_62 = arith.subi %sign3A_58, %sign3A_61 : i32
    %ne3A_63 = arith.cmpi ne, %sign3A_55, %sign3A_62 : i32
    %rem3A_64 = arith.remsi %min3A_46, %jit3A_47 : i32
    %ne3A_65 = arith.constant 0 : i32
    %ne3A_66 = arith.cmpi ne, %rem3A_64, %ne3A_65 : i32
    %and3A_67 = arith.andi %ne3A_63, %ne3A_66 : i1
    %sub3A_68 = arith.constant 1 : i32
    %sub3A_69 = arith.subi %div3A_48, %sub3A_68 : i32
    %select_n3A_70 = arith.select %and3A_67, %sub3A_69, %div3A_48 : i32
    %mul3A_71 = arith.constant 128 : i32
    %mul3A_72 = arith.muli %select_n3A_70, %mul3A_71 : i32
    %multiple_of3A_73 = tpu.assume_multiple %mul3A_72, 128 : i32
    %dma_start3A_74 = arith.constant 0 : i32
    %dma_start3A_75 = tpu.memref_slice %arg2[%dma_start3A_74, %multiple_of3A_73] : memref<64x1000000xf32, #tpu.memory_space<hbm>> -> memref<64x128xf32, #tpu.memory_space<hbm>>
    %dma_start3A_76 = arith.constant 0 : i32
    %dma_start3A_77 = tpu.memref_slice %arg2[%dma_start3A_76, %multiple_of3A_73] : memref<64x1000000xf32, #tpu.memory_space<hbm>> -> memref<64x128xf32, #tpu.memory_space<hbm>>
    tpu.enqueue_dma source(%dma_start3A_77 : memref<64x128xf32, #tpu.memory_space<hbm>>) target(%arg10 : memref<64x128xf32, #tpu.memory_space<vmem>>) target_semaphore(%arg18 : memref<!tpu.dma_semaphore, #tpu.memory_space<semaphore_mem>>)
    %slice3A_78 = vector.extract_strided_slice %get3A_17 {offsets = [2], sizes = [1], strides = [1]} : vector<16xi32> to vector<1xi32>
    %squeeze3A_79 = vector.extract %slice3A_78[0] : i32 from vector<1xi32>
    %max3A_80 = arith.constant 0 : i32
    %max3A_81 = arith.maxsi %squeeze3A_79, %max3A_80 : i32
    %min3A_82 = arith.constant 999999 : i32
    %min3A_83 = arith.minsi %max3A_81, %min3A_82 : i32
    %jit3A_84 = arith.constant 128 : i32
    %div3A_85 = arith.divsi %min3A_83, %jit3A_84 : i32
    %sign3A_86 = arith.constant 0 : i32
    %sign3A_87 = arith.cmpi sgt, %min3A_83, %sign3A_86 : i32
    %sign3A_88 = arith.extui %sign3A_87 : i1 to i32
    %sign3A_89 = arith.constant 0 : i32
    %sign3A_90 = arith.cmpi slt, %min3A_83, %sign3A_89 : i32
    %sign3A_91 = arith.extui %sign3A_90 : i1 to i32
    %sign3A_92 = arith.subi %sign3A_88, %sign3A_91 : i32
    %sign3A_93 = arith.constant 0 : i32
    %sign3A_94 = arith.cmpi sgt, %jit3A_84, %sign3A_93 : i32
    %sign3A_95 = arith.extui %sign3A_94 : i1 to i32
    %sign3A_96 = arith.constant 0 : i32
    %sign3A_97 = arith.cmpi slt, %jit3A_84, %sign3A_96 : i32
    %sign3A_98 = arith.extui %sign3A_97 : i1 to i32
    %sign3A_99 = arith.subi %sign3A_95, %sign3A_98 : i32
    %ne3A_100 = arith.cmpi ne, %sign3A_92, %sign3A_99 : i32
    %rem3A_101 = arith.remsi %min3A_83, %jit3A_84 : i32
    %ne3A_102 = arith.constant 0 : i32
    %ne3A_103 = arith.cmpi ne, %rem3A_101, %ne3A_102 : i32
    %and3A_104 = arith.andi %ne3A_100, %ne3A_103 : i1
    %sub3A_105 = arith.constant 1 : i32
    %sub3A_106 = arith.subi %div3A_85, %sub3A_105 : i32
    %select_n3A_107 = arith.select %and3A_104, %sub3A_106, %div3A_85 : i32
    %mul3A_108 = arith.constant 128 : i32
    %mul3A_109 = arith.muli %select_n3A_107, %mul3A_108 : i32
    %multiple_of3A_110 = tpu.assume_multiple %mul3A_109, 128 : i32
    %dma_start3A_111 = arith.constant 0 : i32
    %dma_start3A_112 = tpu.memref_slice %arg2[%dma_start3A_111, %multiple_of3A_110] : memref<64x1000000xf32, #tpu.memory_space<hbm>> -> memref<64x128xf32, #tpu.memory_space<hbm>>
    %dma_start3A_113 = arith.constant 0 : i32
    %dma_start3A_114 = tpu.memref_slice %arg2[%dma_start3A_113, %multiple_of3A_110] : memref<64x1000000xf32, #tpu.memory_space<hbm>> -> memref<64x128xf32, #tpu.memory_space<hbm>>
    tpu.enqueue_dma source(%dma_start3A_114 : memref<64x128xf32, #tpu.memory_space<hbm>>) target(%arg11 : memref<64x128xf32, #tpu.memory_space<vmem>>) target_semaphore(%arg19 : memref<!tpu.dma_semaphore, #tpu.memory_space<semaphore_mem>>)
    %slice3A_115 = vector.extract_strided_slice %get3A_17 {offsets = [3], sizes = [1], strides = [1]} : vector<16xi32> to vector<1xi32>
    %squeeze3A_116 = vector.extract %slice3A_115[0] : i32 from vector<1xi32>
    %max3A_117 = arith.constant 0 : i32
    %max3A_118 = arith.maxsi %squeeze3A_116, %max3A_117 : i32
    %min3A_119 = arith.constant 999999 : i32
    %min3A_120 = arith.minsi %max3A_118, %min3A_119 : i32
    %jit3A_121 = arith.constant 128 : i32
    %div3A_122 = arith.divsi %min3A_120, %jit3A_121 : i32
    %sign3A_123 = arith.constant 0 : i32
    %sign3A_124 = arith.cmpi sgt, %min3A_120, %sign3A_123 : i32
    %sign3A_125 = arith.extui %sign3A_124 : i1 to i32
    %sign3A_126 = arith.constant 0 : i32
    %sign3A_127 = arith.cmpi slt, %min3A_120, %sign3A_126 : i32
    %sign3A_128 = arith.extui %sign3A_127 : i1 to i32
    %sign3A_129 = arith.subi %sign3A_125, %sign3A_128 : i32
    %sign3A_130 = arith.constant 0 : i32
    %sign3A_131 = arith.cmpi sgt, %jit3A_121, %sign3A_130 : i32
    %sign3A_132 = arith.extui %sign3A_131 : i1 to i32
    %sign3A_133 = arith.constant 0 : i32
    %sign3A_134 = arith.cmpi slt, %jit3A_121, %sign3A_133 : i32
    %sign3A_135 = arith.extui %sign3A_134 : i1 to i32
    %sign3A_136 = arith.subi %sign3A_132, %sign3A_135 : i32
    %ne3A_137 = arith.cmpi ne, %sign3A_129, %sign3A_136 : i32
    %rem3A_138 = arith.remsi %min3A_120, %jit3A_121 : i32
    %ne3A_139 = arith.constant 0 : i32
    %ne3A_140 = arith.cmpi ne, %rem3A_138, %ne3A_139 : i32
    %and3A_141 = arith.andi %ne3A_137, %ne3A_140 : i1
    %sub3A_142 = arith.constant 1 : i32
    %sub3A_143 = arith.subi %div3A_122, %sub3A_142 : i32
    %select_n3A_144 = arith.select %and3A_141, %sub3A_143, %div3A_122 : i32
    %mul3A_145 = arith.constant 128 : i32
    %mul3A_146 = arith.muli %select_n3A_144, %mul3A_145 : i32
    %multiple_of3A_147 = tpu.assume_multiple %mul3A_146, 128 : i32
    %dma_start3A_148 = arith.constant 0 : i32
    %dma_start3A_149 = tpu.memref_slice %arg2[%dma_start3A_148, %multiple_of3A_147] : memref<64x1000000xf32, #tpu.memory_space<hbm>> -> memref<64x128xf32, #tpu.memory_space<hbm>>
    %dma_start3A_150 = arith.constant 0 : i32
    %dma_start3A_151 = tpu.memref_slice %arg2[%dma_start3A_150, %multiple_of3A_147] : memref<64x1000000xf32, #tpu.memory_space<hbm>> -> memref<64x128xf32, #tpu.memory_space<hbm>>
    tpu.enqueue_dma source(%dma_start3A_151 : memref<64x128xf32, #tpu.memory_space<hbm>>) target(%arg12 : memref<64x128xf32, #tpu.memory_space<vmem>>) target_semaphore(%arg20 : memref<!tpu.dma_semaphore, #tpu.memory_space<semaphore_mem>>)
    %slice3A_152 = vector.extract_strided_slice %get3A_17 {offsets = [4], sizes = [1], strides = [1]} : vector<16xi32> to vector<1xi32>
    %squeeze3A_153 = vector.extract %slice3A_152[0] : i32 from vector<1xi32>
    %max3A_154 = arith.constant 0 : i32
    %max3A_155 = arith.maxsi %squeeze3A_153, %max3A_154 : i32
    %min3A_156 = arith.constant 999999 : i32
    %min3A_157 = arith.minsi %max3A_155, %min3A_156 : i32
    %jit3A_158 = arith.constant 128 : i32
    %div3A_159 = arith.divsi %min3A_157, %jit3A_158 : i32
    %sign3A_160 = arith.constant 0 : i32
    %sign3A_161 = arith.cmpi sgt, %min3A_157, %sign3A_160 : i32
    %sign3A_162 = arith.extui %sign3A_161 : i1 to i32
    %sign3A_163 = arith.constant 0 : i32
    %sign3A_164 = arith.cmpi slt, %min3A_157, %sign3A_163 : i32
    %sign3A_165 = arith.extui %sign3A_164 : i1 to i32
    %sign3A_166 = arith.subi %sign3A_162, %sign3A_165 : i32
    %sign3A_167 = arith.constant 0 : i32
    %sign3A_168 = arith.cmpi sgt, %jit3A_158, %sign3A_167 : i32
    %sign3A_169 = arith.extui %sign3A_168 : i1 to i32
    %sign3A_170 = arith.constant 0 : i32
    %sign3A_171 = arith.cmpi slt, %jit3A_158, %sign3A_170 : i32
    %sign3A_172 = arith.extui %sign3A_171 : i1 to i32
    %sign3A_173 = arith.subi %sign3A_169, %sign3A_172 : i32
    %ne3A_174 = arith.cmpi ne, %sign3A_166, %sign3A_173 : i32
    %rem3A_175 = arith.remsi %min3A_157, %jit3A_158 : i32
    %ne3A_176 = arith.constant 0 : i32
    %ne3A_177 = arith.cmpi ne, %rem3A_175, %ne3A_176 : i32
    %and3A_178 = arith.andi %ne3A_174, %ne3A_177 : i1
    %sub3A_179 = arith.constant 1 : i32
    %sub3A_180 = arith.subi %div3A_159, %sub3A_179 : i32
    %select_n3A_181 = arith.select %and3A_178, %sub3A_180, %div3A_159 : i32
    %mul3A_182 = arith.constant 128 : i32
    %mul3A_183 = arith.muli %select_n3A_181, %mul3A_182 : i32
    %multiple_of3A_184 = tpu.assume_multiple %mul3A_183, 128 : i32
    %dma_start3A_185 = arith.constant 0 : i32
    %dma_start3A_186 = tpu.memref_slice %arg2[%dma_start3A_185, %multiple_of3A_184] : memref<64x1000000xf32, #tpu.memory_space<hbm>> -> memref<64x128xf32, #tpu.memory_space<hbm>>
    %dma_start3A_187 = arith.constant 0 : i32
    %dma_start3A_188 = tpu.memref_slice %arg2[%dma_start3A_187, %multiple_of3A_184] : memref<64x1000000xf32, #tpu.memory_space<hbm>> -> memref<64x128xf32, #tpu.memory_space<hbm>>
    tpu.enqueue_dma source(%dma_start3A_188 : memref<64x128xf32, #tpu.memory_space<hbm>>) target(%arg13 : memref<64x128xf32, #tpu.memory_space<vmem>>) target_semaphore(%arg21 : memref<!tpu.dma_semaphore, #tpu.memory_space<semaphore_mem>>)
    %slice3A_189 = vector.extract_strided_slice %get3A_17 {offsets = [5], sizes = [1], strides = [1]} : vector<16xi32> to vector<1xi32>
    %squeeze3A_190 = vector.extract %slice3A_189[0] : i32 from vector<1xi32>
    %max3A_191 = arith.constant 0 : i32
    %max3A_192 = arith.maxsi %squeeze3A_190, %max3A_191 : i32
    %min3A_193 = arith.constant 999999 : i32
    %min3A_194 = arith.minsi %max3A_192, %min3A_193 : i32
    %jit3A_195 = arith.constant 128 : i32
    %div3A_196 = arith.divsi %min3A_194, %jit3A_195 : i32
    %sign3A_197 = arith.constant 0 : i32
    %sign3A_198 = arith.cmpi sgt, %min3A_194, %sign3A_197 : i32
    %sign3A_199 = arith.extui %sign3A_198 : i1 to i32
    %sign3A_200 = arith.constant 0 : i32
    %sign3A_201 = arith.cmpi slt, %min3A_194, %sign3A_200 : i32
    %sign3A_202 = arith.extui %sign3A_201 : i1 to i32
    %sign3A_203 = arith.subi %sign3A_199, %sign3A_202 : i32
    %sign3A_204 = arith.constant 0 : i32
    %sign3A_205 = arith.cmpi sgt, %jit3A_195, %sign3A_204 : i32
    %sign3A_206 = arith.extui %sign3A_205 : i1 to i32
    %sign3A_207 = arith.constant 0 : i32
    %sign3A_208 = arith.cmpi slt, %jit3A_195, %sign3A_207 : i32
    %sign3A_209 = arith.extui %sign3A_208 : i1 to i32
    %sign3A_210 = arith.subi %sign3A_206, %sign3A_209 : i32
    %ne3A_211 = arith.cmpi ne, %sign3A_203, %sign3A_210 : i32
    %rem3A_212 = arith.remsi %min3A_194, %jit3A_195 : i32
    %ne3A_213 = arith.constant 0 : i32
    %ne3A_214 = arith.cmpi ne, %rem3A_212, %ne3A_213 : i32
    %and3A_215 = arith.andi %ne3A_211, %ne3A_214 : i1
    %sub3A_216 = arith.constant 1 : i32
    %sub3A_217 = arith.subi %div3A_196, %sub3A_216 : i32
    %select_n3A_218 = arith.select %and3A_215, %sub3A_217, %div3A_196 : i32
    %mul3A_219 = arith.constant 128 : i32
    %mul3A_220 = arith.muli %select_n3A_218, %mul3A_219 : i32
    %multiple_of3A_221 = tpu.assume_multiple %mul3A_220, 128 : i32
    %dma_start3A_222 = arith.constant 0 : i32
    %dma_start3A_223 = tpu.memref_slice %arg2[%dma_start3A_222, %multiple_of3A_221] : memref<64x1000000xf32, #tpu.memory_space<hbm>> -> memref<64x128xf32, #tpu.memory_space<hbm>>
    %dma_start3A_224 = arith.constant 0 : i32
    %dma_start3A_225 = tpu.memref_slice %arg2[%dma_start3A_224, %multiple_of3A_221] : memref<64x1000000xf32, #tpu.memory_space<hbm>> -> memref<64x128xf32, #tpu.memory_space<hbm>>
    tpu.enqueue_dma source(%dma_start3A_225 : memref<64x128xf32, #tpu.memory_space<hbm>>) target(%arg14 : memref<64x128xf32, #tpu.memory_space<vmem>>) target_semaphore(%arg22 : memref<!tpu.dma_semaphore, #tpu.memory_space<semaphore_mem>>)
    %slice3A_226 = vector.extract_strided_slice %get3A_17 {offsets = [6], sizes = [1], strides = [1]} : vector<16xi32> to vector<1xi32>
    %squeeze3A_227 = vector.extract %slice3A_226[0] : i32 from vector<1xi32>
    %max3A_228 = arith.constant 0 : i32
    %max3A_229 = arith.maxsi %squeeze3A_227, %max3A_228 : i32
    %min3A_230 = arith.constant 999999 : i32
    %min3A_231 = arith.minsi %max3A_229, %min3A_230 : i32
    %jit3A_232 = arith.constant 128 : i32
    %div3A_233 = arith.divsi %min3A_231, %jit3A_232 : i32
    %sign3A_234 = arith.constant 0 : i32
    %sign3A_235 = arith.cmpi sgt, %min3A_231, %sign3A_234 : i32
    %sign3A_236 = arith.extui %sign3A_235 : i1 to i32
    %sign3A_237 = arith.constant 0 : i32
    %sign3A_238 = arith.cmpi slt, %min3A_231, %sign3A_237 : i32
    %sign3A_239 = arith.extui %sign3A_238 : i1 to i32
    %sign3A_240 = arith.subi %sign3A_236, %sign3A_239 : i32
    %sign3A_241 = arith.constant 0 : i32
    %sign3A_242 = arith.cmpi sgt, %jit3A_232, %sign3A_241 : i32
    %sign3A_243 = arith.extui %sign3A_242 : i1 to i32
    %sign3A_244 = arith.constant 0 : i32
    %sign3A_245 = arith.cmpi slt, %jit3A_232, %sign3A_244 : i32
    %sign3A_246 = arith.extui %sign3A_245 : i1 to i32
    %sign3A_247 = arith.subi %sign3A_243, %sign3A_246 : i32
    %ne3A_248 = arith.cmpi ne, %sign3A_240, %sign3A_247 : i32
    %rem3A_249 = arith.remsi %min3A_231, %jit3A_232 : i32
    %ne3A_250 = arith.constant 0 : i32
    %ne3A_251 = arith.cmpi ne, %rem3A_249, %ne3A_250 : i32
    %and3A_252 = arith.andi %ne3A_248, %ne3A_251 : i1
    %sub3A_253 = arith.constant 1 : i32
    %sub3A_254 = arith.subi %div3A_233, %sub3A_253 : i32
    %select_n3A_255 = arith.select %and3A_252, %sub3A_254, %div3A_233 : i32
    %mul3A_256 = arith.constant 128 : i32
    %mul3A_257 = arith.muli %select_n3A_255, %mul3A_256 : i32
    %multiple_of3A_258 = tpu.assume_multiple %mul3A_257, 128 : i32
    %dma_start3A_259 = arith.constant 0 : i32
    %dma_start3A_260 = tpu.memref_slice %arg2[%dma_start3A_259, %multiple_of3A_258] : memref<64x1000000xf32, #tpu.memory_space<hbm>> -> memref<64x128xf32, #tpu.memory_space<hbm>>
    %dma_start3A_261 = arith.constant 0 : i32
    %dma_start3A_262 = tpu.memref_slice %arg2[%dma_start3A_261, %multiple_of3A_258] : memref<64x1000000xf32, #tpu.memory_space<hbm>> -> memref<64x128xf32, #tpu.memory_space<hbm>>
    tpu.enqueue_dma source(%dma_start3A_262 : memref<64x128xf32, #tpu.memory_space<hbm>>) target(%arg15 : memref<64x128xf32, #tpu.memory_space<vmem>>) target_semaphore(%arg23 : memref<!tpu.dma_semaphore, #tpu.memory_space<semaphore_mem>>)
    %slice3A_263 = vector.extract_strided_slice %get3A_17 {offsets = [7], sizes = [1], strides = [1]} : vector<16xi32> to vector<1xi32>
    %squeeze3A_264 = vector.extract %slice3A_263[0] : i32 from vector<1xi32>
    %max3A_265 = arith.constant 0 : i32
    %max3A_266 = arith.maxsi %squeeze3A_264, %max3A_265 : i32
    %min3A_267 = arith.constant 999999 : i32
    %min3A_268 = arith.minsi %max3A_266, %min3A_267 : i32
    %jit3A_269 = arith.constant 128 : i32
    %div3A_270 = arith.divsi %min3A_268, %jit3A_269 : i32
    %sign3A_271 = arith.constant 0 : i32
    %sign3A_272 = arith.cmpi sgt, %min3A_268, %sign3A_271 : i32
    %sign3A_273 = arith.extui %sign3A_272 : i1 to i32
    %sign3A_274 = arith.constant 0 : i32
    %sign3A_275 = arith.cmpi slt, %min3A_268, %sign3A_274 : i32
    %sign3A_276 = arith.extui %sign3A_275 : i1 to i32
    %sign3A_277 = arith.subi %sign3A_273, %sign3A_276 : i32
    %sign3A_278 = arith.constant 0 : i32
    %sign3A_279 = arith.cmpi sgt, %jit3A_269, %sign3A_278 : i32
    %sign3A_280 = arith.extui %sign3A_279 : i1 to i32
    %sign3A_281 = arith.constant 0 : i32
    %sign3A_282 = arith.cmpi slt, %jit3A_269, %sign3A_281 : i32
    %sign3A_283 = arith.extui %sign3A_282 : i1 to i32
    %sign3A_284 = arith.subi %sign3A_280, %sign3A_283 : i32
    %ne3A_285 = arith.cmpi ne, %sign3A_277, %sign3A_284 : i32
    %rem3A_286 = arith.remsi %min3A_268, %jit3A_269 : i32
    %ne3A_287 = arith.constant 0 : i32
    %ne3A_288 = arith.cmpi ne, %rem3A_286, %ne3A_287 : i32
    %and3A_289 = arith.andi %ne3A_285, %ne3A_288 : i1
    %sub3A_290 = arith.constant 1 : i32
    %sub3A_291 = arith.subi %div3A_270, %sub3A_290 : i32
    %select_n3A_292 = arith.select %and3A_289, %sub3A_291, %div3A_270 : i32
    %mul3A_293 = arith.constant 128 : i32
    %mul3A_294 = arith.muli %select_n3A_292, %mul3A_293 : i32
    %multiple_of3A_295 = tpu.assume_multiple %mul3A_294, 128 : i32
    %dma_start3A_296 = arith.constant 0 : i32
    %dma_start3A_297 = tpu.memref_slice %arg2[%dma_start3A_296, %multiple_of3A_295] : memref<64x1000000xf32, #tpu.memory_space<hbm>> -> memref<64x128xf32, #tpu.memory_space<hbm>>
    %dma_start3A_298 = arith.constant 0 : i32
    %dma_start3A_299 = tpu.memref_slice %arg2[%dma_start3A_298, %multiple_of3A_295] : memref<64x1000000xf32, #tpu.memory_space<hbm>> -> memref<64x128xf32, #tpu.memory_space<hbm>>
    tpu.enqueue_dma source(%dma_start3A_299 : memref<64x128xf32, #tpu.memory_space<hbm>>) target(%arg16 : memref<64x128xf32, #tpu.memory_space<vmem>>) target_semaphore(%arg24 : memref<!tpu.dma_semaphore, #tpu.memory_space<semaphore_mem>>)
    %scan3A = arith.constant 0 : i32
    %scan3A_300 = arith.constant 0 : i32
    %scan3A_301 = arith.constant 32 : i32
    %scan3A_302 = arith.addi %scan3A_300, %scan3A_301 : i32
    %scan3A_303 = arith.constant 1 : i32
    scf.for %scan3A_392 = %scan3A_300 to %scan3A_302 step %scan3A_303  : i32 {
      %mul3A_393 = arith.constant 16 : i32
      %mul3A_394 = arith.muli %scan3A_392, %mul3A_393 : i32
      %get3A_395 = arith.index_cast %mul3A_394 : i32 to index
      %get3A_396 = tpu.vector_load %arg6[%get3A_395] {strides = array<i32>} : memref<528xi32, #tpu.memory_space<vmem>>, vector<16xi32>,
      %mul3A_397 = arith.constant 16 : i32
      %mul3A_398 = arith.muli %scan3A_392, %mul3A_397 : i32
      %add3A_399 = arith.constant 16 : i32
      %add3A_400 = arith.addi %mul3A_398, %add3A_399 : i32
      %get3A_401 = arith.index_cast %add3A_400 : i32 to index
      %get3A_402 = tpu.vector_load %arg6[%get3A_401] {strides = array<i32>} : memref<528xi32, #tpu.memory_space<vmem>>, vector<16xi32>,
      %rem3A_403 = arith.constant 4 : i32
      %rem3A_404 = arith.remsi %scan3A_392, %rem3A_403 : i32
      %mul3A_405 = arith.constant 16 : i32
      %mul3A_406 = arith.muli %rem3A_404, %mul3A_405 : i32
      %ge3A = arith.constant 4 : i32
      %ge3A_407 = arith.cmpi sge, %scan3A_392, %ge3A : i32
      %convert_element_type3A = arith.extui %ge3A_407 : i1 to i32
      %cond3A = arith.constant 0 : i32
      %cond3A_408 = arith.cmpi ne, %convert_element_type3A, %cond3A : i32
      scf.if %cond3A_408 {
        %dma_wait3A_2128 = arith.constant 0 : i32
        %dma_wait3A_2129 = arith.constant 0 : i32
        %dma_wait3A_2130 = tpu.memref_slice %arg7[%dma_wait3A_2128, %dma_wait3A_2129] : memref<64x64xf32, #tpu.memory_space<vmem>> -> memref<16x64xf32, #tpu.memory_space<vmem>>
        %dma_wait3A_2131 = arith.constant 0 : i32
        %dma_wait3A_2132 = tpu.memref_slice %arg5[%mul3A_2, %dma_wait3A_2131] : memref<16384x64xf32, #tpu.memory_space<hbm>> -> memref<16x64xf32, #tpu.memory_space<hbm>>
        %dma_wait3A_2133 = arith.constant 0 : i32
        %dma_wait3A_2134 = tpu.memref_slice %arg5[%mul3A_2, %dma_wait3A_2133] : memref<16384x64xf32, #tpu.memory_space<hbm>> -> memref<16x64xf32, #tpu.memory_space<hbm>>
        %dma_wait3A_2135 = arith.constant 0 : i32
        %dma_wait3A_2136 = arith.constant 0 : i32
        %dma_wait3A_2137 = tpu.memref_slice %arg7[%dma_wait3A_2135, %dma_wait3A_2136] : memref<64x64xf32, #tpu.memory_space<vmem>> -> memref<16x64xf32, #tpu.memory_space<vmem>>
        tpu.wait_dma2 semaphore(%arg25 : memref<!tpu.dma_semaphore, #tpu.memory_space<semaphore_mem>>) src(%dma_wait3A_2137 : memref<16x64xf32, #tpu.memory_space<vmem>>) dst(%dma_wait3A_2134 : memref<16x64xf32, #tpu.memory_space<hbm>>)
      } else {
      }
      %mul3A_409 = arith.constant 16 : i32
      %mul3A_410 = arith.muli %scan3A_392, %mul3A_409 : i32
      %add3A_411 = arith.constant 0 : i32
      %add3A_412 = arith.addi %mul3A_410, %add3A_411 : i32
      %dma_wait3A_413 = arith.constant 0 : i32
      %dma_wait3A_414 = arith.constant 0 : i32
      %dma_wait3A_415 = tpu.memref_slice %arg2[%dma_wait3A_413, %dma_wait3A_414] : memref<64x1000000xf32, #tpu.memory_space<hbm>> -> memref<64x128xf32, #tpu.memory_space<hbm>>
      %dma_wait3A_416 = arith.constant 0 : i32
      %dma_wait3A_417 = arith.constant 0 : i32
      %dma_wait3A_418 = tpu.memref_slice %arg2[%dma_wait3A_416, %dma_wait3A_417] : memref<64x1000000xf32, #tpu.memory_space<hbm>> -> memref<64x128xf32, #tpu.memory_space<hbm>>
      tpu.wait_dma2 semaphore(%arg17 : memref<!tpu.dma_semaphore, #tpu.memory_space<semaphore_mem>>) src(%dma_wait3A_418 : memref<64x128xf32, #tpu.memory_space<hbm>>) dst(%arg9 : memref<64x128xf32, #tpu.memory_space<vmem>>)
      %slice3A_419 = vector.extract_strided_slice %get3A_396 {offsets = [0], sizes = [1], strides = [1]} : vector<16xi32> to vector<1xi32>
      %squeeze3A_420 = vector.extract %slice3A_419[0] : i32 from vector<1xi32>
      %jit3A_421 = arith.constant 128 : i32
      %eq3A = arith.constant 0 : i32
      %eq3A_422 = arith.cmpi eq, %jit3A_421, %eq3A : i32
      %jit3A_423 = arith.constant 1 : i32
      %select_n3A_424 = arith.select %eq3A_422, %jit3A_423, %jit3A_421 : i32
      %rem3A_425 = arith.remsi %squeeze3A_420, %select_n3A_424 : i32
      %ne3A_426 = arith.constant 0 : i32
      %ne3A_427 = arith.cmpi ne, %rem3A_425, %ne3A_426 : i32
      %lt3A = arith.constant 0 : i32
      %lt3A_428 = arith.cmpi slt, %rem3A_425, %lt3A : i32
      %lt3A_429 = arith.constant 0 : i32
      %lt3A_430 = arith.cmpi slt, %select_n3A_424, %lt3A_429 : i32
      %ne3A_431 = arith.xori %lt3A_428, %lt3A_430 : i1
      %and3A_432 = arith.andi %ne3A_431, %ne3A_427 : i1
      %add3A_433 = arith.addi %rem3A_425, %select_n3A_424 : i32
      %select_n3A_434 = arith.select %and3A_432, %add3A_433, %rem3A_425 : i32
      %mul3A_435 = vector.broadcast %select_n3A_434 : i32 to vector<16xi32>
      %mul3A_436 = arith.muli %add3A_15, %mul3A_435 : vector<16xi32>
      %add3A_437 = arith.constant 0 : i32
      %add3A_438 = vector.broadcast %add3A_437 : i32 to vector<16xi32>
      %add3A_439 = arith.addi %iota3A, %add3A_438 : vector<16xi32>
      %gather3A = tpu.vector_load_idx %arg9[%add3A_439, %mul3A_436] : memref<64x128xf32, #tpu.memory_space<vmem>>[vector<16xi32>, vector<16xi32>], vector<16xf32>,
      %add3A_440 = arith.addf %gather3A, %get3A_3 : vector<16xf32>
      %add3A_441 = arith.constant 0 : i32
      %add3A_442 = arith.addi %mul3A_406, %add3A_441 : i32
      %swap3A = arith.index_cast %add3A_442 : i32 to index
      %swap3A_443 = arith.constant 0 : index
      %swap3A_444 = tpu.vector_load %arg7[%swap3A, %swap3A_443] {strides = array<i32>} : memref<64x64xf32, #tpu.memory_space<vmem>>, vector<16xf32>,
      tpu.vector_store %arg7[%swap3A, %swap3A_443], %add3A_440 {strides = array<i32>} : memref<64x64xf32, #tpu.memory_space<vmem>>, vector<16xf32>,
      %add3A_445 = arith.constant 16 : i32
      %add3A_446 = vector.broadcast %add3A_445 : i32 to vector<16xi32>
      %add3A_447 = arith.addi %iota3A, %add3A_446 : vector<16xi32>
      %gather3A_448 = tpu.vector_load_idx %arg9[%add3A_447, %mul3A_436] : memref<64x128xf32, #tpu.memory_space<vmem>>[vector<16xi32>, vector<16xi32>], vector<16xf32>,
      %add3A_449 = arith.addf %gather3A_448, %get3A_5 : vector<16xf32>
      %add3A_450 = arith.constant 0 : i32
      %add3A_451 = arith.addi %mul3A_406, %add3A_450 : i32
      %swap3A_452 = arith.index_cast %add3A_451 : i32 to index
      %swap3A_453 = arith.constant 16 : index
      %swap3A_454 = tpu.vector_load %arg7[%swap3A_452, %swap3A_453] {strides = array<i32>} : memref<64x64xf32, #tpu.memory_space<vmem>>, vector<16xf32>,
      tpu.vector_store %arg7[%swap3A_452, %swap3A_453], %add3A_449 {strides = array<i32>} : memref<64x64xf32, #tpu.memory_space<vmem>>, vector<16xf32>,
      %add3A_455 = arith.constant 32 : i32
      %add3A_456 = vector.broadcast %add3A_455 : i32 to vector<16xi32>
      %add3A_457 = arith.addi %iota3A, %add3A_456 : vector<16xi32>
      %gather3A_458 = tpu.vector_load_idx %arg9[%add3A_457, %mul3A_436] : memref<64x128xf32, #tpu.memory_space<vmem>>[vector<16xi32>, vector<16xi32>], vector<16xf32>,
      %add3A_459 = arith.addf %gather3A_458, %get3A_7 : vector<16xf32>
      %add3A_460 = arith.constant 0 : i32
      %add3A_461 = arith.addi %mul3A_406, %add3A_460 : i32
      %swap3A_462 = arith.index_cast %add3A_461 : i32 to index
      %swap3A_463 = arith.constant 32 : index
      %swap3A_464 = tpu.vector_load %arg7[%swap3A_462, %swap3A_463] {strides = array<i32>} : memref<64x64xf32, #tpu.memory_space<vmem>>, vector<16xf32>,
      tpu.vector_store %arg7[%swap3A_462, %swap3A_463], %add3A_459 {strides = array<i32>} : memref<64x64xf32, #tpu.memory_space<vmem>>, vector<16xf32>,
      %add3A_465 = arith.constant 48 : i32
      %add3A_466 = vector.broadcast %add3A_465 : i32 to vector<16xi32>
      %add3A_467 = arith.addi %iota3A, %add3A_466 : vector<16xi32>
      %gather3A_468 = tpu.vector_load_idx %arg9[%add3A_467, %mul3A_436] : memref<64x128xf32, #tpu.memory_space<vmem>>[vector<16xi32>, vector<16xi32>], vector<16xf32>,
      %add3A_469 = arith.addf %gather3A_468, %get3A_9 : vector<16xf32>
      %add3A_470 = arith.constant 0 : i32
      %add3A_471 = arith.addi %mul3A_406, %add3A_470 : i32
      %swap3A_472 = arith.index_cast %add3A_471 : i32 to index
      %swap3A_473 = arith.constant 48 : index
      %swap3A_474 = tpu.vector_load %arg7[%swap3A_472, %swap3A_473] {strides = array<i32>} : memref<64x64xf32, #tpu.memory_space<vmem>>, vector<16xf32>,
      tpu.vector_store %arg7[%swap3A_472, %swap3A_473], %add3A_469 {strides = array<i32>} : memref<64x64xf32, #tpu.memory_space<vmem>>, vector<16xf32>,
      %slice3A_475 = vector.extract_strided_slice %get3A_396 {offsets = [8], sizes = [1], strides = [1]} : vector<16xi32> to vector<1xi32>
      %squeeze3A_476 = vector.extract %slice3A_475[0] : i32 from vector<1xi32>
      %max3A_477 = arith.constant 0 : i32
      %max3A_478 = arith.maxsi %squeeze3A_476, %max3A_477 : i32
      %min3A_479 = arith.constant 999999 : i32
      %min3A_480 = arith.minsi %max3A_478, %min3A_479 : i32
      %jit3A_481 = arith.constant 128 : i32
      %div3A_482 = arith.divsi %min3A_480, %jit3A_481 : i32
      %sign3A_483 = arith.constant 0 : i32
      %sign3A_484 = arith.cmpi sgt, %min3A_480, %sign3A_483 : i32
      %sign3A_485 = arith.extui %sign3A_484 : i1 to i32
      %sign3A_486 = arith.constant 0 : i32
      %sign3A_487 = arith.cmpi slt, %min3A_480, %sign3A_486 : i32
      %sign3A_488 = arith.extui %sign3A_487 : i1 to i32
      %sign3A_489 = arith.subi %sign3A_485, %sign3A_488 : i32
      %sign3A_490 = arith.constant 0 : i32
      %sign3A_491 = arith.cmpi sgt, %jit3A_481, %sign3A_490 : i32
      %sign3A_492 = arith.extui %sign3A_491 : i1 to i32
      %sign3A_493 = arith.constant 0 : i32
      %sign3A_494 = arith.cmpi slt, %jit3A_481, %sign3A_493 : i32
      %sign3A_495 = arith.extui %sign3A_494 : i1 to i32
      %sign3A_496 = arith.subi %sign3A_492, %sign3A_495 : i32
      %ne3A_497 = arith.cmpi ne, %sign3A_489, %sign3A_496 : i32
      %rem3A_498 = arith.remsi %min3A_480, %jit3A_481 : i32
      %ne3A_499 = arith.constant 0 : i32
      %ne3A_500 = arith.cmpi ne, %rem3A_498, %ne3A_499 : i32
      %and3A_501 = arith.andi %ne3A_497, %ne3A_500 : i1
      %sub3A_502 = arith.constant 1 : i32
      %sub3A_503 = arith.subi %div3A_482, %sub3A_502 : i32
      %select_n3A_504 = arith.select %and3A_501, %sub3A_503, %div3A_482 : i32
      %mul3A_505 = arith.constant 128 : i32
      %mul3A_506 = arith.muli %select_n3A_504, %mul3A_505 : i32
      %multiple_of3A_507 = tpu.assume_multiple %mul3A_506, 128 : i32
      %dma_start3A_508 = arith.constant 0 : i32
      %dma_start3A_509 = tpu.memref_slice %arg2[%dma_start3A_508, %multiple_of3A_507] : memref<64x1000000xf32, #tpu.memory_space<hbm>> -> memref<64x128xf32, #tpu.memory_space<hbm>>
      %dma_start3A_510 = arith.constant 0 : i32
      %dma_start3A_511 = tpu.memref_slice %arg2[%dma_start3A_510, %multiple_of3A_507] : memref<64x1000000xf32, #tpu.memory_space<hbm>> -> memref<64x128xf32, #tpu.memory_space<hbm>>
      tpu.enqueue_dma source(%dma_start3A_511 : memref<64x128xf32, #tpu.memory_space<hbm>>) target(%arg9 : memref<64x128xf32, #tpu.memory_space<vmem>>) target_semaphore(%arg17 : memref<!tpu.dma_semaphore, #tpu.memory_space<semaphore_mem>>)
      %mul3A_512 = arith.constant 16 : i32
      %mul3A_513 = arith.muli %scan3A_392, %mul3A_512 : i32
      %add3A_514 = arith.constant 1 : i32
      %add3A_515 = arith.addi %mul3A_513, %add3A_514 : i32
      %dma_wait3A_516 = arith.constant 0 : i32
      %dma_wait3A_517 = arith.constant 0 : i32
      %dma_wait3A_518 = tpu.memref_slice %arg2[%dma_wait3A_516, %dma_wait3A_517] : memref<64x1000000xf32, #tpu.memory_space<hbm>> -> memref<64x128xf32, #tpu.memory_space<hbm>>
      %dma_wait3A_519 = arith.constant 0 : i32
      %dma_wait3A_520 = arith.constant 0 : i32
      %dma_wait3A_521 = tpu.memref_slice %arg2[%dma_wait3A_519, %dma_wait3A_520] : memref<64x1000000xf32, #tpu.memory_space<hbm>> -> memref<64x128xf32, #tpu.memory_space<hbm>>
      tpu.wait_dma2 semaphore(%arg18 : memref<!tpu.dma_semaphore, #tpu.memory_space<semaphore_mem>>) src(%dma_wait3A_521 : memref<64x128xf32, #tpu.memory_space<hbm>>) dst(%arg10 : memref<64x128xf32, #tpu.memory_space<vmem>>)
      %slice3A_522 = vector.extract_strided_slice %get3A_396 {offsets = [1], sizes = [1], strides = [1]} : vector<16xi32> to vector<1xi32>
      %squeeze3A_523 = vector.extract %slice3A_522[0] : i32 from vector<1xi32>
      %jit3A_524 = arith.constant 128 : i32
      %eq3A_525 = arith.constant 0 : i32
      %eq3A_526 = arith.cmpi eq, %jit3A_524, %eq3A_525 : i32
      %jit3A_527 = arith.constant 1 : i32
      %select_n3A_528 = arith.select %eq3A_526, %jit3A_527, %jit3A_524 : i32
      %rem3A_529 = arith.remsi %squeeze3A_523, %select_n3A_528 : i32
      %ne3A_530 = arith.constant 0 : i32
      %ne3A_531 = arith.cmpi ne, %rem3A_529, %ne3A_530 : i32
      %lt3A_532 = arith.constant 0 : i32
      %lt3A_533 = arith.cmpi slt, %rem3A_529, %lt3A_532 : i32
      %lt3A_534 = arith.constant 0 : i32
      %lt3A_535 = arith.cmpi slt, %select_n3A_528, %lt3A_534 : i32
      %ne3A_536 = arith.xori %lt3A_533, %lt3A_535 : i1
      %and3A_537 = arith.andi %ne3A_536, %ne3A_531 : i1
      %add3A_538 = arith.addi %rem3A_529, %select_n3A_528 : i32
      %select_n3A_539 = arith.select %and3A_537, %add3A_538, %rem3A_529 : i32
      %mul3A_540 = vector.broadcast %select_n3A_539 : i32 to vector<16xi32>
      %mul3A_541 = arith.muli %add3A_15, %mul3A_540 : vector<16xi32>
      %add3A_542 = arith.constant 0 : i32
      %add3A_543 = vector.broadcast %add3A_542 : i32 to vector<16xi32>
      %add3A_544 = arith.addi %iota3A, %add3A_543 : vector<16xi32>
      %gather3A_545 = tpu.vector_load_idx %arg10[%add3A_544, %mul3A_541] : memref<64x128xf32, #tpu.memory_space<vmem>>[vector<16xi32>, vector<16xi32>], vector<16xf32>,
      %add3A_546 = arith.addf %gather3A_545, %get3A_3 : vector<16xf32>
      %add3A_547 = arith.constant 1 : i32
      %add3A_548 = arith.addi %mul3A_406, %add3A_547 : i32
      %swap3A_549 = arith.index_cast %add3A_548 : i32 to index
      %swap3A_550 = arith.constant 0 : index
      %swap3A_551 = tpu.vector_load %arg7[%swap3A_549, %swap3A_550] {strides = array<i32>} : memref<64x64xf32, #tpu.memory_space<vmem>>, vector<16xf32>,
      tpu.vector_store %arg7[%swap3A_549, %swap3A_550], %add3A_546 {strides = array<i32>} : memref<64x64xf32, #tpu.memory_space<vmem>>, vector<16xf32>,
      %add3A_552 = arith.constant 16 : i32
      %add3A_553 = vector.broadcast %add3A_552 : i32 to vector<16xi32>
      %add3A_554 = arith.addi %iota3A, %add3A_553 : vector<16xi32>
      %gather3A_555 = tpu.vector_load_idx %arg10[%add3A_554, %mul3A_541] : memref<64x128xf32, #tpu.memory_space<vmem>>[vector<16xi32>, vector<16xi32>], vector<16xf32>,
      %add3A_556 = arith.addf %gather3A_555, %get3A_5 : vector<16xf32>
      %add3A_557 = arith.constant 1 : i32
      %add3A_558 = arith.addi %mul3A_406, %add3A_557 : i32
      %swap3A_559 = arith.index_cast %add3A_558 : i32 to index
      %swap3A_560 = arith.constant 16 : index
      %swap3A_561 = tpu.vector_load %arg7[%swap3A_559, %swap3A_560] {strides = array<i32>} : memref<64x64xf32, #tpu.memory_space<vmem>>, vector<16xf32>,
      tpu.vector_store %arg7[%swap3A_559, %swap3A_560], %add3A_556 {strides = array<i32>} : memref<64x64xf32, #tpu.memory_space<vmem>>, vector<16xf32>,
      %add3A_562 = arith.constant 32 : i32
      %add3A_563 = vector.broadcast %add3A_562 : i32 to vector<16xi32>
      %add3A_564 = arith.addi %iota3A, %add3A_563 : vector<16xi32>
      %gather3A_565 = tpu.vector_load_idx %arg10[%add3A_564, %mul3A_541] : memref<64x128xf32, #tpu.memory_space<vmem>>[vector<16xi32>, vector<16xi32>], vector<16xf32>,
      %add3A_566 = arith.addf %gather3A_565, %get3A_7 : vector<16xf32>
      %add3A_567 = arith.constant 1 : i32
      %add3A_568 = arith.addi %mul3A_406, %add3A_567 : i32
      %swap3A_569 = arith.index_cast %add3A_568 : i32 to index
      %swap3A_570 = arith.constant 32 : index
      %swap3A_571 = tpu.vector_load %arg7[%swap3A_569, %swap3A_570] {strides = array<i32>} : memref<64x64xf32, #tpu.memory_space<vmem>>, vector<16xf32>,
      tpu.vector_store %arg7[%swap3A_569, %swap3A_570], %add3A_566 {strides = array<i32>} : memref<64x64xf32, #tpu.memory_space<vmem>>, vector<16xf32>,
      %add3A_572 = arith.constant 48 : i32
      %add3A_573 = vector.broadcast %add3A_572 : i32 to vector<16xi32>
      %add3A_574 = arith.addi %iota3A, %add3A_573 : vector<16xi32>
      %gather3A_575 = tpu.vector_load_idx %arg10[%add3A_574, %mul3A_541] : memref<64x128xf32, #tpu.memory_space<vmem>>[vector<16xi32>, vector<16xi32>], vector<16xf32>,
      %add3A_576 = arith.addf %gather3A_575, %get3A_9 : vector<16xf32>
      %add3A_577 = arith.constant 1 : i32
      %add3A_578 = arith.addi %mul3A_406, %add3A_577 : i32
      %swap3A_579 = arith.index_cast %add3A_578 : i32 to index
      %swap3A_580 = arith.constant 48 : index
      %swap3A_581 = tpu.vector_load %arg7[%swap3A_579, %swap3A_580] {strides = array<i32>} : memref<64x64xf32, #tpu.memory_space<vmem>>, vector<16xf32>,
      tpu.vector_store %arg7[%swap3A_579, %swap3A_580], %add3A_576 {strides = array<i32>} : memref<64x64xf32, #tpu.memory_space<vmem>>, vector<16xf32>,
      %slice3A_582 = vector.extract_strided_slice %get3A_396 {offsets = [9], sizes = [1], strides = [1]} : vector<16xi32> to vector<1xi32>
      %squeeze3A_583 = vector.extract %slice3A_582[0] : i32 from vector<1xi32>
      %max3A_584 = arith.constant 0 : i32
      %max3A_585 = arith.maxsi %squeeze3A_583, %max3A_584 : i32
      %min3A_586 = arith.constant 999999 : i32
      %min3A_587 = arith.minsi %max3A_585, %min3A_586 : i32
      %jit3A_588 = arith.constant 128 : i32
      %div3A_589 = arith.divsi %min3A_587, %jit3A_588 : i32
      %sign3A_590 = arith.constant 0 : i32
      %sign3A_591 = arith.cmpi sgt, %min3A_587, %sign3A_590 : i32
      %sign3A_592 = arith.extui %sign3A_591 : i1 to i32
      %sign3A_593 = arith.constant 0 : i32
      %sign3A_594 = arith.cmpi slt, %min3A_587, %sign3A_593 : i32
      %sign3A_595 = arith.extui %sign3A_594 : i1 to i32
      %sign3A_596 = arith.subi %sign3A_592, %sign3A_595 : i32
      %sign3A_597 = arith.constant 0 : i32
      %sign3A_598 = arith.cmpi sgt, %jit3A_588, %sign3A_597 : i32
      %sign3A_599 = arith.extui %sign3A_598 : i1 to i32
      %sign3A_600 = arith.constant 0 : i32
      %sign3A_601 = arith.cmpi slt, %jit3A_588, %sign3A_600 : i32
      %sign3A_602 = arith.extui %sign3A_601 : i1 to i32
      %sign3A_603 = arith.subi %sign3A_599, %sign3A_602 : i32
      %ne3A_604 = arith.cmpi ne, %sign3A_596, %sign3A_603 : i32
      %rem3A_605 = arith.remsi %min3A_587, %jit3A_588 : i32
      %ne3A_606 = arith.constant 0 : i32
      %ne3A_607 = arith.cmpi ne, %rem3A_605, %ne3A_606 : i32
      %and3A_608 = arith.andi %ne3A_604, %ne3A_607 : i1
      %sub3A_609 = arith.constant 1 : i32
      %sub3A_610 = arith.subi %div3A_589, %sub3A_609 : i32
      %select_n3A_611 = arith.select %and3A_608, %sub3A_610, %div3A_589 : i32
      %mul3A_612 = arith.constant 128 : i32
      %mul3A_613 = arith.muli %select_n3A_611, %mul3A_612 : i32
      %multiple_of3A_614 = tpu.assume_multiple %mul3A_613, 128 : i32
      %dma_start3A_615 = arith.constant 0 : i32
      %dma_start3A_616 = tpu.memref_slice %arg2[%dma_start3A_615, %multiple_of3A_614] : memref<64x1000000xf32, #tpu.memory_space<hbm>> -> memref<64x128xf32, #tpu.memory_space<hbm>>
      %dma_start3A_617 = arith.constant 0 : i32
      %dma_start3A_618 = tpu.memref_slice %arg2[%dma_start3A_617, %multiple_of3A_614] : memref<64x1000000xf32, #tpu.memory_space<hbm>> -> memref<64x128xf32, #tpu.memory_space<hbm>>
      tpu.enqueue_dma source(%dma_start3A_618 : memref<64x128xf32, #tpu.memory_space<hbm>>) target(%arg10 : memref<64x128xf32, #tpu.memory_space<vmem>>) target_semaphore(%arg18 : memref<!tpu.dma_semaphore, #tpu.memory_space<semaphore_mem>>)
      %mul3A_619 = arith.constant 16 : i32
      %mul3A_620 = arith.muli %scan3A_392, %mul3A_619 : i32
      %add3A_621 = arith.constant 2 : i32
      %add3A_622 = arith.addi %mul3A_620, %add3A_621 : i32
      %dma_wait3A_623 = arith.constant 0 : i32
      %dma_wait3A_624 = arith.constant 0 : i32
      %dma_wait3A_625 = tpu.memref_slice %arg2[%dma_wait3A_623, %dma_wait3A_624] : memref<64x1000000xf32, #tpu.memory_space<hbm>> -> memref<64x128xf32, #tpu.memory_space<hbm>>
      %dma_wait3A_626 = arith.constant 0 : i32
      %dma_wait3A_627 = arith.constant 0 : i32
      %dma_wait3A_628 = tpu.memref_slice %arg2[%dma_wait3A_626, %dma_wait3A_627] : memref<64x1000000xf32, #tpu.memory_space<hbm>> -> memref<64x128xf32, #tpu.memory_space<hbm>>
      tpu.wait_dma2 semaphore(%arg19 : memref<!tpu.dma_semaphore, #tpu.memory_space<semaphore_mem>>) src(%dma_wait3A_628 : memref<64x128xf32, #tpu.memory_space<hbm>>) dst(%arg11 : memref<64x128xf32, #tpu.memory_space<vmem>>)
      %slice3A_629 = vector.extract_strided_slice %get3A_396 {offsets = [2], sizes = [1], strides = [1]} : vector<16xi32> to vector<1xi32>
      %squeeze3A_630 = vector.extract %slice3A_629[0] : i32 from vector<1xi32>
      %jit3A_631 = arith.constant 128 : i32
      %eq3A_632 = arith.constant 0 : i32
      %eq3A_633 = arith.cmpi eq, %jit3A_631, %eq3A_632 : i32
      %jit3A_634 = arith.constant 1 : i32
      %select_n3A_635 = arith.select %eq3A_633, %jit3A_634, %jit3A_631 : i32
      %rem3A_636 = arith.remsi %squeeze3A_630, %select_n3A_635 : i32
      %ne3A_637 = arith.constant 0 : i32
      %ne3A_638 = arith.cmpi ne, %rem3A_636, %ne3A_637 : i32
      %lt3A_639 = arith.constant 0 : i32
      %lt3A_640 = arith.cmpi slt, %rem3A_636, %lt3A_639 : i32
      %lt3A_641 = arith.constant 0 : i32
      %lt3A_642 = arith.cmpi slt, %select_n3A_635, %lt3A_641 : i32
      %ne3A_643 = arith.xori %lt3A_640, %lt3A_642 : i1
      %and3A_644 = arith.andi %ne3A_643, %ne3A_638 : i1
      %add3A_645 = arith.addi %rem3A_636, %select_n3A_635 : i32
      %select_n3A_646 = arith.select %and3A_644, %add3A_645, %rem3A_636 : i32
      %mul3A_647 = vector.broadcast %select_n3A_646 : i32 to vector<16xi32>
      %mul3A_648 = arith.muli %add3A_15, %mul3A_647 : vector<16xi32>
      %add3A_649 = arith.constant 0 : i32
      %add3A_650 = vector.broadcast %add3A_649 : i32 to vector<16xi32>
      %add3A_651 = arith.addi %iota3A, %add3A_650 : vector<16xi32>
      %gather3A_652 = tpu.vector_load_idx %arg11[%add3A_651, %mul3A_648] : memref<64x128xf32, #tpu.memory_space<vmem>>[vector<16xi32>, vector<16xi32>], vector<16xf32>,
      %add3A_653 = arith.addf %gather3A_652, %get3A_3 : vector<16xf32>
      %add3A_654 = arith.constant 2 : i32
      %add3A_655 = arith.addi %mul3A_406, %add3A_654 : i32
      %swap3A_656 = arith.index_cast %add3A_655 : i32 to index
      %swap3A_657 = arith.constant 0 : index
      %swap3A_658 = tpu.vector_load %arg7[%swap3A_656, %swap3A_657] {strides = array<i32>} : memref<64x64xf32, #tpu.memory_space<vmem>>, vector<16xf32>,
      tpu.vector_store %arg7[%swap3A_656, %swap3A_657], %add3A_653 {strides = array<i32>} : memref<64x64xf32, #tpu.memory_space<vmem>>, vector<16xf32>,
      %add3A_659 = arith.constant 16 : i32
      %add3A_660 = vector.broadcast %add3A_659 : i32 to vector<16xi32>
      %add3A_661 = arith.addi %iota3A, %add3A_660 : vector<16xi32>
      %gather3A_662 = tpu.vector_load_idx %arg11[%add3A_661, %mul3A_648] : memref<64x128xf32, #tpu.memory_space<vmem>>[vector<16xi32>, vector<16xi32>], vector<16xf32>,
      %add3A_663 = arith.addf %gather3A_662, %get3A_5 : vector<16xf32>
      %add3A_664 = arith.constant 2 : i32
      %add3A_665 = arith.addi %mul3A_406, %add3A_664 : i32
      %swap3A_666 = arith.index_cast %add3A_665 : i32 to index
      %swap3A_667 = arith.constant 16 : index
      %swap3A_668 = tpu.vector_load %arg7[%swap3A_666, %swap3A_667] {strides = array<i32>} : memref<64x64xf32, #tpu.memory_space<vmem>>, vector<16xf32>,
      tpu.vector_store %arg7[%swap3A_666, %swap3A_667], %add3A_663 {strides = array<i32>} : memref<64x64xf32, #tpu.memory_space<vmem>>, vector<16xf32>,
      %add3A_669 = arith.constant 32 : i32
      %add3A_670 = vector.broadcast %add3A_669 : i32 to vector<16xi32>
      %add3A_671 = arith.addi %iota3A, %add3A_670 : vector<16xi32>
      %gather3A_672 = tpu.vector_load_idx %arg11[%add3A_671, %mul3A_648] : memref<64x128xf32, #tpu.memory_space<vmem>>[vector<16xi32>, vector<16xi32>], vector<16xf32>,
      %add3A_673 = arith.addf %gather3A_672, %get3A_7 : vector<16xf32>
      %add3A_674 = arith.constant 2 : i32
      %add3A_675 = arith.addi %mul3A_406, %add3A_674 : i32
      %swap3A_676 = arith.index_cast %add3A_675 : i32 to index
      %swap3A_677 = arith.constant 32 : index
      %swap3A_678 = tpu.vector_load %arg7[%swap3A_676, %swap3A_677] {strides = array<i32>} : memref<64x64xf32, #tpu.memory_space<vmem>>, vector<16xf32>,
      tpu.vector_store %arg7[%swap3A_676, %swap3A_677], %add3A_673 {strides = array<i32>} : memref<64x64xf32, #tpu.memory_space<vmem>>, vector<16xf32>,
      %add3A_679 = arith.constant 48 : i32
      %add3A_680 = vector.broadcast %add3A_679 : i32 to vector<16xi32>
      %add3A_681 = arith.addi %iota3A, %add3A_680 : vector<16xi32>
      %gather3A_682 = tpu.vector_load_idx %arg11[%add3A_681, %mul3A_648] : memref<64x128xf32, #tpu.memory_space<vmem>>[vector<16xi32>, vector<16xi32>], vector<16xf32>,
      %add3A_683 = arith.addf %gather3A_682, %get3A_9 : vector<16xf32>
      %add3A_684 = arith.constant 2 : i32
      %add3A_685 = arith.addi %mul3A_406, %add3A_684 : i32
      %swap3A_686 = arith.index_cast %add3A_685 : i32 to index
      %swap3A_687 = arith.constant 48 : index
      %swap3A_688 = tpu.vector_load %arg7[%swap3A_686, %swap3A_687] {strides = array<i32>} : memref<64x64xf32, #tpu.memory_space<vmem>>, vector<16xf32>,
      tpu.vector_store %arg7[%swap3A_686, %swap3A_687], %add3A_683 {strides = array<i32>} : memref<64x64xf32, #tpu.memory_space<vmem>>, vector<16xf32>,
      %slice3A_689 = vector.extract_strided_slice %get3A_396 {offsets = [10], sizes = [1], strides = [1]} : vector<16xi32> to vector<1xi32>
      %squeeze3A_690 = vector.extract %slice3A_689[0] : i32 from vector<1xi32>
      %max3A_691 = arith.constant 0 : i32
      %max3A_692 = arith.maxsi %squeeze3A_690, %max3A_691 : i32
      %min3A_693 = arith.constant 999999 : i32
      %min3A_694 = arith.minsi %max3A_692, %min3A_693 : i32
      %jit3A_695 = arith.constant 128 : i32
      %div3A_696 = arith.divsi %min3A_694, %jit3A_695 : i32
      %sign3A_697 = arith.constant 0 : i32
      %sign3A_698 = arith.cmpi sgt, %min3A_694, %sign3A_697 : i32
      %sign3A_699 = arith.extui %sign3A_698 : i1 to i32
      %sign3A_700 = arith.constant 0 : i32
      %sign3A_701 = arith.cmpi slt, %min3A_694, %sign3A_700 : i32
      %sign3A_702 = arith.extui %sign3A_701 : i1 to i32
      %sign3A_703 = arith.subi %sign3A_699, %sign3A_702 : i32
      %sign3A_704 = arith.constant 0 : i32
      %sign3A_705 = arith.cmpi sgt, %jit3A_695, %sign3A_704 : i32
      %sign3A_706 = arith.extui %sign3A_705 : i1 to i32
      %sign3A_707 = arith.constant 0 : i32
      %sign3A_708 = arith.cmpi slt, %jit3A_695, %sign3A_707 : i32
      %sign3A_709 = arith.extui %sign3A_708 : i1 to i32
      %sign3A_710 = arith.subi %sign3A_706, %sign3A_709 : i32
      %ne3A_711 = arith.cmpi ne, %sign3A_703, %sign3A_710 : i32
      %rem3A_712 = arith.remsi %min3A_694, %jit3A_695 : i32
      %ne3A_713 = arith.constant 0 : i32
      %ne3A_714 = arith.cmpi ne, %rem3A_712, %ne3A_713 : i32
      %and3A_715 = arith.andi %ne3A_711, %ne3A_714 : i1
      %sub3A_716 = arith.constant 1 : i32
      %sub3A_717 = arith.subi %div3A_696, %sub3A_716 : i32
      %select_n3A_718 = arith.select %and3A_715, %sub3A_717, %div3A_696 : i32
      %mul3A_719 = arith.constant 128 : i32
      %mul3A_720 = arith.muli %select_n3A_718, %mul3A_719 : i32
      %multiple_of3A_721 = tpu.assume_multiple %mul3A_720, 128 : i32
      %dma_start3A_722 = arith.constant 0 : i32
      %dma_start3A_723 = tpu.memref_slice %arg2[%dma_start3A_722, %multiple_of3A_721] : memref<64x1000000xf32, #tpu.memory_space<hbm>> -> memref<64x128xf32, #tpu.memory_space<hbm>>
      %dma_start3A_724 = arith.constant 0 : i32
      %dma_start3A_725 = tpu.memref_slice %arg2[%dma_start3A_724, %multiple_of3A_721] : memref<64x1000000xf32, #tpu.memory_space<hbm>> -> memref<64x128xf32, #tpu.memory_space<hbm>>
      tpu.enqueue_dma source(%dma_start3A_725 : memref<64x128xf32, #tpu.memory_space<hbm>>) target(%arg11 : memref<64x128xf32, #tpu.memory_space<vmem>>) target_semaphore(%arg19 : memref<!tpu.dma_semaphore, #tpu.memory_space<semaphore_mem>>)
      %mul3A_726 = arith.constant 16 : i32
      %mul3A_727 = arith.muli %scan3A_392, %mul3A_726 : i32
      %add3A_728 = arith.constant 3 : i32
      %add3A_729 = arith.addi %mul3A_727, %add3A_728 : i32
      %dma_wait3A_730 = arith.constant 0 : i32
      %dma_wait3A_731 = arith.constant 0 : i32
      %dma_wait3A_732 = tpu.memref_slice %arg2[%dma_wait3A_730, %dma_wait3A_731] : memref<64x1000000xf32, #tpu.memory_space<hbm>> -> memref<64x128xf32, #tpu.memory_space<hbm>>
      %dma_wait3A_733 = arith.constant 0 : i32
      %dma_wait3A_734 = arith.constant 0 : i32
      %dma_wait3A_735 = tpu.memref_slice %arg2[%dma_wait3A_733, %dma_wait3A_734] : memref<64x1000000xf32, #tpu.memory_space<hbm>> -> memref<64x128xf32, #tpu.memory_space<hbm>>
      tpu.wait_dma2 semaphore(%arg20 : memref<!tpu.dma_semaphore, #tpu.memory_space<semaphore_mem>>) src(%dma_wait3A_735 : memref<64x128xf32, #tpu.memory_space<hbm>>) dst(%arg12 : memref<64x128xf32, #tpu.memory_space<vmem>>)
      %slice3A_736 = vector.extract_strided_slice %get3A_396 {offsets = [3], sizes = [1], strides = [1]} : vector<16xi32> to vector<1xi32>
      %squeeze3A_737 = vector.extract %slice3A_736[0] : i32 from vector<1xi32>
      %jit3A_738 = arith.constant 128 : i32
      %eq3A_739 = arith.constant 0 : i32
      %eq3A_740 = arith.cmpi eq, %jit3A_738, %eq3A_739 : i32
      %jit3A_741 = arith.constant 1 : i32
      %select_n3A_742 = arith.select %eq3A_740, %jit3A_741, %jit3A_738 : i32
      %rem3A_743 = arith.remsi %squeeze3A_737, %select_n3A_742 : i32
      %ne3A_744 = arith.constant 0 : i32
      %ne3A_745 = arith.cmpi ne, %rem3A_743, %ne3A_744 : i32
      %lt3A_746 = arith.constant 0 : i32
      %lt3A_747 = arith.cmpi slt, %rem3A_743, %lt3A_746 : i32
      %lt3A_748 = arith.constant 0 : i32
      %lt3A_749 = arith.cmpi slt, %select_n3A_742, %lt3A_748 : i32
      %ne3A_750 = arith.xori %lt3A_747, %lt3A_749 : i1
      %and3A_751 = arith.andi %ne3A_750, %ne3A_745 : i1
      %add3A_752 = arith.addi %rem3A_743, %select_n3A_742 : i32
      %select_n3A_753 = arith.select %and3A_751, %add3A_752, %rem3A_743 : i32
      %mul3A_754 = vector.broadcast %select_n3A_753 : i32 to vector<16xi32>
      %mul3A_755 = arith.muli %add3A_15, %mul3A_754 : vector<16xi32>
      %add3A_756 = arith.constant 0 : i32
      %add3A_757 = vector.broadcast %add3A_756 : i32 to vector<16xi32>
      %add3A_758 = arith.addi %iota3A, %add3A_757 : vector<16xi32>
      %gather3A_759 = tpu.vector_load_idx %arg12[%add3A_758, %mul3A_755] : memref<64x128xf32, #tpu.memory_space<vmem>>[vector<16xi32>, vector<16xi32>], vector<16xf32>,
      %add3A_760 = arith.addf %gather3A_759, %get3A_3 : vector<16xf32>
      %add3A_761 = arith.constant 3 : i32
      %add3A_762 = arith.addi %mul3A_406, %add3A_761 : i32
      %swap3A_763 = arith.index_cast %add3A_762 : i32 to index
      %swap3A_764 = arith.constant 0 : index
      %swap3A_765 = tpu.vector_load %arg7[%swap3A_763, %swap3A_764] {strides = array<i32>} : memref<64x64xf32, #tpu.memory_space<vmem>>, vector<16xf32>,
      tpu.vector_store %arg7[%swap3A_763, %swap3A_764], %add3A_760 {strides = array<i32>} : memref<64x64xf32, #tpu.memory_space<vmem>>, vector<16xf32>,
      %add3A_766 = arith.constant 16 : i32
      %add3A_767 = vector.broadcast %add3A_766 : i32 to vector<16xi32>
      %add3A_768 = arith.addi %iota3A, %add3A_767 : vector<16xi32>
      %gather3A_769 = tpu.vector_load_idx %arg12[%add3A_768, %mul3A_755] : memref<64x128xf32, #tpu.memory_space<vmem>>[vector<16xi32>, vector<16xi32>], vector<16xf32>,
      %add3A_770 = arith.addf %gather3A_769, %get3A_5 : vector<16xf32>
      %add3A_771 = arith.constant 3 : i32
      %add3A_772 = arith.addi %mul3A_406, %add3A_771 : i32
      %swap3A_773 = arith.index_cast %add3A_772 : i32 to index
      %swap3A_774 = arith.constant 16 : index
      %swap3A_775 = tpu.vector_load %arg7[%swap3A_773, %swap3A_774] {strides = array<i32>} : memref<64x64xf32, #tpu.memory_space<vmem>>, vector<16xf32>,
      tpu.vector_store %arg7[%swap3A_773, %swap3A_774], %add3A_770 {strides = array<i32>} : memref<64x64xf32, #tpu.memory_space<vmem>>, vector<16xf32>,
      %add3A_776 = arith.constant 32 : i32
      %add3A_777 = vector.broadcast %add3A_776 : i32 to vector<16xi32>
      %add3A_778 = arith.addi %iota3A, %add3A_777 : vector<16xi32>
      %gather3A_779 = tpu.vector_load_idx %arg12[%add3A_778, %mul3A_755] : memref<64x128xf32, #tpu.memory_space<vmem>>[vector<16xi32>, vector<16xi32>], vector<16xf32>,
      %add3A_780 = arith.addf %gather3A_779, %get3A_7 : vector<16xf32>
      %add3A_781 = arith.constant 3 : i32
      %add3A_782 = arith.addi %mul3A_406, %add3A_781 : i32
      %swap3A_783 = arith.index_cast %add3A_782 : i32 to index
      %swap3A_784 = arith.constant 32 : index
      %swap3A_785 = tpu.vector_load %arg7[%swap3A_783, %swap3A_784] {strides = array<i32>} : memref<64x64xf32, #tpu.memory_space<vmem>>, vector<16xf32>,
      tpu.vector_store %arg7[%swap3A_783, %swap3A_784], %add3A_780 {strides = array<i32>} : memref<64x64xf32, #tpu.memory_space<vmem>>, vector<16xf32>,
      %add3A_786 = arith.constant 48 : i32
      %add3A_787 = vector.broadcast %add3A_786 : i32 to vector<16xi32>
      %add3A_788 = arith.addi %iota3A, %add3A_787 : vector<16xi32>
      %gather3A_789 = tpu.vector_load_idx %arg12[%add3A_788, %mul3A_755] : memref<64x128xf32, #tpu.memory_space<vmem>>[vector<16xi32>, vector<16xi32>], vector<16xf32>,
      %add3A_790 = arith.addf %gather3A_789, %get3A_9 : vector<16xf32>
      %add3A_791 = arith.constant 3 : i32
      %add3A_792 = arith.addi %mul3A_406, %add3A_791 : i32
      %swap3A_793 = arith.index_cast %add3A_792 : i32 to index
      %swap3A_794 = arith.constant 48 : index
      %swap3A_795 = tpu.vector_load %arg7[%swap3A_793, %swap3A_794] {strides = array<i32>} : memref<64x64xf32, #tpu.memory_space<vmem>>, vector<16xf32>,
      tpu.vector_store %arg7[%swap3A_793, %swap3A_794], %add3A_790 {strides = array<i32>} : memref<64x64xf32, #tpu.memory_space<vmem>>, vector<16xf32>,
      %slice3A_796 = vector.extract_strided_slice %get3A_396 {offsets = [11], sizes = [1], strides = [1]} : vector<16xi32> to vector<1xi32>
      %squeeze3A_797 = vector.extract %slice3A_796[0] : i32 from vector<1xi32>
      %max3A_798 = arith.constant 0 : i32
      %max3A_799 = arith.maxsi %squeeze3A_797, %max3A_798 : i32
      %min3A_800 = arith.constant 999999 : i32
      %min3A_801 = arith.minsi %max3A_799, %min3A_800 : i32
      %jit3A_802 = arith.constant 128 : i32
      %div3A_803 = arith.divsi %min3A_801, %jit3A_802 : i32
      %sign3A_804 = arith.constant 0 : i32
      %sign3A_805 = arith.cmpi sgt, %min3A_801, %sign3A_804 : i32
      %sign3A_806 = arith.extui %sign3A_805 : i1 to i32
      %sign3A_807 = arith.constant 0 : i32
      %sign3A_808 = arith.cmpi slt, %min3A_801, %sign3A_807 : i32
      %sign3A_809 = arith.extui %sign3A_808 : i1 to i32
      %sign3A_810 = arith.subi %sign3A_806, %sign3A_809 : i32
      %sign3A_811 = arith.constant 0 : i32
      %sign3A_812 = arith.cmpi sgt, %jit3A_802, %sign3A_811 : i32
      %sign3A_813 = arith.extui %sign3A_812 : i1 to i32
      %sign3A_814 = arith.constant 0 : i32
      %sign3A_815 = arith.cmpi slt, %jit3A_802, %sign3A_814 : i32
      %sign3A_816 = arith.extui %sign3A_815 : i1 to i32
      %sign3A_817 = arith.subi %sign3A_813, %sign3A_816 : i32
      %ne3A_818 = arith.cmpi ne, %sign3A_810, %sign3A_817 : i32
      %rem3A_819 = arith.remsi %min3A_801, %jit3A_802 : i32
      %ne3A_820 = arith.constant 0 : i32
      %ne3A_821 = arith.cmpi ne, %rem3A_819, %ne3A_820 : i32
      %and3A_822 = arith.andi %ne3A_818, %ne3A_821 : i1
      %sub3A_823 = arith.constant 1 : i32
      %sub3A_824 = arith.subi %div3A_803, %sub3A_823 : i32
      %select_n3A_825 = arith.select %and3A_822, %sub3A_824, %div3A_803 : i32
      %mul3A_826 = arith.constant 128 : i32
      %mul3A_827 = arith.muli %select_n3A_825, %mul3A_826 : i32
      %multiple_of3A_828 = tpu.assume_multiple %mul3A_827, 128 : i32
      %dma_start3A_829 = arith.constant 0 : i32
      %dma_start3A_830 = tpu.memref_slice %arg2[%dma_start3A_829, %multiple_of3A_828] : memref<64x1000000xf32, #tpu.memory_space<hbm>> -> memref<64x128xf32, #tpu.memory_space<hbm>>
      %dma_start3A_831 = arith.constant 0 : i32
      %dma_start3A_832 = tpu.memref_slice %arg2[%dma_start3A_831, %multiple_of3A_828] : memref<64x1000000xf32, #tpu.memory_space<hbm>> -> memref<64x128xf32, #tpu.memory_space<hbm>>
      tpu.enqueue_dma source(%dma_start3A_832 : memref<64x128xf32, #tpu.memory_space<hbm>>) target(%arg12 : memref<64x128xf32, #tpu.memory_space<vmem>>) target_semaphore(%arg20 : memref<!tpu.dma_semaphore, #tpu.memory_space<semaphore_mem>>)
      %mul3A_833 = arith.constant 16 : i32
      %mul3A_834 = arith.muli %scan3A_392, %mul3A_833 : i32
      %add3A_835 = arith.constant 4 : i32
      %add3A_836 = arith.addi %mul3A_834, %add3A_835 : i32
      %dma_wait3A_837 = arith.constant 0 : i32
      %dma_wait3A_838 = arith.constant 0 : i32
      %dma_wait3A_839 = tpu.memref_slice %arg2[%dma_wait3A_837, %dma_wait3A_838] : memref<64x1000000xf32, #tpu.memory_space<hbm>> -> memref<64x128xf32, #tpu.memory_space<hbm>>
      %dma_wait3A_840 = arith.constant 0 : i32
      %dma_wait3A_841 = arith.constant 0 : i32
      %dma_wait3A_842 = tpu.memref_slice %arg2[%dma_wait3A_840, %dma_wait3A_841] : memref<64x1000000xf32, #tpu.memory_space<hbm>> -> memref<64x128xf32, #tpu.memory_space<hbm>>
      tpu.wait_dma2 semaphore(%arg21 : memref<!tpu.dma_semaphore, #tpu.memory_space<semaphore_mem>>) src(%dma_wait3A_842 : memref<64x128xf32, #tpu.memory_space<hbm>>) dst(%arg13 : memref<64x128xf32, #tpu.memory_space<vmem>>)
      %slice3A_843 = vector.extract_strided_slice %get3A_396 {offsets = [4], sizes = [1], strides = [1]} : vector<16xi32> to vector<1xi32>
      %squeeze3A_844 = vector.extract %slice3A_843[0] : i32 from vector<1xi32>
      %jit3A_845 = arith.constant 128 : i32
      %eq3A_846 = arith.constant 0 : i32
      %eq3A_847 = arith.cmpi eq, %jit3A_845, %eq3A_846 : i32
      %jit3A_848 = arith.constant 1 : i32
      %select_n3A_849 = arith.select %eq3A_847, %jit3A_848, %jit3A_845 : i32
      %rem3A_850 = arith.remsi %squeeze3A_844, %select_n3A_849 : i32
      %ne3A_851 = arith.constant 0 : i32
      %ne3A_852 = arith.cmpi ne, %rem3A_850, %ne3A_851 : i32
      %lt3A_853 = arith.constant 0 : i32
      %lt3A_854 = arith.cmpi slt, %rem3A_850, %lt3A_853 : i32
      %lt3A_855 = arith.constant 0 : i32
      %lt3A_856 = arith.cmpi slt, %select_n3A_849, %lt3A_855 : i32
      %ne3A_857 = arith.xori %lt3A_854, %lt3A_856 : i1
      %and3A_858 = arith.andi %ne3A_857, %ne3A_852 : i1
      %add3A_859 = arith.addi %rem3A_850, %select_n3A_849 : i32
      %select_n3A_860 = arith.select %and3A_858, %add3A_859, %rem3A_850 : i32
      %mul3A_861 = vector.broadcast %select_n3A_860 : i32 to vector<16xi32>
      %mul3A_862 = arith.muli %add3A_15, %mul3A_861 : vector<16xi32>
      %add3A_863 = arith.constant 0 : i32
      %add3A_864 = vector.broadcast %add3A_863 : i32 to vector<16xi32>
      %add3A_865 = arith.addi %iota3A, %add3A_864 : vector<16xi32>
      %gather3A_866 = tpu.vector_load_idx %arg13[%add3A_865, %mul3A_862] : memref<64x128xf32, #tpu.memory_space<vmem>>[vector<16xi32>, vector<16xi32>], vector<16xf32>,
      %add3A_867 = arith.addf %gather3A_866, %get3A_3 : vector<16xf32>
      %add3A_868 = arith.constant 4 : i32
      %add3A_869 = arith.addi %mul3A_406, %add3A_868 : i32
      %swap3A_870 = arith.index_cast %add3A_869 : i32 to index
      %swap3A_871 = arith.constant 0 : index
      %swap3A_872 = tpu.vector_load %arg7[%swap3A_870, %swap3A_871] {strides = array<i32>} : memref<64x64xf32, #tpu.memory_space<vmem>>, vector<16xf32>,
      tpu.vector_store %arg7[%swap3A_870, %swap3A_871], %add3A_867 {strides = array<i32>} : memref<64x64xf32, #tpu.memory_space<vmem>>, vector<16xf32>,
      %add3A_873 = arith.constant 16 : i32
      %add3A_874 = vector.broadcast %add3A_873 : i32 to vector<16xi32>
      %add3A_875 = arith.addi %iota3A, %add3A_874 : vector<16xi32>
      %gather3A_876 = tpu.vector_load_idx %arg13[%add3A_875, %mul3A_862] : memref<64x128xf32, #tpu.memory_space<vmem>>[vector<16xi32>, vector<16xi32>], vector<16xf32>,
      %add3A_877 = arith.addf %gather3A_876, %get3A_5 : vector<16xf32>
      %add3A_878 = arith.constant 4 : i32
      %add3A_879 = arith.addi %mul3A_406, %add3A_878 : i32
      %swap3A_880 = arith.index_cast %add3A_879 : i32 to index
      %swap3A_881 = arith.constant 16 : index
      %swap3A_882 = tpu.vector_load %arg7[%swap3A_880, %swap3A_881] {strides = array<i32>} : memref<64x64xf32, #tpu.memory_space<vmem>>, vector<16xf32>,
      tpu.vector_store %arg7[%swap3A_880, %swap3A_881], %add3A_877 {strides = array<i32>} : memref<64x64xf32, #tpu.memory_space<vmem>>, vector<16xf32>,
      %add3A_883 = arith.constant 32 : i32
      %add3A_884 = vector.broadcast %add3A_883 : i32 to vector<16xi32>
      %add3A_885 = arith.addi %iota3A, %add3A_884 : vector<16xi32>
      %gather3A_886 = tpu.vector_load_idx %arg13[%add3A_885, %mul3A_862] : memref<64x128xf32, #tpu.memory_space<vmem>>[vector<16xi32>, vector<16xi32>], vector<16xf32>,
      %add3A_887 = arith.addf %gather3A_886, %get3A_7 : vector<16xf32>
      %add3A_888 = arith.constant 4 : i32
      %add3A_889 = arith.addi %mul3A_406, %add3A_888 : i32
      %swap3A_890 = arith.index_cast %add3A_889 : i32 to index
      %swap3A_891 = arith.constant 32 : index
      %swap3A_892 = tpu.vector_load %arg7[%swap3A_890, %swap3A_891] {strides = array<i32>} : memref<64x64xf32, #tpu.memory_space<vmem>>, vector<16xf32>,
      tpu.vector_store %arg7[%swap3A_890, %swap3A_891], %add3A_887 {strides = array<i32>} : memref<64x64xf32, #tpu.memory_space<vmem>>, vector<16xf32>,
      %add3A_893 = arith.constant 48 : i32
      %add3A_894 = vector.broadcast %add3A_893 : i32 to vector<16xi32>
      %add3A_895 = arith.addi %iota3A, %add3A_894 : vector<16xi32>
      %gather3A_896 = tpu.vector_load_idx %arg13[%add3A_895, %mul3A_862] : memref<64x128xf32, #tpu.memory_space<vmem>>[vector<16xi32>, vector<16xi32>], vector<16xf32>,
      %add3A_897 = arith.addf %gather3A_896, %get3A_9 : vector<16xf32>
      %add3A_898 = arith.constant 4 : i32
      %add3A_899 = arith.addi %mul3A_406, %add3A_898 : i32
      %swap3A_900 = arith.index_cast %add3A_899 : i32 to index
      %swap3A_901 = arith.constant 48 : index
      %swap3A_902 = tpu.vector_load %arg7[%swap3A_900, %swap3A_901] {strides = array<i32>} : memref<64x64xf32, #tpu.memory_space<vmem>>, vector<16xf32>,
      tpu.vector_store %arg7[%swap3A_900, %swap3A_901], %add3A_897 {strides = array<i32>} : memref<64x64xf32, #tpu.memory_space<vmem>>, vector<16xf32>,
      %slice3A_903 = vector.extract_strided_slice %get3A_396 {offsets = [12], sizes = [1], strides = [1]} : vector<16xi32> to vector<1xi32>
      %squeeze3A_904 = vector.extract %slice3A_903[0] : i32 from vector<1xi32>
      %max3A_905 = arith.constant 0 : i32
      %max3A_906 = arith.maxsi %squeeze3A_904, %max3A_905 : i32
      %min3A_907 = arith.constant 999999 : i32
      %min3A_908 = arith.minsi %max3A_906, %min3A_907 : i32
      %jit3A_909 = arith.constant 128 : i32
      %div3A_910 = arith.divsi %min3A_908, %jit3A_909 : i32
      %sign3A_911 = arith.constant 0 : i32
      %sign3A_912 = arith.cmpi sgt, %min3A_908, %sign3A_911 : i32
      %sign3A_913 = arith.extui %sign3A_912 : i1 to i32
      %sign3A_914 = arith.constant 0 : i32
      %sign3A_915 = arith.cmpi slt, %min3A_908, %sign3A_914 : i32
      %sign3A_916 = arith.extui %sign3A_915 : i1 to i32
      %sign3A_917 = arith.subi %sign3A_913, %sign3A_916 : i32
      %sign3A_918 = arith.constant 0 : i32
      %sign3A_919 = arith.cmpi sgt, %jit3A_909, %sign3A_918 : i32
      %sign3A_920 = arith.extui %sign3A_919 : i1 to i32
      %sign3A_921 = arith.constant 0 : i32
      %sign3A_922 = arith.cmpi slt, %jit3A_909, %sign3A_921 : i32
      %sign3A_923 = arith.extui %sign3A_922 : i1 to i32
      %sign3A_924 = arith.subi %sign3A_920, %sign3A_923 : i32
      %ne3A_925 = arith.cmpi ne, %sign3A_917, %sign3A_924 : i32
      %rem3A_926 = arith.remsi %min3A_908, %jit3A_909 : i32
      %ne3A_927 = arith.constant 0 : i32
      %ne3A_928 = arith.cmpi ne, %rem3A_926, %ne3A_927 : i32
      %and3A_929 = arith.andi %ne3A_925, %ne3A_928 : i1
      %sub3A_930 = arith.constant 1 : i32
      %sub3A_931 = arith.subi %div3A_910, %sub3A_930 : i32
      %select_n3A_932 = arith.select %and3A_929, %sub3A_931, %div3A_910 : i32
      %mul3A_933 = arith.constant 128 : i32
      %mul3A_934 = arith.muli %select_n3A_932, %mul3A_933 : i32
      %multiple_of3A_935 = tpu.assume_multiple %mul3A_934, 128 : i32
      %dma_start3A_936 = arith.constant 0 : i32
      %dma_start3A_937 = tpu.memref_slice %arg2[%dma_start3A_936, %multiple_of3A_935] : memref<64x1000000xf32, #tpu.memory_space<hbm>> -> memref<64x128xf32, #tpu.memory_space<hbm>>
      %dma_start3A_938 = arith.constant 0 : i32
      %dma_start3A_939 = tpu.memref_slice %arg2[%dma_start3A_938, %multiple_of3A_935] : memref<64x1000000xf32, #tpu.memory_space<hbm>> -> memref<64x128xf32, #tpu.memory_space<hbm>>
      tpu.enqueue_dma source(%dma_start3A_939 : memref<64x128xf32, #tpu.memory_space<hbm>>) target(%arg13 : memref<64x128xf32, #tpu.memory_space<vmem>>) target_semaphore(%arg21 : memref<!tpu.dma_semaphore, #tpu.memory_space<semaphore_mem>>)
      %mul3A_940 = arith.constant 16 : i32
      %mul3A_941 = arith.muli %scan3A_392, %mul3A_940 : i32
      %add3A_942 = arith.constant 5 : i32
      %add3A_943 = arith.addi %mul3A_941, %add3A_942 : i32
      %dma_wait3A_944 = arith.constant 0 : i32
      %dma_wait3A_945 = arith.constant 0 : i32
      %dma_wait3A_946 = tpu.memref_slice %arg2[%dma_wait3A_944, %dma_wait3A_945] : memref<64x1000000xf32, #tpu.memory_space<hbm>> -> memref<64x128xf32, #tpu.memory_space<hbm>>
      %dma_wait3A_947 = arith.constant 0 : i32
      %dma_wait3A_948 = arith.constant 0 : i32
      %dma_wait3A_949 = tpu.memref_slice %arg2[%dma_wait3A_947, %dma_wait3A_948] : memref<64x1000000xf32, #tpu.memory_space<hbm>> -> memref<64x128xf32, #tpu.memory_space<hbm>>
      tpu.wait_dma2 semaphore(%arg22 : memref<!tpu.dma_semaphore, #tpu.memory_space<semaphore_mem>>) src(%dma_wait3A_949 : memref<64x128xf32, #tpu.memory_space<hbm>>) dst(%arg14 : memref<64x128xf32, #tpu.memory_space<vmem>>)
      %slice3A_950 = vector.extract_strided_slice %get3A_396 {offsets = [5], sizes = [1], strides = [1]} : vector<16xi32> to vector<1xi32>
      %squeeze3A_951 = vector.extract %slice3A_950[0] : i32 from vector<1xi32>
      %jit3A_952 = arith.constant 128 : i32
      %eq3A_953 = arith.constant 0 : i32
      %eq3A_954 = arith.cmpi eq, %jit3A_952, %eq3A_953 : i32
      %jit3A_955 = arith.constant 1 : i32
      %select_n3A_956 = arith.select %eq3A_954, %jit3A_955, %jit3A_952 : i32
      %rem3A_957 = arith.remsi %squeeze3A_951, %select_n3A_956 : i32
      %ne3A_958 = arith.constant 0 : i32
      %ne3A_959 = arith.cmpi ne, %rem3A_957, %ne3A_958 : i32
      %lt3A_960 = arith.constant 0 : i32
      %lt3A_961 = arith.cmpi slt, %rem3A_957, %lt3A_960 : i32
      %lt3A_962 = arith.constant 0 : i32
      %lt3A_963 = arith.cmpi slt, %select_n3A_956, %lt3A_962 : i32
      %ne3A_964 = arith.xori %lt3A_961, %lt3A_963 : i1
      %and3A_965 = arith.andi %ne3A_964, %ne3A_959 : i1
      %add3A_966 = arith.addi %rem3A_957, %select_n3A_956 : i32
      %select_n3A_967 = arith.select %and3A_965, %add3A_966, %rem3A_957 : i32
      %mul3A_968 = vector.broadcast %select_n3A_967 : i32 to vector<16xi32>
      %mul3A_969 = arith.muli %add3A_15, %mul3A_968 : vector<16xi32>
      %add3A_970 = arith.constant 0 : i32
      %add3A_971 = vector.broadcast %add3A_970 : i32 to vector<16xi32>
      %add3A_972 = arith.addi %iota3A, %add3A_971 : vector<16xi32>
      %gather3A_973 = tpu.vector_load_idx %arg14[%add3A_972, %mul3A_969] : memref<64x128xf32, #tpu.memory_space<vmem>>[vector<16xi32>, vector<16xi32>], vector<16xf32>,
      %add3A_974 = arith.addf %gather3A_973, %get3A_3 : vector<16xf32>
      %add3A_975 = arith.constant 5 : i32
      %add3A_976 = arith.addi %mul3A_406, %add3A_975 : i32
      %swap3A_977 = arith.index_cast %add3A_976 : i32 to index
      %swap3A_978 = arith.constant 0 : index
      %swap3A_979 = tpu.vector_load %arg7[%swap3A_977, %swap3A_978] {strides = array<i32>} : memref<64x64xf32, #tpu.memory_space<vmem>>, vector<16xf32>,
      tpu.vector_store %arg7[%swap3A_977, %swap3A_978], %add3A_974 {strides = array<i32>} : memref<64x64xf32, #tpu.memory_space<vmem>>, vector<16xf32>,
      %add3A_980 = arith.constant 16 : i32
      %add3A_981 = vector.broadcast %add3A_980 : i32 to vector<16xi32>
      %add3A_982 = arith.addi %iota3A, %add3A_981 : vector<16xi32>
      %gather3A_983 = tpu.vector_load_idx %arg14[%add3A_982, %mul3A_969] : memref<64x128xf32, #tpu.memory_space<vmem>>[vector<16xi32>, vector<16xi32>], vector<16xf32>,
      %add3A_984 = arith.addf %gather3A_983, %get3A_5 : vector<16xf32>
      %add3A_985 = arith.constant 5 : i32
      %add3A_986 = arith.addi %mul3A_406, %add3A_985 : i32
      %swap3A_987 = arith.index_cast %add3A_986 : i32 to index
      %swap3A_988 = arith.constant 16 : index
      %swap3A_989 = tpu.vector_load %arg7[%swap3A_987, %swap3A_988] {strides = array<i32>} : memref<64x64xf32, #tpu.memory_space<vmem>>, vector<16xf32>,
      tpu.vector_store %arg7[%swap3A_987, %swap3A_988], %add3A_984 {strides = array<i32>} : memref<64x64xf32, #tpu.memory_space<vmem>>, vector<16xf32>,
      %add3A_990 = arith.constant 32 : i32
      %add3A_991 = vector.broadcast %add3A_990 : i32 to vector<16xi32>
      %add3A_992 = arith.addi %iota3A, %add3A_991 : vector<16xi32>
      %gather3A_993 = tpu.vector_load_idx %arg14[%add3A_992, %mul3A_969] : memref<64x128xf32, #tpu.memory_space<vmem>>[vector<16xi32>, vector<16xi32>], vector<16xf32>,
      %add3A_994 = arith.addf %gather3A_993, %get3A_7 : vector<16xf32>
      %add3A_995 = arith.constant 5 : i32
      %add3A_996 = arith.addi %mul3A_406, %add3A_995 : i32
      %swap3A_997 = arith.index_cast %add3A_996 : i32 to index
      %swap3A_998 = arith.constant 32 : index
      %swap3A_999 = tpu.vector_load %arg7[%swap3A_997, %swap3A_998] {strides = array<i32>} : memref<64x64xf32, #tpu.memory_space<vmem>>, vector<16xf32>,
      tpu.vector_store %arg7[%swap3A_997, %swap3A_998], %add3A_994 {strides = array<i32>} : memref<64x64xf32, #tpu.memory_space<vmem>>, vector<16xf32>,
      %add3A_1000 = arith.constant 48 : i32
      %add3A_1001 = vector.broadcast %add3A_1000 : i32 to vector<16xi32>
      %add3A_1002 = arith.addi %iota3A, %add3A_1001 : vector<16xi32>
      %gather3A_1003 = tpu.vector_load_idx %arg14[%add3A_1002, %mul3A_969] : memref<64x128xf32, #tpu.memory_space<vmem>>[vector<16xi32>, vector<16xi32>], vector<16xf32>,
      %add3A_1004 = arith.addf %gather3A_1003, %get3A_9 : vector<16xf32>
      %add3A_1005 = arith.constant 5 : i32
      %add3A_1006 = arith.addi %mul3A_406, %add3A_1005 : i32
      %swap3A_1007 = arith.index_cast %add3A_1006 : i32 to index
      %swap3A_1008 = arith.constant 48 : index
      %swap3A_1009 = tpu.vector_load %arg7[%swap3A_1007, %swap3A_1008] {strides = array<i32>} : memref<64x64xf32, #tpu.memory_space<vmem>>, vector<16xf32>,
      tpu.vector_store %arg7[%swap3A_1007, %swap3A_1008], %add3A_1004 {strides = array<i32>} : memref<64x64xf32, #tpu.memory_space<vmem>>, vector<16xf32>,
      %slice3A_1010 = vector.extract_strided_slice %get3A_396 {offsets = [13], sizes = [1], strides = [1]} : vector<16xi32> to vector<1xi32>
      %squeeze3A_1011 = vector.extract %slice3A_1010[0] : i32 from vector<1xi32>
      %max3A_1012 = arith.constant 0 : i32
      %max3A_1013 = arith.maxsi %squeeze3A_1011, %max3A_1012 : i32
      %min3A_1014 = arith.constant 999999 : i32
      %min3A_1015 = arith.minsi %max3A_1013, %min3A_1014 : i32
      %jit3A_1016 = arith.constant 128 : i32
      %div3A_1017 = arith.divsi %min3A_1015, %jit3A_1016 : i32
      %sign3A_1018 = arith.constant 0 : i32
      %sign3A_1019 = arith.cmpi sgt, %min3A_1015, %sign3A_1018 : i32
      %sign3A_1020 = arith.extui %sign3A_1019 : i1 to i32
      %sign3A_1021 = arith.constant 0 : i32
      %sign3A_1022 = arith.cmpi slt, %min3A_1015, %sign3A_1021 : i32
      %sign3A_1023 = arith.extui %sign3A_1022 : i1 to i32
      %sign3A_1024 = arith.subi %sign3A_1020, %sign3A_1023 : i32
      %sign3A_1025 = arith.constant 0 : i32
      %sign3A_1026 = arith.cmpi sgt, %jit3A_1016, %sign3A_1025 : i32
      %sign3A_1027 = arith.extui %sign3A_1026 : i1 to i32
      %sign3A_1028 = arith.constant 0 : i32
      %sign3A_1029 = arith.cmpi slt, %jit3A_1016, %sign3A_1028 : i32
      %sign3A_1030 = arith.extui %sign3A_1029 : i1 to i32
      %sign3A_1031 = arith.subi %sign3A_1027, %sign3A_1030 : i32
      %ne3A_1032 = arith.cmpi ne, %sign3A_1024, %sign3A_1031 : i32
      %rem3A_1033 = arith.remsi %min3A_1015, %jit3A_1016 : i32
      %ne3A_1034 = arith.constant 0 : i32
      %ne3A_1035 = arith.cmpi ne, %rem3A_1033, %ne3A_1034 : i32
      %and3A_1036 = arith.andi %ne3A_1032, %ne3A_1035 : i1
      %sub3A_1037 = arith.constant 1 : i32
      %sub3A_1038 = arith.subi %div3A_1017, %sub3A_1037 : i32
      %select_n3A_1039 = arith.select %and3A_1036, %sub3A_1038, %div3A_1017 : i32
      %mul3A_1040 = arith.constant 128 : i32
      %mul3A_1041 = arith.muli %select_n3A_1039, %mul3A_1040 : i32
      %multiple_of3A_1042 = tpu.assume_multiple %mul3A_1041, 128 : i32
      %dma_start3A_1043 = arith.constant 0 : i32
      %dma_start3A_1044 = tpu.memref_slice %arg2[%dma_start3A_1043, %multiple_of3A_1042] : memref<64x1000000xf32, #tpu.memory_space<hbm>> -> memref<64x128xf32, #tpu.memory_space<hbm>>
      %dma_start3A_1045 = arith.constant 0 : i32
      %dma_start3A_1046 = tpu.memref_slice %arg2[%dma_start3A_1045, %multiple_of3A_1042] : memref<64x1000000xf32, #tpu.memory_space<hbm>> -> memref<64x128xf32, #tpu.memory_space<hbm>>
      tpu.enqueue_dma source(%dma_start3A_1046 : memref<64x128xf32, #tpu.memory_space<hbm>>) target(%arg14 : memref<64x128xf32, #tpu.memory_space<vmem>>) target_semaphore(%arg22 : memref<!tpu.dma_semaphore, #tpu.memory_space<semaphore_mem>>)
      %mul3A_1047 = arith.constant 16 : i32
      %mul3A_1048 = arith.muli %scan3A_392, %mul3A_1047 : i32
      %add3A_1049 = arith.constant 6 : i32
      %add3A_1050 = arith.addi %mul3A_1048, %add3A_1049 : i32
      %dma_wait3A_1051 = arith.constant 0 : i32
      %dma_wait3A_1052 = arith.constant 0 : i32
      %dma_wait3A_1053 = tpu.memref_slice %arg2[%dma_wait3A_1051, %dma_wait3A_1052] : memref<64x1000000xf32, #tpu.memory_space<hbm>> -> memref<64x128xf32, #tpu.memory_space<hbm>>
      %dma_wait3A_1054 = arith.constant 0 : i32
      %dma_wait3A_1055 = arith.constant 0 : i32
      %dma_wait3A_1056 = tpu.memref_slice %arg2[%dma_wait3A_1054, %dma_wait3A_1055] : memref<64x1000000xf32, #tpu.memory_space<hbm>> -> memref<64x128xf32, #tpu.memory_space<hbm>>
      tpu.wait_dma2 semaphore(%arg23 : memref<!tpu.dma_semaphore, #tpu.memory_space<semaphore_mem>>) src(%dma_wait3A_1056 : memref<64x128xf32, #tpu.memory_space<hbm>>) dst(%arg15 : memref<64x128xf32, #tpu.memory_space<vmem>>)
      %slice3A_1057 = vector.extract_strided_slice %get3A_396 {offsets = [6], sizes = [1], strides = [1]} : vector<16xi32> to vector<1xi32>
      %squeeze3A_1058 = vector.extract %slice3A_1057[0] : i32 from vector<1xi32>
      %jit3A_1059 = arith.constant 128 : i32
      %eq3A_1060 = arith.constant 0 : i32
      %eq3A_1061 = arith.cmpi eq, %jit3A_1059, %eq3A_1060 : i32
      %jit3A_1062 = arith.constant 1 : i32
      %select_n3A_1063 = arith.select %eq3A_1061, %jit3A_1062, %jit3A_1059 : i32
      %rem3A_1064 = arith.remsi %squeeze3A_1058, %select_n3A_1063 : i32
      %ne3A_1065 = arith.constant 0 : i32
      %ne3A_1066 = arith.cmpi ne, %rem3A_1064, %ne3A_1065 : i32
      %lt3A_1067 = arith.constant 0 : i32
      %lt3A_1068 = arith.cmpi slt, %rem3A_1064, %lt3A_1067 : i32
      %lt3A_1069 = arith.constant 0 : i32
      %lt3A_1070 = arith.cmpi slt, %select_n3A_1063, %lt3A_1069 : i32
      %ne3A_1071 = arith.xori %lt3A_1068, %lt3A_1070 : i1
      %and3A_1072 = arith.andi %ne3A_1071, %ne3A_1066 : i1
      %add3A_1073 = arith.addi %rem3A_1064, %select_n3A_1063 : i32
      %select_n3A_1074 = arith.select %and3A_1072, %add3A_1073, %rem3A_1064 : i32
      %mul3A_1075 = vector.broadcast %select_n3A_1074 : i32 to vector<16xi32>
      %mul3A_1076 = arith.muli %add3A_15, %mul3A_1075 : vector<16xi32>
      %add3A_1077 = arith.constant 0 : i32
      %add3A_1078 = vector.broadcast %add3A_1077 : i32 to vector<16xi32>
      %add3A_1079 = arith.addi %iota3A, %add3A_1078 : vector<16xi32>
      %gather3A_1080 = tpu.vector_load_idx %arg15[%add3A_1079, %mul3A_1076] : memref<64x128xf32, #tpu.memory_space<vmem>>[vector<16xi32>, vector<16xi32>], vector<16xf32>,
      %add3A_1081 = arith.addf %gather3A_1080, %get3A_3 : vector<16xf32>
      %add3A_1082 = arith.constant 6 : i32
      %add3A_1083 = arith.addi %mul3A_406, %add3A_1082 : i32
      %swap3A_1084 = arith.index_cast %add3A_1083 : i32 to index
      %swap3A_1085 = arith.constant 0 : index
      %swap3A_1086 = tpu.vector_load %arg7[%swap3A_1084, %swap3A_1085] {strides = array<i32>} : memref<64x64xf32, #tpu.memory_space<vmem>>, vector<16xf32>,
      tpu.vector_store %arg7[%swap3A_1084, %swap3A_1085], %add3A_1081 {strides = array<i32>} : memref<64x64xf32, #tpu.memory_space<vmem>>, vector<16xf32>,
      %add3A_1087 = arith.constant 16 : i32
      %add3A_1088 = vector.broadcast %add3A_1087 : i32 to vector<16xi32>
      %add3A_1089 = arith.addi %iota3A, %add3A_1088 : vector<16xi32>
      %gather3A_1090 = tpu.vector_load_idx %arg15[%add3A_1089, %mul3A_1076] : memref<64x128xf32, #tpu.memory_space<vmem>>[vector<16xi32>, vector<16xi32>], vector<16xf32>,
      %add3A_1091 = arith.addf %gather3A_1090, %get3A_5 : vector<16xf32>
      %add3A_1092 = arith.constant 6 : i32
      %add3A_1093 = arith.addi %mul3A_406, %add3A_1092 : i32
      %swap3A_1094 = arith.index_cast %add3A_1093 : i32 to index
      %swap3A_1095 = arith.constant 16 : index
      %swap3A_1096 = tpu.vector_load %arg7[%swap3A_1094, %swap3A_1095] {strides = array<i32>} : memref<64x64xf32, #tpu.memory_space<vmem>>, vector<16xf32>,
      tpu.vector_store %arg7[%swap3A_1094, %swap3A_1095], %add3A_1091 {strides = array<i32>} : memref<64x64xf32, #tpu.memory_space<vmem>>, vector<16xf32>,
      %add3A_1097 = arith.constant 32 : i32
      %add3A_1098 = vector.broadcast %add3A_1097 : i32 to vector<16xi32>
      %add3A_1099 = arith.addi %iota3A, %add3A_1098 : vector<16xi32>
      %gather3A_1100 = tpu.vector_load_idx %arg15[%add3A_1099, %mul3A_1076] : memref<64x128xf32, #tpu.memory_space<vmem>>[vector<16xi32>, vector<16xi32>], vector<16xf32>,
      %add3A_1101 = arith.addf %gather3A_1100, %get3A_7 : vector<16xf32>
      %add3A_1102 = arith.constant 6 : i32
      %add3A_1103 = arith.addi %mul3A_406, %add3A_1102 : i32
      %swap3A_1104 = arith.index_cast %add3A_1103 : i32 to index
      %swap3A_1105 = arith.constant 32 : index
      %swap3A_1106 = tpu.vector_load %arg7[%swap3A_1104, %swap3A_1105] {strides = array<i32>} : memref<64x64xf32, #tpu.memory_space<vmem>>, vector<16xf32>,
      tpu.vector_store %arg7[%swap3A_1104, %swap3A_1105], %add3A_1101 {strides = array<i32>} : memref<64x64xf32, #tpu.memory_space<vmem>>, vector<16xf32>,
      %add3A_1107 = arith.constant 48 : i32
      %add3A_1108 = vector.broadcast %add3A_1107 : i32 to vector<16xi32>
      %add3A_1109 = arith.addi %iota3A, %add3A_1108 : vector<16xi32>
      %gather3A_1110 = tpu.vector_load_idx %arg15[%add3A_1109, %mul3A_1076] : memref<64x128xf32, #tpu.memory_space<vmem>>[vector<16xi32>, vector<16xi32>], vector<16xf32>,
      %add3A_1111 = arith.addf %gather3A_1110, %get3A_9 : vector<16xf32>
      %add3A_1112 = arith.constant 6 : i32
      %add3A_1113 = arith.addi %mul3A_406, %add3A_1112 : i32
      %swap3A_1114 = arith.index_cast %add3A_1113 : i32 to index
      %swap3A_1115 = arith.constant 48 : index
      %swap3A_1116 = tpu.vector_load %arg7[%swap3A_1114, %swap3A_1115] {strides = array<i32>} : memref<64x64xf32, #tpu.memory_space<vmem>>, vector<16xf32>,
      tpu.vector_store %arg7[%swap3A_1114, %swap3A_1115], %add3A_1111 {strides = array<i32>} : memref<64x64xf32, #tpu.memory_space<vmem>>, vector<16xf32>,
      %slice3A_1117 = vector.extract_strided_slice %get3A_396 {offsets = [14], sizes = [1], strides = [1]} : vector<16xi32> to vector<1xi32>
      %squeeze3A_1118 = vector.extract %slice3A_1117[0] : i32 from vector<1xi32>
      %max3A_1119 = arith.constant 0 : i32
      %max3A_1120 = arith.maxsi %squeeze3A_1118, %max3A_1119 : i32
      %min3A_1121 = arith.constant 999999 : i32
      %min3A_1122 = arith.minsi %max3A_1120, %min3A_1121 : i32
      %jit3A_1123 = arith.constant 128 : i32
      %div3A_1124 = arith.divsi %min3A_1122, %jit3A_1123 : i32
      %sign3A_1125 = arith.constant 0 : i32
      %sign3A_1126 = arith.cmpi sgt, %min3A_1122, %sign3A_1125 : i32
      %sign3A_1127 = arith.extui %sign3A_1126 : i1 to i32
      %sign3A_1128 = arith.constant 0 : i32
      %sign3A_1129 = arith.cmpi slt, %min3A_1122, %sign3A_1128 : i32
      %sign3A_1130 = arith.extui %sign3A_1129 : i1 to i32
      %sign3A_1131 = arith.subi %sign3A_1127, %sign3A_1130 : i32
      %sign3A_1132 = arith.constant 0 : i32
      %sign3A_1133 = arith.cmpi sgt, %jit3A_1123, %sign3A_1132 : i32
      %sign3A_1134 = arith.extui %sign3A_1133 : i1 to i32
      %sign3A_1135 = arith.constant 0 : i32
      %sign3A_1136 = arith.cmpi slt, %jit3A_1123, %sign3A_1135 : i32
      %sign3A_1137 = arith.extui %sign3A_1136 : i1 to i32
      %sign3A_1138 = arith.subi %sign3A_1134, %sign3A_1137 : i32
      %ne3A_1139 = arith.cmpi ne, %sign3A_1131, %sign3A_1138 : i32
      %rem3A_1140 = arith.remsi %min3A_1122, %jit3A_1123 : i32
      %ne3A_1141 = arith.constant 0 : i32
      %ne3A_1142 = arith.cmpi ne, %rem3A_1140, %ne3A_1141 : i32
      %and3A_1143 = arith.andi %ne3A_1139, %ne3A_1142 : i1
      %sub3A_1144 = arith.constant 1 : i32
      %sub3A_1145 = arith.subi %div3A_1124, %sub3A_1144 : i32
      %select_n3A_1146 = arith.select %and3A_1143, %sub3A_1145, %div3A_1124 : i32
      %mul3A_1147 = arith.constant 128 : i32
      %mul3A_1148 = arith.muli %select_n3A_1146, %mul3A_1147 : i32
      %multiple_of3A_1149 = tpu.assume_multiple %mul3A_1148, 128 : i32
      %dma_start3A_1150 = arith.constant 0 : i32
      %dma_start3A_1151 = tpu.memref_slice %arg2[%dma_start3A_1150, %multiple_of3A_1149] : memref<64x1000000xf32, #tpu.memory_space<hbm>> -> memref<64x128xf32, #tpu.memory_space<hbm>>
      %dma_start3A_1152 = arith.constant 0 : i32
      %dma_start3A_1153 = tpu.memref_slice %arg2[%dma_start3A_1152, %multiple_of3A_1149] : memref<64x1000000xf32, #tpu.memory_space<hbm>> -> memref<64x128xf32, #tpu.memory_space<hbm>>
      tpu.enqueue_dma source(%dma_start3A_1153 : memref<64x128xf32, #tpu.memory_space<hbm>>) target(%arg15 : memref<64x128xf32, #tpu.memory_space<vmem>>) target_semaphore(%arg23 : memref<!tpu.dma_semaphore, #tpu.memory_space<semaphore_mem>>)
      %mul3A_1154 = arith.constant 16 : i32
      %mul3A_1155 = arith.muli %scan3A_392, %mul3A_1154 : i32
      %add3A_1156 = arith.constant 7 : i32
      %add3A_1157 = arith.addi %mul3A_1155, %add3A_1156 : i32
      %dma_wait3A_1158 = arith.constant 0 : i32
      %dma_wait3A_1159 = arith.constant 0 : i32
      %dma_wait3A_1160 = tpu.memref_slice %arg2[%dma_wait3A_1158, %dma_wait3A_1159] : memref<64x1000000xf32, #tpu.memory_space<hbm>> -> memref<64x128xf32, #tpu.memory_space<hbm>>
      %dma_wait3A_1161 = arith.constant 0 : i32
      %dma_wait3A_1162 = arith.constant 0 : i32
      %dma_wait3A_1163 = tpu.memref_slice %arg2[%dma_wait3A_1161, %dma_wait3A_1162] : memref<64x1000000xf32, #tpu.memory_space<hbm>> -> memref<64x128xf32, #tpu.memory_space<hbm>>
      tpu.wait_dma2 semaphore(%arg24 : memref<!tpu.dma_semaphore, #tpu.memory_space<semaphore_mem>>) src(%dma_wait3A_1163 : memref<64x128xf32, #tpu.memory_space<hbm>>) dst(%arg16 : memref<64x128xf32, #tpu.memory_space<vmem>>)
      %slice3A_1164 = vector.extract_strided_slice %get3A_396 {offsets = [7], sizes = [1], strides = [1]} : vector<16xi32> to vector<1xi32>
      %squeeze3A_1165 = vector.extract %slice3A_1164[0] : i32 from vector<1xi32>
      %jit3A_1166 = arith.constant 128 : i32
      %eq3A_1167 = arith.constant 0 : i32
      %eq3A_1168 = arith.cmpi eq, %jit3A_1166, %eq3A_1167 : i32
      %jit3A_1169 = arith.constant 1 : i32
      %select_n3A_1170 = arith.select %eq3A_1168, %jit3A_1169, %jit3A_1166 : i32
      %rem3A_1171 = arith.remsi %squeeze3A_1165, %select_n3A_1170 : i32
      %ne3A_1172 = arith.constant 0 : i32
      %ne3A_1173 = arith.cmpi ne, %rem3A_1171, %ne3A_1172 : i32
      %lt3A_1174 = arith.constant 0 : i32
      %lt3A_1175 = arith.cmpi slt, %rem3A_1171, %lt3A_1174 : i32
      %lt3A_1176 = arith.constant 0 : i32
      %lt3A_1177 = arith.cmpi slt, %select_n3A_1170, %lt3A_1176 : i32
      %ne3A_1178 = arith.xori %lt3A_1175, %lt3A_1177 : i1
      %and3A_1179 = arith.andi %ne3A_1178, %ne3A_1173 : i1
      %add3A_1180 = arith.addi %rem3A_1171, %select_n3A_1170 : i32
      %select_n3A_1181 = arith.select %and3A_1179, %add3A_1180, %rem3A_1171 : i32
      %mul3A_1182 = vector.broadcast %select_n3A_1181 : i32 to vector<16xi32>
      %mul3A_1183 = arith.muli %add3A_15, %mul3A_1182 : vector<16xi32>
      %add3A_1184 = arith.constant 0 : i32
      %add3A_1185 = vector.broadcast %add3A_1184 : i32 to vector<16xi32>
      %add3A_1186 = arith.addi %iota3A, %add3A_1185 : vector<16xi32>
      %gather3A_1187 = tpu.vector_load_idx %arg16[%add3A_1186, %mul3A_1183] : memref<64x128xf32, #tpu.memory_space<vmem>>[vector<16xi32>, vector<16xi32>], vector<16xf32>,
      %add3A_1188 = arith.addf %gather3A_1187, %get3A_3 : vector<16xf32>
      %add3A_1189 = arith.constant 7 : i32
      %add3A_1190 = arith.addi %mul3A_406, %add3A_1189 : i32
      %swap3A_1191 = arith.index_cast %add3A_1190 : i32 to index
      %swap3A_1192 = arith.constant 0 : index
      %swap3A_1193 = tpu.vector_load %arg7[%swap3A_1191, %swap3A_1192] {strides = array<i32>} : memref<64x64xf32, #tpu.memory_space<vmem>>, vector<16xf32>,
      tpu.vector_store %arg7[%swap3A_1191, %swap3A_1192], %add3A_1188 {strides = array<i32>} : memref<64x64xf32, #tpu.memory_space<vmem>>, vector<16xf32>,
      %add3A_1194 = arith.constant 16 : i32
      %add3A_1195 = vector.broadcast %add3A_1194 : i32 to vector<16xi32>
      %add3A_1196 = arith.addi %iota3A, %add3A_1195 : vector<16xi32>
      %gather3A_1197 = tpu.vector_load_idx %arg16[%add3A_1196, %mul3A_1183] : memref<64x128xf32, #tpu.memory_space<vmem>>[vector<16xi32>, vector<16xi32>], vector<16xf32>,
      %add3A_1198 = arith.addf %gather3A_1197, %get3A_5 : vector<16xf32>
      %add3A_1199 = arith.constant 7 : i32
      %add3A_1200 = arith.addi %mul3A_406, %add3A_1199 : i32
      %swap3A_1201 = arith.index_cast %add3A_1200 : i32 to index
      %swap3A_1202 = arith.constant 16 : index
      %swap3A_1203 = tpu.vector_load %arg7[%swap3A_1201, %swap3A_1202] {strides = array<i32>} : memref<64x64xf32, #tpu.memory_space<vmem>>, vector<16xf32>,
      tpu.vector_store %arg7[%swap3A_1201, %swap3A_1202], %add3A_1198 {strides = array<i32>} : memref<64x64xf32, #tpu.memory_space<vmem>>, vector<16xf32>,
      %add3A_1204 = arith.constant 32 : i32
      %add3A_1205 = vector.broadcast %add3A_1204 : i32 to vector<16xi32>
      %add3A_1206 = arith.addi %iota3A, %add3A_1205 : vector<16xi32>
      %gather3A_1207 = tpu.vector_load_idx %arg16[%add3A_1206, %mul3A_1183] : memref<64x128xf32, #tpu.memory_space<vmem>>[vector<16xi32>, vector<16xi32>], vector<16xf32>,
      %add3A_1208 = arith.addf %gather3A_1207, %get3A_7 : vector<16xf32>
      %add3A_1209 = arith.constant 7 : i32
      %add3A_1210 = arith.addi %mul3A_406, %add3A_1209 : i32
      %swap3A_1211 = arith.index_cast %add3A_1210 : i32 to index
      %swap3A_1212 = arith.constant 32 : index
      %swap3A_1213 = tpu.vector_load %arg7[%swap3A_1211, %swap3A_1212] {strides = array<i32>} : memref<64x64xf32, #tpu.memory_space<vmem>>, vector<16xf32>,
      tpu.vector_store %arg7[%swap3A_1211, %swap3A_1212], %add3A_1208 {strides = array<i32>} : memref<64x64xf32, #tpu.memory_space<vmem>>, vector<16xf32>,
      %add3A_1214 = arith.constant 48 : i32
      %add3A_1215 = vector.broadcast %add3A_1214 : i32 to vector<16xi32>
      %add3A_1216 = arith.addi %iota3A, %add3A_1215 : vector<16xi32>
      %gather3A_1217 = tpu.vector_load_idx %arg16[%add3A_1216, %mul3A_1183] : memref<64x128xf32, #tpu.memory_space<vmem>>[vector<16xi32>, vector<16xi32>], vector<16xf32>,
      %add3A_1218 = arith.addf %gather3A_1217, %get3A_9 : vector<16xf32>
      %add3A_1219 = arith.constant 7 : i32
      %add3A_1220 = arith.addi %mul3A_406, %add3A_1219 : i32
      %swap3A_1221 = arith.index_cast %add3A_1220 : i32 to index
      %swap3A_1222 = arith.constant 48 : index
      %swap3A_1223 = tpu.vector_load %arg7[%swap3A_1221, %swap3A_1222] {strides = array<i32>} : memref<64x64xf32, #tpu.memory_space<vmem>>, vector<16xf32>,
      tpu.vector_store %arg7[%swap3A_1221, %swap3A_1222], %add3A_1218 {strides = array<i32>} : memref<64x64xf32, #tpu.memory_space<vmem>>, vector<16xf32>,
      %slice3A_1224 = vector.extract_strided_slice %get3A_396 {offsets = [15], sizes = [1], strides = [1]} : vector<16xi32> to vector<1xi32>
      %squeeze3A_1225 = vector.extract %slice3A_1224[0] : i32 from vector<1xi32>
      %max3A_1226 = arith.constant 0 : i32
      %max3A_1227 = arith.maxsi %squeeze3A_1225, %max3A_1226 : i32
      %min3A_1228 = arith.constant 999999 : i32
      %min3A_1229 = arith.minsi %max3A_1227, %min3A_1228 : i32
      %jit3A_1230 = arith.constant 128 : i32
      %div3A_1231 = arith.divsi %min3A_1229, %jit3A_1230 : i32
      %sign3A_1232 = arith.constant 0 : i32
      %sign3A_1233 = arith.cmpi sgt, %min3A_1229, %sign3A_1232 : i32
      %sign3A_1234 = arith.extui %sign3A_1233 : i1 to i32
      %sign3A_1235 = arith.constant 0 : i32
      %sign3A_1236 = arith.cmpi slt, %min3A_1229, %sign3A_1235 : i32
      %sign3A_1237 = arith.extui %sign3A_1236 : i1 to i32
      %sign3A_1238 = arith.subi %sign3A_1234, %sign3A_1237 : i32
      %sign3A_1239 = arith.constant 0 : i32
      %sign3A_1240 = arith.cmpi sgt, %jit3A_1230, %sign3A_1239 : i32
      %sign3A_1241 = arith.extui %sign3A_1240 : i1 to i32
      %sign3A_1242 = arith.constant 0 : i32
      %sign3A_1243 = arith.cmpi slt, %jit3A_1230, %sign3A_1242 : i32
      %sign3A_1244 = arith.extui %sign3A_1243 : i1 to i32
      %sign3A_1245 = arith.subi %sign3A_1241, %sign3A_1244 : i32
      %ne3A_1246 = arith.cmpi ne, %sign3A_1238, %sign3A_1245 : i32
      %rem3A_1247 = arith.remsi %min3A_1229, %jit3A_1230 : i32
      %ne3A_1248 = arith.constant 0 : i32
      %ne3A_1249 = arith.cmpi ne, %rem3A_1247, %ne3A_1248 : i32
      %and3A_1250 = arith.andi %ne3A_1246, %ne3A_1249 : i1
      %sub3A_1251 = arith.constant 1 : i32
      %sub3A_1252 = arith.subi %div3A_1231, %sub3A_1251 : i32
      %select_n3A_1253 = arith.select %and3A_1250, %sub3A_1252, %div3A_1231 : i32
      %mul3A_1254 = arith.constant 128 : i32
      %mul3A_1255 = arith.muli %select_n3A_1253, %mul3A_1254 : i32
      %multiple_of3A_1256 = tpu.assume_multiple %mul3A_1255, 128 : i32
      %dma_start3A_1257 = arith.constant 0 : i32
      %dma_start3A_1258 = tpu.memref_slice %arg2[%dma_start3A_1257, %multiple_of3A_1256] : memref<64x1000000xf32, #tpu.memory_space<hbm>> -> memref<64x128xf32, #tpu.memory_space<hbm>>
      %dma_start3A_1259 = arith.constant 0 : i32
      %dma_start3A_1260 = tpu.memref_slice %arg2[%dma_start3A_1259, %multiple_of3A_1256] : memref<64x1000000xf32, #tpu.memory_space<hbm>> -> memref<64x128xf32, #tpu.memory_space<hbm>>
      tpu.enqueue_dma source(%dma_start3A_1260 : memref<64x128xf32, #tpu.memory_space<hbm>>) target(%arg16 : memref<64x128xf32, #tpu.memory_space<vmem>>) target_semaphore(%arg24 : memref<!tpu.dma_semaphore, #tpu.memory_space<semaphore_mem>>)
      %mul3A_1261 = arith.constant 16 : i32
      %mul3A_1262 = arith.muli %scan3A_392, %mul3A_1261 : i32
      %add3A_1263 = arith.constant 8 : i32
      %add3A_1264 = arith.addi %mul3A_1262, %add3A_1263 : i32
      %dma_wait3A_1265 = arith.constant 0 : i32
      %dma_wait3A_1266 = arith.constant 0 : i32
      %dma_wait3A_1267 = tpu.memref_slice %arg2[%dma_wait3A_1265, %dma_wait3A_1266] : memref<64x1000000xf32, #tpu.memory_space<hbm>> -> memref<64x128xf32, #tpu.memory_space<hbm>>
      %dma_wait3A_1268 = arith.constant 0 : i32
      %dma_wait3A_1269 = arith.constant 0 : i32
      %dma_wait3A_1270 = tpu.memref_slice %arg2[%dma_wait3A_1268, %dma_wait3A_1269] : memref<64x1000000xf32, #tpu.memory_space<hbm>> -> memref<64x128xf32, #tpu.memory_space<hbm>>
      tpu.wait_dma2 semaphore(%arg17 : memref<!tpu.dma_semaphore, #tpu.memory_space<semaphore_mem>>) src(%dma_wait3A_1270 : memref<64x128xf32, #tpu.memory_space<hbm>>) dst(%arg9 : memref<64x128xf32, #tpu.memory_space<vmem>>)
      %slice3A_1271 = vector.extract_strided_slice %get3A_396 {offsets = [8], sizes = [1], strides = [1]} : vector<16xi32> to vector<1xi32>
      %squeeze3A_1272 = vector.extract %slice3A_1271[0] : i32 from vector<1xi32>
      %jit3A_1273 = arith.constant 128 : i32
      %eq3A_1274 = arith.constant 0 : i32
      %eq3A_1275 = arith.cmpi eq, %jit3A_1273, %eq3A_1274 : i32
      %jit3A_1276 = arith.constant 1 : i32
      %select_n3A_1277 = arith.select %eq3A_1275, %jit3A_1276, %jit3A_1273 : i32
      %rem3A_1278 = arith.remsi %squeeze3A_1272, %select_n3A_1277 : i32
      %ne3A_1279 = arith.constant 0 : i32
      %ne3A_1280 = arith.cmpi ne, %rem3A_1278, %ne3A_1279 : i32
      %lt3A_1281 = arith.constant 0 : i32
      %lt3A_1282 = arith.cmpi slt, %rem3A_1278, %lt3A_1281 : i32
      %lt3A_1283 = arith.constant 0 : i32
      %lt3A_1284 = arith.cmpi slt, %select_n3A_1277, %lt3A_1283 : i32
      %ne3A_1285 = arith.xori %lt3A_1282, %lt3A_1284 : i1
      %and3A_1286 = arith.andi %ne3A_1285, %ne3A_1280 : i1
      %add3A_1287 = arith.addi %rem3A_1278, %select_n3A_1277 : i32
      %select_n3A_1288 = arith.select %and3A_1286, %add3A_1287, %rem3A_1278 : i32
      %mul3A_1289 = vector.broadcast %select_n3A_1288 : i32 to vector<16xi32>
      %mul3A_1290 = arith.muli %add3A_15, %mul3A_1289 : vector<16xi32>
      %add3A_1291 = arith.constant 0 : i32
      %add3A_1292 = vector.broadcast %add3A_1291 : i32 to vector<16xi32>
      %add3A_1293 = arith.addi %iota3A, %add3A_1292 : vector<16xi32>
      %gather3A_1294 = tpu.vector_load_idx %arg9[%add3A_1293, %mul3A_1290] : memref<64x128xf32, #tpu.memory_space<vmem>>[vector<16xi32>, vector<16xi32>], vector<16xf32>,
      %add3A_1295 = arith.addf %gather3A_1294, %get3A_3 : vector<16xf32>
      %add3A_1296 = arith.constant 8 : i32
      %add3A_1297 = arith.addi %mul3A_406, %add3A_1296 : i32
      %swap3A_1298 = arith.index_cast %add3A_1297 : i32 to index
      %swap3A_1299 = arith.constant 0 : index
      %swap3A_1300 = tpu.vector_load %arg7[%swap3A_1298, %swap3A_1299] {strides = array<i32>} : memref<64x64xf32, #tpu.memory_space<vmem>>, vector<16xf32>,
      tpu.vector_store %arg7[%swap3A_1298, %swap3A_1299], %add3A_1295 {strides = array<i32>} : memref<64x64xf32, #tpu.memory_space<vmem>>, vector<16xf32>,
      %add3A_1301 = arith.constant 16 : i32
      %add3A_1302 = vector.broadcast %add3A_1301 : i32 to vector<16xi32>
      %add3A_1303 = arith.addi %iota3A, %add3A_1302 : vector<16xi32>
      %gather3A_1304 = tpu.vector_load_idx %arg9[%add3A_1303, %mul3A_1290] : memref<64x128xf32, #tpu.memory_space<vmem>>[vector<16xi32>, vector<16xi32>], vector<16xf32>,
      %add3A_1305 = arith.addf %gather3A_1304, %get3A_5 : vector<16xf32>
      %add3A_1306 = arith.constant 8 : i32
      %add3A_1307 = arith.addi %mul3A_406, %add3A_1306 : i32
      %swap3A_1308 = arith.index_cast %add3A_1307 : i32 to index
      %swap3A_1309 = arith.constant 16 : index
      %swap3A_1310 = tpu.vector_load %arg7[%swap3A_1308, %swap3A_1309] {strides = array<i32>} : memref<64x64xf32, #tpu.memory_space<vmem>>, vector<16xf32>,
      tpu.vector_store %arg7[%swap3A_1308, %swap3A_1309], %add3A_1305 {strides = array<i32>} : memref<64x64xf32, #tpu.memory_space<vmem>>, vector<16xf32>,
      %add3A_1311 = arith.constant 32 : i32
      %add3A_1312 = vector.broadcast %add3A_1311 : i32 to vector<16xi32>
      %add3A_1313 = arith.addi %iota3A, %add3A_1312 : vector<16xi32>
      %gather3A_1314 = tpu.vector_load_idx %arg9[%add3A_1313, %mul3A_1290] : memref<64x128xf32, #tpu.memory_space<vmem>>[vector<16xi32>, vector<16xi32>], vector<16xf32>,
      %add3A_1315 = arith.addf %gather3A_1314, %get3A_7 : vector<16xf32>
      %add3A_1316 = arith.constant 8 : i32
      %add3A_1317 = arith.addi %mul3A_406, %add3A_1316 : i32
      %swap3A_1318 = arith.index_cast %add3A_1317 : i32 to index
      %swap3A_1319 = arith.constant 32 : index
      %swap3A_1320 = tpu.vector_load %arg7[%swap3A_1318, %swap3A_1319] {strides = array<i32>} : memref<64x64xf32, #tpu.memory_space<vmem>>, vector<16xf32>,
      tpu.vector_store %arg7[%swap3A_1318, %swap3A_1319], %add3A_1315 {strides = array<i32>} : memref<64x64xf32, #tpu.memory_space<vmem>>, vector<16xf32>,
      %add3A_1321 = arith.constant 48 : i32
      %add3A_1322 = vector.broadcast %add3A_1321 : i32 to vector<16xi32>
      %add3A_1323 = arith.addi %iota3A, %add3A_1322 : vector<16xi32>
      %gather3A_1324 = tpu.vector_load_idx %arg9[%add3A_1323, %mul3A_1290] : memref<64x128xf32, #tpu.memory_space<vmem>>[vector<16xi32>, vector<16xi32>], vector<16xf32>,
      %add3A_1325 = arith.addf %gather3A_1324, %get3A_9 : vector<16xf32>
      %add3A_1326 = arith.constant 8 : i32
      %add3A_1327 = arith.addi %mul3A_406, %add3A_1326 : i32
      %swap3A_1328 = arith.index_cast %add3A_1327 : i32 to index
      %swap3A_1329 = arith.constant 48 : index
      %swap3A_1330 = tpu.vector_load %arg7[%swap3A_1328, %swap3A_1329] {strides = array<i32>} : memref<64x64xf32, #tpu.memory_space<vmem>>, vector<16xf32>,
      tpu.vector_store %arg7[%swap3A_1328, %swap3A_1329], %add3A_1325 {strides = array<i32>} : memref<64x64xf32, #tpu.memory_space<vmem>>, vector<16xf32>,
      %slice3A_1331 = vector.extract_strided_slice %get3A_402 {offsets = [0], sizes = [1], strides = [1]} : vector<16xi32> to vector<1xi32>
      %squeeze3A_1332 = vector.extract %slice3A_1331[0] : i32 from vector<1xi32>
      %max3A_1333 = arith.constant 0 : i32
      %max3A_1334 = arith.maxsi %squeeze3A_1332, %max3A_1333 : i32
      %min3A_1335 = arith.constant 999999 : i32
      %min3A_1336 = arith.minsi %max3A_1334, %min3A_1335 : i32
      %jit3A_1337 = arith.constant 128 : i32
      %div3A_1338 = arith.divsi %min3A_1336, %jit3A_1337 : i32
      %sign3A_1339 = arith.constant 0 : i32
      %sign3A_1340 = arith.cmpi sgt, %min3A_1336, %sign3A_1339 : i32
      %sign3A_1341 = arith.extui %sign3A_1340 : i1 to i32
      %sign3A_1342 = arith.constant 0 : i32
      %sign3A_1343 = arith.cmpi slt, %min3A_1336, %sign3A_1342 : i32
      %sign3A_1344 = arith.extui %sign3A_1343 : i1 to i32
      %sign3A_1345 = arith.subi %sign3A_1341, %sign3A_1344 : i32
      %sign3A_1346 = arith.constant 0 : i32
      %sign3A_1347 = arith.cmpi sgt, %jit3A_1337, %sign3A_1346 : i32
      %sign3A_1348 = arith.extui %sign3A_1347 : i1 to i32
      %sign3A_1349 = arith.constant 0 : i32
      %sign3A_1350 = arith.cmpi slt, %jit3A_1337, %sign3A_1349 : i32
      %sign3A_1351 = arith.extui %sign3A_1350 : i1 to i32
      %sign3A_1352 = arith.subi %sign3A_1348, %sign3A_1351 : i32
      %ne3A_1353 = arith.cmpi ne, %sign3A_1345, %sign3A_1352 : i32
      %rem3A_1354 = arith.remsi %min3A_1336, %jit3A_1337 : i32
      %ne3A_1355 = arith.constant 0 : i32
      %ne3A_1356 = arith.cmpi ne, %rem3A_1354, %ne3A_1355 : i32
      %and3A_1357 = arith.andi %ne3A_1353, %ne3A_1356 : i1
      %sub3A_1358 = arith.constant 1 : i32
      %sub3A_1359 = arith.subi %div3A_1338, %sub3A_1358 : i32
      %select_n3A_1360 = arith.select %and3A_1357, %sub3A_1359, %div3A_1338 : i32
      %mul3A_1361 = arith.constant 128 : i32
      %mul3A_1362 = arith.muli %select_n3A_1360, %mul3A_1361 : i32
      %multiple_of3A_1363 = tpu.assume_multiple %mul3A_1362, 128 : i32
      %dma_start3A_1364 = arith.constant 0 : i32
      %dma_start3A_1365 = tpu.memref_slice %arg2[%dma_start3A_1364, %multiple_of3A_1363] : memref<64x1000000xf32, #tpu.memory_space<hbm>> -> memref<64x128xf32, #tpu.memory_space<hbm>>
      %dma_start3A_1366 = arith.constant 0 : i32
      %dma_start3A_1367 = tpu.memref_slice %arg2[%dma_start3A_1366, %multiple_of3A_1363] : memref<64x1000000xf32, #tpu.memory_space<hbm>> -> memref<64x128xf32, #tpu.memory_space<hbm>>
      tpu.enqueue_dma source(%dma_start3A_1367 : memref<64x128xf32, #tpu.memory_space<hbm>>) target(%arg9 : memref<64x128xf32, #tpu.memory_space<vmem>>) target_semaphore(%arg17 : memref<!tpu.dma_semaphore, #tpu.memory_space<semaphore_mem>>)
      %mul3A_1368 = arith.constant 16 : i32
      %mul3A_1369 = arith.muli %scan3A_392, %mul3A_1368 : i32
      %add3A_1370 = arith.constant 9 : i32
      %add3A_1371 = arith.addi %mul3A_1369, %add3A_1370 : i32
      %dma_wait3A_1372 = arith.constant 0 : i32
      %dma_wait3A_1373 = arith.constant 0 : i32
      %dma_wait3A_1374 = tpu.memref_slice %arg2[%dma_wait3A_1372, %dma_wait3A_1373] : memref<64x1000000xf32, #tpu.memory_space<hbm>> -> memref<64x128xf32, #tpu.memory_space<hbm>>
      %dma_wait3A_1375 = arith.constant 0 : i32
      %dma_wait3A_1376 = arith.constant 0 : i32
      %dma_wait3A_1377 = tpu.memref_slice %arg2[%dma_wait3A_1375, %dma_wait3A_1376] : memref<64x1000000xf32, #tpu.memory_space<hbm>> -> memref<64x128xf32, #tpu.memory_space<hbm>>
      tpu.wait_dma2 semaphore(%arg18 : memref<!tpu.dma_semaphore, #tpu.memory_space<semaphore_mem>>) src(%dma_wait3A_1377 : memref<64x128xf32, #tpu.memory_space<hbm>>) dst(%arg10 : memref<64x128xf32, #tpu.memory_space<vmem>>)
      %slice3A_1378 = vector.extract_strided_slice %get3A_396 {offsets = [9], sizes = [1], strides = [1]} : vector<16xi32> to vector<1xi32>
      %squeeze3A_1379 = vector.extract %slice3A_1378[0] : i32 from vector<1xi32>
      %jit3A_1380 = arith.constant 128 : i32
      %eq3A_1381 = arith.constant 0 : i32
      %eq3A_1382 = arith.cmpi eq, %jit3A_1380, %eq3A_1381 : i32
      %jit3A_1383 = arith.constant 1 : i32
      %select_n3A_1384 = arith.select %eq3A_1382, %jit3A_1383, %jit3A_1380 : i32
      %rem3A_1385 = arith.remsi %squeeze3A_1379, %select_n3A_1384 : i32
      %ne3A_1386 = arith.constant 0 : i32
      %ne3A_1387 = arith.cmpi ne, %rem3A_1385, %ne3A_1386 : i32
      %lt3A_1388 = arith.constant 0 : i32
      %lt3A_1389 = arith.cmpi slt, %rem3A_1385, %lt3A_1388 : i32
      %lt3A_1390 = arith.constant 0 : i32
      %lt3A_1391 = arith.cmpi slt, %select_n3A_1384, %lt3A_1390 : i32
      %ne3A_1392 = arith.xori %lt3A_1389, %lt3A_1391 : i1
      %and3A_1393 = arith.andi %ne3A_1392, %ne3A_1387 : i1
      %add3A_1394 = arith.addi %rem3A_1385, %select_n3A_1384 : i32
      %select_n3A_1395 = arith.select %and3A_1393, %add3A_1394, %rem3A_1385 : i32
      %mul3A_1396 = vector.broadcast %select_n3A_1395 : i32 to vector<16xi32>
      %mul3A_1397 = arith.muli %add3A_15, %mul3A_1396 : vector<16xi32>
      %add3A_1398 = arith.constant 0 : i32
      %add3A_1399 = vector.broadcast %add3A_1398 : i32 to vector<16xi32>
      %add3A_1400 = arith.addi %iota3A, %add3A_1399 : vector<16xi32>
      %gather3A_1401 = tpu.vector_load_idx %arg10[%add3A_1400, %mul3A_1397] : memref<64x128xf32, #tpu.memory_space<vmem>>[vector<16xi32>, vector<16xi32>], vector<16xf32>,
      %add3A_1402 = arith.addf %gather3A_1401, %get3A_3 : vector<16xf32>
      %add3A_1403 = arith.constant 9 : i32
      %add3A_1404 = arith.addi %mul3A_406, %add3A_1403 : i32
      %swap3A_1405 = arith.index_cast %add3A_1404 : i32 to index
      %swap3A_1406 = arith.constant 0 : index
      %swap3A_1407 = tpu.vector_load %arg7[%swap3A_1405, %swap3A_1406] {strides = array<i32>} : memref<64x64xf32, #tpu.memory_space<vmem>>, vector<16xf32>,
      tpu.vector_store %arg7[%swap3A_1405, %swap3A_1406], %add3A_1402 {strides = array<i32>} : memref<64x64xf32, #tpu.memory_space<vmem>>, vector<16xf32>,
      %add3A_1408 = arith.constant 16 : i32
      %add3A_1409 = vector.broadcast %add3A_1408 : i32 to vector<16xi32>
      %add3A_1410 = arith.addi %iota3A, %add3A_1409 : vector<16xi32>
      %gather3A_1411 = tpu.vector_load_idx %arg10[%add3A_1410, %mul3A_1397] : memref<64x128xf32, #tpu.memory_space<vmem>>[vector<16xi32>, vector<16xi32>], vector<16xf32>,
      %add3A_1412 = arith.addf %gather3A_1411, %get3A_5 : vector<16xf32>
      %add3A_1413 = arith.constant 9 : i32
      %add3A_1414 = arith.addi %mul3A_406, %add3A_1413 : i32
      %swap3A_1415 = arith.index_cast %add3A_1414 : i32 to index
      %swap3A_1416 = arith.constant 16 : index
      %swap3A_1417 = tpu.vector_load %arg7[%swap3A_1415, %swap3A_1416] {strides = array<i32>} : memref<64x64xf32, #tpu.memory_space<vmem>>, vector<16xf32>,
      tpu.vector_store %arg7[%swap3A_1415, %swap3A_1416], %add3A_1412 {strides = array<i32>} : memref<64x64xf32, #tpu.memory_space<vmem>>, vector<16xf32>,
      %add3A_1418 = arith.constant 32 : i32
      %add3A_1419 = vector.broadcast %add3A_1418 : i32 to vector<16xi32>
      %add3A_1420 = arith.addi %iota3A, %add3A_1419 : vector<16xi32>
      %gather3A_1421 = tpu.vector_load_idx %arg10[%add3A_1420, %mul3A_1397] : memref<64x128xf32, #tpu.memory_space<vmem>>[vector<16xi32>, vector<16xi32>], vector<16xf32>,
      %add3A_1422 = arith.addf %gather3A_1421, %get3A_7 : vector<16xf32>
      %add3A_1423 = arith.constant 9 : i32
      %add3A_1424 = arith.addi %mul3A_406, %add3A_1423 : i32
      %swap3A_1425 = arith.index_cast %add3A_1424 : i32 to index
      %swap3A_1426 = arith.constant 32 : index
      %swap3A_1427 = tpu.vector_load %arg7[%swap3A_1425, %swap3A_1426] {strides = array<i32>} : memref<64x64xf32, #tpu.memory_space<vmem>>, vector<16xf32>,
      tpu.vector_store %arg7[%swap3A_1425, %swap3A_1426], %add3A_1422 {strides = array<i32>} : memref<64x64xf32, #tpu.memory_space<vmem>>, vector<16xf32>,
      %add3A_1428 = arith.constant 48 : i32
      %add3A_1429 = vector.broadcast %add3A_1428 : i32 to vector<16xi32>
      %add3A_1430 = arith.addi %iota3A, %add3A_1429 : vector<16xi32>
      %gather3A_1431 = tpu.vector_load_idx %arg10[%add3A_1430, %mul3A_1397] : memref<64x128xf32, #tpu.memory_space<vmem>>[vector<16xi32>, vector<16xi32>], vector<16xf32>,
      %add3A_1432 = arith.addf %gather3A_1431, %get3A_9 : vector<16xf32>
      %add3A_1433 = arith.constant 9 : i32
      %add3A_1434 = arith.addi %mul3A_406, %add3A_1433 : i32
      %swap3A_1435 = arith.index_cast %add3A_1434 : i32 to index
      %swap3A_1436 = arith.constant 48 : index
      %swap3A_1437 = tpu.vector_load %arg7[%swap3A_1435, %swap3A_1436] {strides = array<i32>} : memref<64x64xf32, #tpu.memory_space<vmem>>, vector<16xf32>,
      tpu.vector_store %arg7[%swap3A_1435, %swap3A_1436], %add3A_1432 {strides = array<i32>} : memref<64x64xf32, #tpu.memory_space<vmem>>, vector<16xf32>,
      %slice3A_1438 = vector.extract_strided_slice %get3A_402 {offsets = [1], sizes = [1], strides = [1]} : vector<16xi32> to vector<1xi32>
      %squeeze3A_1439 = vector.extract %slice3A_1438[0] : i32 from vector<1xi32>
      %max3A_1440 = arith.constant 0 : i32
      %max3A_1441 = arith.maxsi %squeeze3A_1439, %max3A_1440 : i32
      %min3A_1442 = arith.constant 999999 : i32
      %min3A_1443 = arith.minsi %max3A_1441, %min3A_1442 : i32
      %jit3A_1444 = arith.constant 128 : i32
      %div3A_1445 = arith.divsi %min3A_1443, %jit3A_1444 : i32
      %sign3A_1446 = arith.constant 0 : i32
      %sign3A_1447 = arith.cmpi sgt, %min3A_1443, %sign3A_1446 : i32
      %sign3A_1448 = arith.extui %sign3A_1447 : i1 to i32
      %sign3A_1449 = arith.constant 0 : i32
      %sign3A_1450 = arith.cmpi slt, %min3A_1443, %sign3A_1449 : i32
      %sign3A_1451 = arith.extui %sign3A_1450 : i1 to i32
      %sign3A_1452 = arith.subi %sign3A_1448, %sign3A_1451 : i32
      %sign3A_1453 = arith.constant 0 : i32
      %sign3A_1454 = arith.cmpi sgt, %jit3A_1444, %sign3A_1453 : i32
      %sign3A_1455 = arith.extui %sign3A_1454 : i1 to i32
      %sign3A_1456 = arith.constant 0 : i32
      %sign3A_1457 = arith.cmpi slt, %jit3A_1444, %sign3A_1456 : i32
      %sign3A_1458 = arith.extui %sign3A_1457 : i1 to i32
      %sign3A_1459 = arith.subi %sign3A_1455, %sign3A_1458 : i32
      %ne3A_1460 = arith.cmpi ne, %sign3A_1452, %sign3A_1459 : i32
      %rem3A_1461 = arith.remsi %min3A_1443, %jit3A_1444 : i32
      %ne3A_1462 = arith.constant 0 : i32
      %ne3A_1463 = arith.cmpi ne, %rem3A_1461, %ne3A_1462 : i32
      %and3A_1464 = arith.andi %ne3A_1460, %ne3A_1463 : i1
      %sub3A_1465 = arith.constant 1 : i32
      %sub3A_1466 = arith.subi %div3A_1445, %sub3A_1465 : i32
      %select_n3A_1467 = arith.select %and3A_1464, %sub3A_1466, %div3A_1445 : i32
      %mul3A_1468 = arith.constant 128 : i32
      %mul3A_1469 = arith.muli %select_n3A_1467, %mul3A_1468 : i32
      %multiple_of3A_1470 = tpu.assume_multiple %mul3A_1469, 128 : i32
      %dma_start3A_1471 = arith.constant 0 : i32
      %dma_start3A_1472 = tpu.memref_slice %arg2[%dma_start3A_1471, %multiple_of3A_1470] : memref<64x1000000xf32, #tpu.memory_space<hbm>> -> memref<64x128xf32, #tpu.memory_space<hbm>>
      %dma_start3A_1473 = arith.constant 0 : i32
      %dma_start3A_1474 = tpu.memref_slice %arg2[%dma_start3A_1473, %multiple_of3A_1470] : memref<64x1000000xf32, #tpu.memory_space<hbm>> -> memref<64x128xf32, #tpu.memory_space<hbm>>
      tpu.enqueue_dma source(%dma_start3A_1474 : memref<64x128xf32, #tpu.memory_space<hbm>>) target(%arg10 : memref<64x128xf32, #tpu.memory_space<vmem>>) target_semaphore(%arg18 : memref<!tpu.dma_semaphore, #tpu.memory_space<semaphore_mem>>)
      %mul3A_1475 = arith.constant 16 : i32
      %mul3A_1476 = arith.muli %scan3A_392, %mul3A_1475 : i32
      %add3A_1477 = arith.constant 10 : i32
      %add3A_1478 = arith.addi %mul3A_1476, %add3A_1477 : i32
      %dma_wait3A_1479 = arith.constant 0 : i32
      %dma_wait3A_1480 = arith.constant 0 : i32
      %dma_wait3A_1481 = tpu.memref_slice %arg2[%dma_wait3A_1479, %dma_wait3A_1480] : memref<64x1000000xf32, #tpu.memory_space<hbm>> -> memref<64x128xf32, #tpu.memory_space<hbm>>
      %dma_wait3A_1482 = arith.constant 0 : i32
      %dma_wait3A_1483 = arith.constant 0 : i32
      %dma_wait3A_1484 = tpu.memref_slice %arg2[%dma_wait3A_1482, %dma_wait3A_1483] : memref<64x1000000xf32, #tpu.memory_space<hbm>> -> memref<64x128xf32, #tpu.memory_space<hbm>>
      tpu.wait_dma2 semaphore(%arg19 : memref<!tpu.dma_semaphore, #tpu.memory_space<semaphore_mem>>) src(%dma_wait3A_1484 : memref<64x128xf32, #tpu.memory_space<hbm>>) dst(%arg11 : memref<64x128xf32, #tpu.memory_space<vmem>>)
      %slice3A_1485 = vector.extract_strided_slice %get3A_396 {offsets = [10], sizes = [1], strides = [1]} : vector<16xi32> to vector<1xi32>
      %squeeze3A_1486 = vector.extract %slice3A_1485[0] : i32 from vector<1xi32>
      %jit3A_1487 = arith.constant 128 : i32
      %eq3A_1488 = arith.constant 0 : i32
      %eq3A_1489 = arith.cmpi eq, %jit3A_1487, %eq3A_1488 : i32
      %jit3A_1490 = arith.constant 1 : i32
      %select_n3A_1491 = arith.select %eq3A_1489, %jit3A_1490, %jit3A_1487 : i32
      %rem3A_1492 = arith.remsi %squeeze3A_1486, %select_n3A_1491 : i32
      %ne3A_1493 = arith.constant 0 : i32
      %ne3A_1494 = arith.cmpi ne, %rem3A_1492, %ne3A_1493 : i32
      %lt3A_1495 = arith.constant 0 : i32
      %lt3A_1496 = arith.cmpi slt, %rem3A_1492, %lt3A_1495 : i32
      %lt3A_1497 = arith.constant 0 : i32
      %lt3A_1498 = arith.cmpi slt, %select_n3A_1491, %lt3A_1497 : i32
      %ne3A_1499 = arith.xori %lt3A_1496, %lt3A_1498 : i1
      %and3A_1500 = arith.andi %ne3A_1499, %ne3A_1494 : i1
      %add3A_1501 = arith.addi %rem3A_1492, %select_n3A_1491 : i32
      %select_n3A_1502 = arith.select %and3A_1500, %add3A_1501, %rem3A_1492 : i32
      %mul3A_1503 = vector.broadcast %select_n3A_1502 : i32 to vector<16xi32>
      %mul3A_1504 = arith.muli %add3A_15, %mul3A_1503 : vector<16xi32>
      %add3A_1505 = arith.constant 0 : i32
      %add3A_1506 = vector.broadcast %add3A_1505 : i32 to vector<16xi32>
      %add3A_1507 = arith.addi %iota3A, %add3A_1506 : vector<16xi32>
      %gather3A_1508 = tpu.vector_load_idx %arg11[%add3A_1507, %mul3A_1504] : memref<64x128xf32, #tpu.memory_space<vmem>>[vector<16xi32>, vector<16xi32>], vector<16xf32>,
      %add3A_1509 = arith.addf %gather3A_1508, %get3A_3 : vector<16xf32>
      %add3A_1510 = arith.constant 10 : i32
      %add3A_1511 = arith.addi %mul3A_406, %add3A_1510 : i32
      %swap3A_1512 = arith.index_cast %add3A_1511 : i32 to index
      %swap3A_1513 = arith.constant 0 : index
      %swap3A_1514 = tpu.vector_load %arg7[%swap3A_1512, %swap3A_1513] {strides = array<i32>} : memref<64x64xf32, #tpu.memory_space<vmem>>, vector<16xf32>,
      tpu.vector_store %arg7[%swap3A_1512, %swap3A_1513], %add3A_1509 {strides = array<i32>} : memref<64x64xf32, #tpu.memory_space<vmem>>, vector<16xf32>,
      %add3A_1515 = arith.constant 16 : i32
      %add3A_1516 = vector.broadcast %add3A_1515 : i32 to vector<16xi32>
      %add3A_1517 = arith.addi %iota3A, %add3A_1516 : vector<16xi32>
      %gather3A_1518 = tpu.vector_load_idx %arg11[%add3A_1517, %mul3A_1504] : memref<64x128xf32, #tpu.memory_space<vmem>>[vector<16xi32>, vector<16xi32>], vector<16xf32>,
      %add3A_1519 = arith.addf %gather3A_1518, %get3A_5 : vector<16xf32>
      %add3A_1520 = arith.constant 10 : i32
      %add3A_1521 = arith.addi %mul3A_406, %add3A_1520 : i32
      %swap3A_1522 = arith.index_cast %add3A_1521 : i32 to index
      %swap3A_1523 = arith.constant 16 : index
      %swap3A_1524 = tpu.vector_load %arg7[%swap3A_1522, %swap3A_1523] {strides = array<i32>} : memref<64x64xf32, #tpu.memory_space<vmem>>, vector<16xf32>,
      tpu.vector_store %arg7[%swap3A_1522, %swap3A_1523], %add3A_1519 {strides = array<i32>} : memref<64x64xf32, #tpu.memory_space<vmem>>, vector<16xf32>,
      %add3A_1525 = arith.constant 32 : i32
      %add3A_1526 = vector.broadcast %add3A_1525 : i32 to vector<16xi32>
      %add3A_1527 = arith.addi %iota3A, %add3A_1526 : vector<16xi32>
      %gather3A_1528 = tpu.vector_load_idx %arg11[%add3A_1527, %mul3A_1504] : memref<64x128xf32, #tpu.memory_space<vmem>>[vector<16xi32>, vector<16xi32>], vector<16xf32>,
      %add3A_1529 = arith.addf %gather3A_1528, %get3A_7 : vector<16xf32>
      %add3A_1530 = arith.constant 10 : i32
      %add3A_1531 = arith.addi %mul3A_406, %add3A_1530 : i32
      %swap3A_1532 = arith.index_cast %add3A_1531 : i32 to index
      %swap3A_1533 = arith.constant 32 : index
      %swap3A_1534 = tpu.vector_load %arg7[%swap3A_1532, %swap3A_1533] {strides = array<i32>} : memref<64x64xf32, #tpu.memory_space<vmem>>, vector<16xf32>,
      tpu.vector_store %arg7[%swap3A_1532, %swap3A_1533], %add3A_1529 {strides = array<i32>} : memref<64x64xf32, #tpu.memory_space<vmem>>, vector<16xf32>,
      %add3A_1535 = arith.constant 48 : i32
      %add3A_1536 = vector.broadcast %add3A_1535 : i32 to vector<16xi32>
      %add3A_1537 = arith.addi %iota3A, %add3A_1536 : vector<16xi32>
      %gather3A_1538 = tpu.vector_load_idx %arg11[%add3A_1537, %mul3A_1504] : memref<64x128xf32, #tpu.memory_space<vmem>>[vector<16xi32>, vector<16xi32>], vector<16xf32>,
      %add3A_1539 = arith.addf %gather3A_1538, %get3A_9 : vector<16xf32>
      %add3A_1540 = arith.constant 10 : i32
      %add3A_1541 = arith.addi %mul3A_406, %add3A_1540 : i32
      %swap3A_1542 = arith.index_cast %add3A_1541 : i32 to index
      %swap3A_1543 = arith.constant 48 : index
      %swap3A_1544 = tpu.vector_load %arg7[%swap3A_1542, %swap3A_1543] {strides = array<i32>} : memref<64x64xf32, #tpu.memory_space<vmem>>, vector<16xf32>,
      tpu.vector_store %arg7[%swap3A_1542, %swap3A_1543], %add3A_1539 {strides = array<i32>} : memref<64x64xf32, #tpu.memory_space<vmem>>, vector<16xf32>,
      %slice3A_1545 = vector.extract_strided_slice %get3A_402 {offsets = [2], sizes = [1], strides = [1]} : vector<16xi32> to vector<1xi32>
      %squeeze3A_1546 = vector.extract %slice3A_1545[0] : i32 from vector<1xi32>
      %max3A_1547 = arith.constant 0 : i32
      %max3A_1548 = arith.maxsi %squeeze3A_1546, %max3A_1547 : i32
      %min3A_1549 = arith.constant 999999 : i32
      %min3A_1550 = arith.minsi %max3A_1548, %min3A_1549 : i32
      %jit3A_1551 = arith.constant 128 : i32
      %div3A_1552 = arith.divsi %min3A_1550, %jit3A_1551 : i32
      %sign3A_1553 = arith.constant 0 : i32
      %sign3A_1554 = arith.cmpi sgt, %min3A_1550, %sign3A_1553 : i32
      %sign3A_1555 = arith.extui %sign3A_1554 : i1 to i32
      %sign3A_1556 = arith.constant 0 : i32
      %sign3A_1557 = arith.cmpi slt, %min3A_1550, %sign3A_1556 : i32
      %sign3A_1558 = arith.extui %sign3A_1557 : i1 to i32
      %sign3A_1559 = arith.subi %sign3A_1555, %sign3A_1558 : i32
      %sign3A_1560 = arith.constant 0 : i32
      %sign3A_1561 = arith.cmpi sgt, %jit3A_1551, %sign3A_1560 : i32
      %sign3A_1562 = arith.extui %sign3A_1561 : i1 to i32
      %sign3A_1563 = arith.constant 0 : i32
      %sign3A_1564 = arith.cmpi slt, %jit3A_1551, %sign3A_1563 : i32
      %sign3A_1565 = arith.extui %sign3A_1564 : i1 to i32
      %sign3A_1566 = arith.subi %sign3A_1562, %sign3A_1565 : i32
      %ne3A_1567 = arith.cmpi ne, %sign3A_1559, %sign3A_1566 : i32
      %rem3A_1568 = arith.remsi %min3A_1550, %jit3A_1551 : i32
      %ne3A_1569 = arith.constant 0 : i32
      %ne3A_1570 = arith.cmpi ne, %rem3A_1568, %ne3A_1569 : i32
      %and3A_1571 = arith.andi %ne3A_1567, %ne3A_1570 : i1
      %sub3A_1572 = arith.constant 1 : i32
      %sub3A_1573 = arith.subi %div3A_1552, %sub3A_1572 : i32
      %select_n3A_1574 = arith.select %and3A_1571, %sub3A_1573, %div3A_1552 : i32
      %mul3A_1575 = arith.constant 128 : i32
      %mul3A_1576 = arith.muli %select_n3A_1574, %mul3A_1575 : i32
      %multiple_of3A_1577 = tpu.assume_multiple %mul3A_1576, 128 : i32
      %dma_start3A_1578 = arith.constant 0 : i32
      %dma_start3A_1579 = tpu.memref_slice %arg2[%dma_start3A_1578, %multiple_of3A_1577] : memref<64x1000000xf32, #tpu.memory_space<hbm>> -> memref<64x128xf32, #tpu.memory_space<hbm>>
      %dma_start3A_1580 = arith.constant 0 : i32
      %dma_start3A_1581 = tpu.memref_slice %arg2[%dma_start3A_1580, %multiple_of3A_1577] : memref<64x1000000xf32, #tpu.memory_space<hbm>> -> memref<64x128xf32, #tpu.memory_space<hbm>>
      tpu.enqueue_dma source(%dma_start3A_1581 : memref<64x128xf32, #tpu.memory_space<hbm>>) target(%arg11 : memref<64x128xf32, #tpu.memory_space<vmem>>) target_semaphore(%arg19 : memref<!tpu.dma_semaphore, #tpu.memory_space<semaphore_mem>>)
      %mul3A_1582 = arith.constant 16 : i32
      %mul3A_1583 = arith.muli %scan3A_392, %mul3A_1582 : i32
      %add3A_1584 = arith.constant 11 : i32
      %add3A_1585 = arith.addi %mul3A_1583, %add3A_1584 : i32
      %dma_wait3A_1586 = arith.constant 0 : i32
      %dma_wait3A_1587 = arith.constant 0 : i32
      %dma_wait3A_1588 = tpu.memref_slice %arg2[%dma_wait3A_1586, %dma_wait3A_1587] : memref<64x1000000xf32, #tpu.memory_space<hbm>> -> memref<64x128xf32, #tpu.memory_space<hbm>>
      %dma_wait3A_1589 = arith.constant 0 : i32
      %dma_wait3A_1590 = arith.constant 0 : i32
      %dma_wait3A_1591 = tpu.memref_slice %arg2[%dma_wait3A_1589, %dma_wait3A_1590] : memref<64x1000000xf32, #tpu.memory_space<hbm>> -> memref<64x128xf32, #tpu.memory_space<hbm>>
      tpu.wait_dma2 semaphore(%arg20 : memref<!tpu.dma_semaphore, #tpu.memory_space<semaphore_mem>>) src(%dma_wait3A_1591 : memref<64x128xf32, #tpu.memory_space<hbm>>) dst(%arg12 : memref<64x128xf32, #tpu.memory_space<vmem>>)
      %slice3A_1592 = vector.extract_strided_slice %get3A_396 {offsets = [11], sizes = [1], strides = [1]} : vector<16xi32> to vector<1xi32>
      %squeeze3A_1593 = vector.extract %slice3A_1592[0] : i32 from vector<1xi32>
      %jit3A_1594 = arith.constant 128 : i32
      %eq3A_1595 = arith.constant 0 : i32
      %eq3A_1596 = arith.cmpi eq, %jit3A_1594, %eq3A_1595 : i32
      %jit3A_1597 = arith.constant 1 : i32
      %select_n3A_1598 = arith.select %eq3A_1596, %jit3A_1597, %jit3A_1594 : i32
      %rem3A_1599 = arith.remsi %squeeze3A_1593, %select_n3A_1598 : i32
      %ne3A_1600 = arith.constant 0 : i32
      %ne3A_1601 = arith.cmpi ne, %rem3A_1599, %ne3A_1600 : i32
      %lt3A_1602 = arith.constant 0 : i32
      %lt3A_1603 = arith.cmpi slt, %rem3A_1599, %lt3A_1602 : i32
      %lt3A_1604 = arith.constant 0 : i32
      %lt3A_1605 = arith.cmpi slt, %select_n3A_1598, %lt3A_1604 : i32
      %ne3A_1606 = arith.xori %lt3A_1603, %lt3A_1605 : i1
      %and3A_1607 = arith.andi %ne3A_1606, %ne3A_1601 : i1
      %add3A_1608 = arith.addi %rem3A_1599, %select_n3A_1598 : i32
      %select_n3A_1609 = arith.select %and3A_1607, %add3A_1608, %rem3A_1599 : i32
      %mul3A_1610 = vector.broadcast %select_n3A_1609 : i32 to vector<16xi32>
      %mul3A_1611 = arith.muli %add3A_15, %mul3A_1610 : vector<16xi32>
      %add3A_1612 = arith.constant 0 : i32
      %add3A_1613 = vector.broadcast %add3A_1612 : i32 to vector<16xi32>
      %add3A_1614 = arith.addi %iota3A, %add3A_1613 : vector<16xi32>
      %gather3A_1615 = tpu.vector_load_idx %arg12[%add3A_1614, %mul3A_1611] : memref<64x128xf32, #tpu.memory_space<vmem>>[vector<16xi32>, vector<16xi32>], vector<16xf32>,
      %add3A_1616 = arith.addf %gather3A_1615, %get3A_3 : vector<16xf32>
      %add3A_1617 = arith.constant 11 : i32
      %add3A_1618 = arith.addi %mul3A_406, %add3A_1617 : i32
      %swap3A_1619 = arith.index_cast %add3A_1618 : i32 to index
      %swap3A_1620 = arith.constant 0 : index
      %swap3A_1621 = tpu.vector_load %arg7[%swap3A_1619, %swap3A_1620] {strides = array<i32>} : memref<64x64xf32, #tpu.memory_space<vmem>>, vector<16xf32>,
      tpu.vector_store %arg7[%swap3A_1619, %swap3A_1620], %add3A_1616 {strides = array<i32>} : memref<64x64xf32, #tpu.memory_space<vmem>>, vector<16xf32>,
      %add3A_1622 = arith.constant 16 : i32
      %add3A_1623 = vector.broadcast %add3A_1622 : i32 to vector<16xi32>
      %add3A_1624 = arith.addi %iota3A, %add3A_1623 : vector<16xi32>
      %gather3A_1625 = tpu.vector_load_idx %arg12[%add3A_1624, %mul3A_1611] : memref<64x128xf32, #tpu.memory_space<vmem>>[vector<16xi32>, vector<16xi32>], vector<16xf32>,
      %add3A_1626 = arith.addf %gather3A_1625, %get3A_5 : vector<16xf32>
      %add3A_1627 = arith.constant 11 : i32
      %add3A_1628 = arith.addi %mul3A_406, %add3A_1627 : i32
      %swap3A_1629 = arith.index_cast %add3A_1628 : i32 to index
      %swap3A_1630 = arith.constant 16 : index
      %swap3A_1631 = tpu.vector_load %arg7[%swap3A_1629, %swap3A_1630] {strides = array<i32>} : memref<64x64xf32, #tpu.memory_space<vmem>>, vector<16xf32>,
      tpu.vector_store %arg7[%swap3A_1629, %swap3A_1630], %add3A_1626 {strides = array<i32>} : memref<64x64xf32, #tpu.memory_space<vmem>>, vector<16xf32>,
      %add3A_1632 = arith.constant 32 : i32
      %add3A_1633 = vector.broadcast %add3A_1632 : i32 to vector<16xi32>
      %add3A_1634 = arith.addi %iota3A, %add3A_1633 : vector<16xi32>
      %gather3A_1635 = tpu.vector_load_idx %arg12[%add3A_1634, %mul3A_1611] : memref<64x128xf32, #tpu.memory_space<vmem>>[vector<16xi32>, vector<16xi32>], vector<16xf32>,
      %add3A_1636 = arith.addf %gather3A_1635, %get3A_7 : vector<16xf32>
      %add3A_1637 = arith.constant 11 : i32
      %add3A_1638 = arith.addi %mul3A_406, %add3A_1637 : i32
      %swap3A_1639 = arith.index_cast %add3A_1638 : i32 to index
      %swap3A_1640 = arith.constant 32 : index
      %swap3A_1641 = tpu.vector_load %arg7[%swap3A_1639, %swap3A_1640] {strides = array<i32>} : memref<64x64xf32, #tpu.memory_space<vmem>>, vector<16xf32>,
      tpu.vector_store %arg7[%swap3A_1639, %swap3A_1640], %add3A_1636 {strides = array<i32>} : memref<64x64xf32, #tpu.memory_space<vmem>>, vector<16xf32>,
      %add3A_1642 = arith.constant 48 : i32
      %add3A_1643 = vector.broadcast %add3A_1642 : i32 to vector<16xi32>
      %add3A_1644 = arith.addi %iota3A, %add3A_1643 : vector<16xi32>
      %gather3A_1645 = tpu.vector_load_idx %arg12[%add3A_1644, %mul3A_1611] : memref<64x128xf32, #tpu.memory_space<vmem>>[vector<16xi32>, vector<16xi32>], vector<16xf32>,
      %add3A_1646 = arith.addf %gather3A_1645, %get3A_9 : vector<16xf32>
      %add3A_1647 = arith.constant 11 : i32
      %add3A_1648 = arith.addi %mul3A_406, %add3A_1647 : i32
      %swap3A_1649 = arith.index_cast %add3A_1648 : i32 to index
      %swap3A_1650 = arith.constant 48 : index
      %swap3A_1651 = tpu.vector_load %arg7[%swap3A_1649, %swap3A_1650] {strides = array<i32>} : memref<64x64xf32, #tpu.memory_space<vmem>>, vector<16xf32>,
      tpu.vector_store %arg7[%swap3A_1649, %swap3A_1650], %add3A_1646 {strides = array<i32>} : memref<64x64xf32, #tpu.memory_space<vmem>>, vector<16xf32>,
      %slice3A_1652 = vector.extract_strided_slice %get3A_402 {offsets = [3], sizes = [1], strides = [1]} : vector<16xi32> to vector<1xi32>
      %squeeze3A_1653 = vector.extract %slice3A_1652[0] : i32 from vector<1xi32>
      %max3A_1654 = arith.constant 0 : i32
      %max3A_1655 = arith.maxsi %squeeze3A_1653, %max3A_1654 : i32
      %min3A_1656 = arith.constant 999999 : i32
      %min3A_1657 = arith.minsi %max3A_1655, %min3A_1656 : i32
      %jit3A_1658 = arith.constant 128 : i32
      %div3A_1659 = arith.divsi %min3A_1657, %jit3A_1658 : i32
      %sign3A_1660 = arith.constant 0 : i32
      %sign3A_1661 = arith.cmpi sgt, %min3A_1657, %sign3A_1660 : i32
      %sign3A_1662 = arith.extui %sign3A_1661 : i1 to i32
      %sign3A_1663 = arith.constant 0 : i32
      %sign3A_1664 = arith.cmpi slt, %min3A_1657, %sign3A_1663 : i32
      %sign3A_1665 = arith.extui %sign3A_1664 : i1 to i32
      %sign3A_1666 = arith.subi %sign3A_1662, %sign3A_1665 : i32
      %sign3A_1667 = arith.constant 0 : i32
      %sign3A_1668 = arith.cmpi sgt, %jit3A_1658, %sign3A_1667 : i32
      %sign3A_1669 = arith.extui %sign3A_1668 : i1 to i32
      %sign3A_1670 = arith.constant 0 : i32
      %sign3A_1671 = arith.cmpi slt, %jit3A_1658, %sign3A_1670 : i32
      %sign3A_1672 = arith.extui %sign3A_1671 : i1 to i32
      %sign3A_1673 = arith.subi %sign3A_1669, %sign3A_1672 : i32
      %ne3A_1674 = arith.cmpi ne, %sign3A_1666, %sign3A_1673 : i32
      %rem3A_1675 = arith.remsi %min3A_1657, %jit3A_1658 : i32
      %ne3A_1676 = arith.constant 0 : i32
      %ne3A_1677 = arith.cmpi ne, %rem3A_1675, %ne3A_1676 : i32
      %and3A_1678 = arith.andi %ne3A_1674, %ne3A_1677 : i1
      %sub3A_1679 = arith.constant 1 : i32
      %sub3A_1680 = arith.subi %div3A_1659, %sub3A_1679 : i32
      %select_n3A_1681 = arith.select %and3A_1678, %sub3A_1680, %div3A_1659 : i32
      %mul3A_1682 = arith.constant 128 : i32
      %mul3A_1683 = arith.muli %select_n3A_1681, %mul3A_1682 : i32
      %multiple_of3A_1684 = tpu.assume_multiple %mul3A_1683, 128 : i32
      %dma_start3A_1685 = arith.constant 0 : i32
      %dma_start3A_1686 = tpu.memref_slice %arg2[%dma_start3A_1685, %multiple_of3A_1684] : memref<64x1000000xf32, #tpu.memory_space<hbm>> -> memref<64x128xf32, #tpu.memory_space<hbm>>
      %dma_start3A_1687 = arith.constant 0 : i32
      %dma_start3A_1688 = tpu.memref_slice %arg2[%dma_start3A_1687, %multiple_of3A_1684] : memref<64x1000000xf32, #tpu.memory_space<hbm>> -> memref<64x128xf32, #tpu.memory_space<hbm>>
      tpu.enqueue_dma source(%dma_start3A_1688 : memref<64x128xf32, #tpu.memory_space<hbm>>) target(%arg12 : memref<64x128xf32, #tpu.memory_space<vmem>>) target_semaphore(%arg20 : memref<!tpu.dma_semaphore, #tpu.memory_space<semaphore_mem>>)
      %mul3A_1689 = arith.constant 16 : i32
      %mul3A_1690 = arith.muli %scan3A_392, %mul3A_1689 : i32
      %add3A_1691 = arith.constant 12 : i32
      %add3A_1692 = arith.addi %mul3A_1690, %add3A_1691 : i32
      %dma_wait3A_1693 = arith.constant 0 : i32
      %dma_wait3A_1694 = arith.constant 0 : i32
      %dma_wait3A_1695 = tpu.memref_slice %arg2[%dma_wait3A_1693, %dma_wait3A_1694] : memref<64x1000000xf32, #tpu.memory_space<hbm>> -> memref<64x128xf32, #tpu.memory_space<hbm>>
      %dma_wait3A_1696 = arith.constant 0 : i32
      %dma_wait3A_1697 = arith.constant 0 : i32
      %dma_wait3A_1698 = tpu.memref_slice %arg2[%dma_wait3A_1696, %dma_wait3A_1697] : memref<64x1000000xf32, #tpu.memory_space<hbm>> -> memref<64x128xf32, #tpu.memory_space<hbm>>
      tpu.wait_dma2 semaphore(%arg21 : memref<!tpu.dma_semaphore, #tpu.memory_space<semaphore_mem>>) src(%dma_wait3A_1698 : memref<64x128xf32, #tpu.memory_space<hbm>>) dst(%arg13 : memref<64x128xf32, #tpu.memory_space<vmem>>)
      %slice3A_1699 = vector.extract_strided_slice %get3A_396 {offsets = [12], sizes = [1], strides = [1]} : vector<16xi32> to vector<1xi32>
      %squeeze3A_1700 = vector.extract %slice3A_1699[0] : i32 from vector<1xi32>
      %jit3A_1701 = arith.constant 128 : i32
      %eq3A_1702 = arith.constant 0 : i32
      %eq3A_1703 = arith.cmpi eq, %jit3A_1701, %eq3A_1702 : i32
      %jit3A_1704 = arith.constant 1 : i32
      %select_n3A_1705 = arith.select %eq3A_1703, %jit3A_1704, %jit3A_1701 : i32
      %rem3A_1706 = arith.remsi %squeeze3A_1700, %select_n3A_1705 : i32
      %ne3A_1707 = arith.constant 0 : i32
      %ne3A_1708 = arith.cmpi ne, %rem3A_1706, %ne3A_1707 : i32
      %lt3A_1709 = arith.constant 0 : i32
      %lt3A_1710 = arith.cmpi slt, %rem3A_1706, %lt3A_1709 : i32
      %lt3A_1711 = arith.constant 0 : i32
      %lt3A_1712 = arith.cmpi slt, %select_n3A_1705, %lt3A_1711 : i32
      %ne3A_1713 = arith.xori %lt3A_1710, %lt3A_1712 : i1
      %and3A_1714 = arith.andi %ne3A_1713, %ne3A_1708 : i1
      %add3A_1715 = arith.addi %rem3A_1706, %select_n3A_1705 : i32
      %select_n3A_1716 = arith.select %and3A_1714, %add3A_1715, %rem3A_1706 : i32
      %mul3A_1717 = vector.broadcast %select_n3A_1716 : i32 to vector<16xi32>
      %mul3A_1718 = arith.muli %add3A_15, %mul3A_1717 : vector<16xi32>
      %add3A_1719 = arith.constant 0 : i32
      %add3A_1720 = vector.broadcast %add3A_1719 : i32 to vector<16xi32>
      %add3A_1721 = arith.addi %iota3A, %add3A_1720 : vector<16xi32>
      %gather3A_1722 = tpu.vector_load_idx %arg13[%add3A_1721, %mul3A_1718] : memref<64x128xf32, #tpu.memory_space<vmem>>[vector<16xi32>, vector<16xi32>], vector<16xf32>,
      %add3A_1723 = arith.addf %gather3A_1722, %get3A_3 : vector<16xf32>
      %add3A_1724 = arith.constant 12 : i32
      %add3A_1725 = arith.addi %mul3A_406, %add3A_1724 : i32
      %swap3A_1726 = arith.index_cast %add3A_1725 : i32 to index
      %swap3A_1727 = arith.constant 0 : index
      %swap3A_1728 = tpu.vector_load %arg7[%swap3A_1726, %swap3A_1727] {strides = array<i32>} : memref<64x64xf32, #tpu.memory_space<vmem>>, vector<16xf32>,
      tpu.vector_store %arg7[%swap3A_1726, %swap3A_1727], %add3A_1723 {strides = array<i32>} : memref<64x64xf32, #tpu.memory_space<vmem>>, vector<16xf32>,
      %add3A_1729 = arith.constant 16 : i32
      %add3A_1730 = vector.broadcast %add3A_1729 : i32 to vector<16xi32>
      %add3A_1731 = arith.addi %iota3A, %add3A_1730 : vector<16xi32>
      %gather3A_1732 = tpu.vector_load_idx %arg13[%add3A_1731, %mul3A_1718] : memref<64x128xf32, #tpu.memory_space<vmem>>[vector<16xi32>, vector<16xi32>], vector<16xf32>,
      %add3A_1733 = arith.addf %gather3A_1732, %get3A_5 : vector<16xf32>
      %add3A_1734 = arith.constant 12 : i32
      %add3A_1735 = arith.addi %mul3A_406, %add3A_1734 : i32
      %swap3A_1736 = arith.index_cast %add3A_1735 : i32 to index
      %swap3A_1737 = arith.constant 16 : index
      %swap3A_1738 = tpu.vector_load %arg7[%swap3A_1736, %swap3A_1737] {strides = array<i32>} : memref<64x64xf32, #tpu.memory_space<vmem>>, vector<16xf32>,
      tpu.vector_store %arg7[%swap3A_1736, %swap3A_1737], %add3A_1733 {strides = array<i32>} : memref<64x64xf32, #tpu.memory_space<vmem>>, vector<16xf32>,
      %add3A_1739 = arith.constant 32 : i32
      %add3A_1740 = vector.broadcast %add3A_1739 : i32 to vector<16xi32>
      %add3A_1741 = arith.addi %iota3A, %add3A_1740 : vector<16xi32>
      %gather3A_1742 = tpu.vector_load_idx %arg13[%add3A_1741, %mul3A_1718] : memref<64x128xf32, #tpu.memory_space<vmem>>[vector<16xi32>, vector<16xi32>], vector<16xf32>,
      %add3A_1743 = arith.addf %gather3A_1742, %get3A_7 : vector<16xf32>
      %add3A_1744 = arith.constant 12 : i32
      %add3A_1745 = arith.addi %mul3A_406, %add3A_1744 : i32
      %swap3A_1746 = arith.index_cast %add3A_1745 : i32 to index
      %swap3A_1747 = arith.constant 32 : index
      %swap3A_1748 = tpu.vector_load %arg7[%swap3A_1746, %swap3A_1747] {strides = array<i32>} : memref<64x64xf32, #tpu.memory_space<vmem>>, vector<16xf32>,
      tpu.vector_store %arg7[%swap3A_1746, %swap3A_1747], %add3A_1743 {strides = array<i32>} : memref<64x64xf32, #tpu.memory_space<vmem>>, vector<16xf32>,
      %add3A_1749 = arith.constant 48 : i32
      %add3A_1750 = vector.broadcast %add3A_1749 : i32 to vector<16xi32>
      %add3A_1751 = arith.addi %iota3A, %add3A_1750 : vector<16xi32>
      %gather3A_1752 = tpu.vector_load_idx %arg13[%add3A_1751, %mul3A_1718] : memref<64x128xf32, #tpu.memory_space<vmem>>[vector<16xi32>, vector<16xi32>], vector<16xf32>,
      %add3A_1753 = arith.addf %gather3A_1752, %get3A_9 : vector<16xf32>
      %add3A_1754 = arith.constant 12 : i32
      %add3A_1755 = arith.addi %mul3A_406, %add3A_1754 : i32
      %swap3A_1756 = arith.index_cast %add3A_1755 : i32 to index
      %swap3A_1757 = arith.constant 48 : index
      %swap3A_1758 = tpu.vector_load %arg7[%swap3A_1756, %swap3A_1757] {strides = array<i32>} : memref<64x64xf32, #tpu.memory_space<vmem>>, vector<16xf32>,
      tpu.vector_store %arg7[%swap3A_1756, %swap3A_1757], %add3A_1753 {strides = array<i32>} : memref<64x64xf32, #tpu.memory_space<vmem>>, vector<16xf32>,
      %slice3A_1759 = vector.extract_strided_slice %get3A_402 {offsets = [4], sizes = [1], strides = [1]} : vector<16xi32> to vector<1xi32>
      %squeeze3A_1760 = vector.extract %slice3A_1759[0] : i32 from vector<1xi32>
      %max3A_1761 = arith.constant 0 : i32
      %max3A_1762 = arith.maxsi %squeeze3A_1760, %max3A_1761 : i32
      %min3A_1763 = arith.constant 999999 : i32
      %min3A_1764 = arith.minsi %max3A_1762, %min3A_1763 : i32
      %jit3A_1765 = arith.constant 128 : i32
      %div3A_1766 = arith.divsi %min3A_1764, %jit3A_1765 : i32
      %sign3A_1767 = arith.constant 0 : i32
      %sign3A_1768 = arith.cmpi sgt, %min3A_1764, %sign3A_1767 : i32
      %sign3A_1769 = arith.extui %sign3A_1768 : i1 to i32
      %sign3A_1770 = arith.constant 0 : i32
      %sign3A_1771 = arith.cmpi slt, %min3A_1764, %sign3A_1770 : i32
      %sign3A_1772 = arith.extui %sign3A_1771 : i1 to i32
      %sign3A_1773 = arith.subi %sign3A_1769, %sign3A_1772 : i32
      %sign3A_1774 = arith.constant 0 : i32
      %sign3A_1775 = arith.cmpi sgt, %jit3A_1765, %sign3A_1774 : i32
      %sign3A_1776 = arith.extui %sign3A_1775 : i1 to i32
      %sign3A_1777 = arith.constant 0 : i32
      %sign3A_1778 = arith.cmpi slt, %jit3A_1765, %sign3A_1777 : i32
      %sign3A_1779 = arith.extui %sign3A_1778 : i1 to i32
      %sign3A_1780 = arith.subi %sign3A_1776, %sign3A_1779 : i32
      %ne3A_1781 = arith.cmpi ne, %sign3A_1773, %sign3A_1780 : i32
      %rem3A_1782 = arith.remsi %min3A_1764, %jit3A_1765 : i32
      %ne3A_1783 = arith.constant 0 : i32
      %ne3A_1784 = arith.cmpi ne, %rem3A_1782, %ne3A_1783 : i32
      %and3A_1785 = arith.andi %ne3A_1781, %ne3A_1784 : i1
      %sub3A_1786 = arith.constant 1 : i32
      %sub3A_1787 = arith.subi %div3A_1766, %sub3A_1786 : i32
      %select_n3A_1788 = arith.select %and3A_1785, %sub3A_1787, %div3A_1766 : i32
      %mul3A_1789 = arith.constant 128 : i32
      %mul3A_1790 = arith.muli %select_n3A_1788, %mul3A_1789 : i32
      %multiple_of3A_1791 = tpu.assume_multiple %mul3A_1790, 128 : i32
      %dma_start3A_1792 = arith.constant 0 : i32
      %dma_start3A_1793 = tpu.memref_slice %arg2[%dma_start3A_1792, %multiple_of3A_1791] : memref<64x1000000xf32, #tpu.memory_space<hbm>> -> memref<64x128xf32, #tpu.memory_space<hbm>>
      %dma_start3A_1794 = arith.constant 0 : i32
      %dma_start3A_1795 = tpu.memref_slice %arg2[%dma_start3A_1794, %multiple_of3A_1791] : memref<64x1000000xf32, #tpu.memory_space<hbm>> -> memref<64x128xf32, #tpu.memory_space<hbm>>
      tpu.enqueue_dma source(%dma_start3A_1795 : memref<64x128xf32, #tpu.memory_space<hbm>>) target(%arg13 : memref<64x128xf32, #tpu.memory_space<vmem>>) target_semaphore(%arg21 : memref<!tpu.dma_semaphore, #tpu.memory_space<semaphore_mem>>)
      %mul3A_1796 = arith.constant 16 : i32
      %mul3A_1797 = arith.muli %scan3A_392, %mul3A_1796 : i32
      %add3A_1798 = arith.constant 13 : i32
      %add3A_1799 = arith.addi %mul3A_1797, %add3A_1798 : i32
      %dma_wait3A_1800 = arith.constant 0 : i32
      %dma_wait3A_1801 = arith.constant 0 : i32
      %dma_wait3A_1802 = tpu.memref_slice %arg2[%dma_wait3A_1800, %dma_wait3A_1801] : memref<64x1000000xf32, #tpu.memory_space<hbm>> -> memref<64x128xf32, #tpu.memory_space<hbm>>
      %dma_wait3A_1803 = arith.constant 0 : i32
      %dma_wait3A_1804 = arith.constant 0 : i32
      %dma_wait3A_1805 = tpu.memref_slice %arg2[%dma_wait3A_1803, %dma_wait3A_1804] : memref<64x1000000xf32, #tpu.memory_space<hbm>> -> memref<64x128xf32, #tpu.memory_space<hbm>>
      tpu.wait_dma2 semaphore(%arg22 : memref<!tpu.dma_semaphore, #tpu.memory_space<semaphore_mem>>) src(%dma_wait3A_1805 : memref<64x128xf32, #tpu.memory_space<hbm>>) dst(%arg14 : memref<64x128xf32, #tpu.memory_space<vmem>>)
      %slice3A_1806 = vector.extract_strided_slice %get3A_396 {offsets = [13], sizes = [1], strides = [1]} : vector<16xi32> to vector<1xi32>
      %squeeze3A_1807 = vector.extract %slice3A_1806[0] : i32 from vector<1xi32>
      %jit3A_1808 = arith.constant 128 : i32
      %eq3A_1809 = arith.constant 0 : i32
      %eq3A_1810 = arith.cmpi eq, %jit3A_1808, %eq3A_1809 : i32
      %jit3A_1811 = arith.constant 1 : i32
      %select_n3A_1812 = arith.select %eq3A_1810, %jit3A_1811, %jit3A_1808 : i32
      %rem3A_1813 = arith.remsi %squeeze3A_1807, %select_n3A_1812 : i32
      %ne3A_1814 = arith.constant 0 : i32
      %ne3A_1815 = arith.cmpi ne, %rem3A_1813, %ne3A_1814 : i32
      %lt3A_1816 = arith.constant 0 : i32
      %lt3A_1817 = arith.cmpi slt, %rem3A_1813, %lt3A_1816 : i32
      %lt3A_1818 = arith.constant 0 : i32
      %lt3A_1819 = arith.cmpi slt, %select_n3A_1812, %lt3A_1818 : i32
      %ne3A_1820 = arith.xori %lt3A_1817, %lt3A_1819 : i1
      %and3A_1821 = arith.andi %ne3A_1820, %ne3A_1815 : i1
      %add3A_1822 = arith.addi %rem3A_1813, %select_n3A_1812 : i32
      %select_n3A_1823 = arith.select %and3A_1821, %add3A_1822, %rem3A_1813 : i32
      %mul3A_1824 = vector.broadcast %select_n3A_1823 : i32 to vector<16xi32>
      %mul3A_1825 = arith.muli %add3A_15, %mul3A_1824 : vector<16xi32>
      %add3A_1826 = arith.constant 0 : i32
      %add3A_1827 = vector.broadcast %add3A_1826 : i32 to vector<16xi32>
      %add3A_1828 = arith.addi %iota3A, %add3A_1827 : vector<16xi32>
      %gather3A_1829 = tpu.vector_load_idx %arg14[%add3A_1828, %mul3A_1825] : memref<64x128xf32, #tpu.memory_space<vmem>>[vector<16xi32>, vector<16xi32>], vector<16xf32>,
      %add3A_1830 = arith.addf %gather3A_1829, %get3A_3 : vector<16xf32>
      %add3A_1831 = arith.constant 13 : i32
      %add3A_1832 = arith.addi %mul3A_406, %add3A_1831 : i32
      %swap3A_1833 = arith.index_cast %add3A_1832 : i32 to index
      %swap3A_1834 = arith.constant 0 : index
      %swap3A_1835 = tpu.vector_load %arg7[%swap3A_1833, %swap3A_1834] {strides = array<i32>} : memref<64x64xf32, #tpu.memory_space<vmem>>, vector<16xf32>,
      tpu.vector_store %arg7[%swap3A_1833, %swap3A_1834], %add3A_1830 {strides = array<i32>} : memref<64x64xf32, #tpu.memory_space<vmem>>, vector<16xf32>,
      %add3A_1836 = arith.constant 16 : i32
      %add3A_1837 = vector.broadcast %add3A_1836 : i32 to vector<16xi32>
      %add3A_1838 = arith.addi %iota3A, %add3A_1837 : vector<16xi32>
      %gather3A_1839 = tpu.vector_load_idx %arg14[%add3A_1838, %mul3A_1825] : memref<64x128xf32, #tpu.memory_space<vmem>>[vector<16xi32>, vector<16xi32>], vector<16xf32>,
      %add3A_1840 = arith.addf %gather3A_1839, %get3A_5 : vector<16xf32>
      %add3A_1841 = arith.constant 13 : i32
      %add3A_1842 = arith.addi %mul3A_406, %add3A_1841 : i32
      %swap3A_1843 = arith.index_cast %add3A_1842 : i32 to index
      %swap3A_1844 = arith.constant 16 : index
      %swap3A_1845 = tpu.vector_load %arg7[%swap3A_1843, %swap3A_1844] {strides = array<i32>} : memref<64x64xf32, #tpu.memory_space<vmem>>, vector<16xf32>,
      tpu.vector_store %arg7[%swap3A_1843, %swap3A_1844], %add3A_1840 {strides = array<i32>} : memref<64x64xf32, #tpu.memory_space<vmem>>, vector<16xf32>,
      %add3A_1846 = arith.constant 32 : i32
      %add3A_1847 = vector.broadcast %add3A_1846 : i32 to vector<16xi32>
      %add3A_1848 = arith.addi %iota3A, %add3A_1847 : vector<16xi32>
      %gather3A_1849 = tpu.vector_load_idx %arg14[%add3A_1848, %mul3A_1825] : memref<64x128xf32, #tpu.memory_space<vmem>>[vector<16xi32>, vector<16xi32>], vector<16xf32>,
      %add3A_1850 = arith.addf %gather3A_1849, %get3A_7 : vector<16xf32>
      %add3A_1851 = arith.constant 13 : i32
      %add3A_1852 = arith.addi %mul3A_406, %add3A_1851 : i32
      %swap3A_1853 = arith.index_cast %add3A_1852 : i32 to index
      %swap3A_1854 = arith.constant 32 : index
      %swap3A_1855 = tpu.vector_load %arg7[%swap3A_1853, %swap3A_1854] {strides = array<i32>} : memref<64x64xf32, #tpu.memory_space<vmem>>, vector<16xf32>,
      tpu.vector_store %arg7[%swap3A_1853, %swap3A_1854], %add3A_1850 {strides = array<i32>} : memref<64x64xf32, #tpu.memory_space<vmem>>, vector<16xf32>,
      %add3A_1856 = arith.constant 48 : i32
      %add3A_1857 = vector.broadcast %add3A_1856 : i32 to vector<16xi32>
      %add3A_1858 = arith.addi %iota3A, %add3A_1857 : vector<16xi32>
      %gather3A_1859 = tpu.vector_load_idx %arg14[%add3A_1858, %mul3A_1825] : memref<64x128xf32, #tpu.memory_space<vmem>>[vector<16xi32>, vector<16xi32>], vector<16xf32>,
      %add3A_1860 = arith.addf %gather3A_1859, %get3A_9 : vector<16xf32>
      %add3A_1861 = arith.constant 13 : i32
      %add3A_1862 = arith.addi %mul3A_406, %add3A_1861 : i32
      %swap3A_1863 = arith.index_cast %add3A_1862 : i32 to index
      %swap3A_1864 = arith.constant 48 : index
      %swap3A_1865 = tpu.vector_load %arg7[%swap3A_1863, %swap3A_1864] {strides = array<i32>} : memref<64x64xf32, #tpu.memory_space<vmem>>, vector<16xf32>,
      tpu.vector_store %arg7[%swap3A_1863, %swap3A_1864], %add3A_1860 {strides = array<i32>} : memref<64x64xf32, #tpu.memory_space<vmem>>, vector<16xf32>,
      %slice3A_1866 = vector.extract_strided_slice %get3A_402 {offsets = [5], sizes = [1], strides = [1]} : vector<16xi32> to vector<1xi32>
      %squeeze3A_1867 = vector.extract %slice3A_1866[0] : i32 from vector<1xi32>
      %max3A_1868 = arith.constant 0 : i32
      %max3A_1869 = arith.maxsi %squeeze3A_1867, %max3A_1868 : i32
      %min3A_1870 = arith.constant 999999 : i32
      %min3A_1871 = arith.minsi %max3A_1869, %min3A_1870 : i32
      %jit3A_1872 = arith.constant 128 : i32
      %div3A_1873 = arith.divsi %min3A_1871, %jit3A_1872 : i32
      %sign3A_1874 = arith.constant 0 : i32
      %sign3A_1875 = arith.cmpi sgt, %min3A_1871, %sign3A_1874 : i32
      %sign3A_1876 = arith.extui %sign3A_1875 : i1 to i32
      %sign3A_1877 = arith.constant 0 : i32
      %sign3A_1878 = arith.cmpi slt, %min3A_1871, %sign3A_1877 : i32
      %sign3A_1879 = arith.extui %sign3A_1878 : i1 to i32
      %sign3A_1880 = arith.subi %sign3A_1876, %sign3A_1879 : i32
      %sign3A_1881 = arith.constant 0 : i32
      %sign3A_1882 = arith.cmpi sgt, %jit3A_1872, %sign3A_1881 : i32
      %sign3A_1883 = arith.extui %sign3A_1882 : i1 to i32
      %sign3A_1884 = arith.constant 0 : i32
      %sign3A_1885 = arith.cmpi slt, %jit3A_1872, %sign3A_1884 : i32
      %sign3A_1886 = arith.extui %sign3A_1885 : i1 to i32
      %sign3A_1887 = arith.subi %sign3A_1883, %sign3A_1886 : i32
      %ne3A_1888 = arith.cmpi ne, %sign3A_1880, %sign3A_1887 : i32
      %rem3A_1889 = arith.remsi %min3A_1871, %jit3A_1872 : i32
      %ne3A_1890 = arith.constant 0 : i32
      %ne3A_1891 = arith.cmpi ne, %rem3A_1889, %ne3A_1890 : i32
      %and3A_1892 = arith.andi %ne3A_1888, %ne3A_1891 : i1
      %sub3A_1893 = arith.constant 1 : i32
      %sub3A_1894 = arith.subi %div3A_1873, %sub3A_1893 : i32
      %select_n3A_1895 = arith.select %and3A_1892, %sub3A_1894, %div3A_1873 : i32
      %mul3A_1896 = arith.constant 128 : i32
      %mul3A_1897 = arith.muli %select_n3A_1895, %mul3A_1896 : i32
      %multiple_of3A_1898 = tpu.assume_multiple %mul3A_1897, 128 : i32
      %dma_start3A_1899 = arith.constant 0 : i32
      %dma_start3A_1900 = tpu.memref_slice %arg2[%dma_start3A_1899, %multiple_of3A_1898] : memref<64x1000000xf32, #tpu.memory_space<hbm>> -> memref<64x128xf32, #tpu.memory_space<hbm>>
      %dma_start3A_1901 = arith.constant 0 : i32
      %dma_start3A_1902 = tpu.memref_slice %arg2[%dma_start3A_1901, %multiple_of3A_1898] : memref<64x1000000xf32, #tpu.memory_space<hbm>> -> memref<64x128xf32, #tpu.memory_space<hbm>>
      tpu.enqueue_dma source(%dma_start3A_1902 : memref<64x128xf32, #tpu.memory_space<hbm>>) target(%arg14 : memref<64x128xf32, #tpu.memory_space<vmem>>) target_semaphore(%arg22 : memref<!tpu.dma_semaphore, #tpu.memory_space<semaphore_mem>>)
      %mul3A_1903 = arith.constant 16 : i32
      %mul3A_1904 = arith.muli %scan3A_392, %mul3A_1903 : i32
      %add3A_1905 = arith.constant 14 : i32
      %add3A_1906 = arith.addi %mul3A_1904, %add3A_1905 : i32
      %dma_wait3A_1907 = arith.constant 0 : i32
      %dma_wait3A_1908 = arith.constant 0 : i32
      %dma_wait3A_1909 = tpu.memref_slice %arg2[%dma_wait3A_1907, %dma_wait3A_1908] : memref<64x1000000xf32, #tpu.memory_space<hbm>> -> memref<64x128xf32, #tpu.memory_space<hbm>>
      %dma_wait3A_1910 = arith.constant 0 : i32
      %dma_wait3A_1911 = arith.constant 0 : i32
      %dma_wait3A_1912 = tpu.memref_slice %arg2[%dma_wait3A_1910, %dma_wait3A_1911] : memref<64x1000000xf32, #tpu.memory_space<hbm>> -> memref<64x128xf32, #tpu.memory_space<hbm>>
      tpu.wait_dma2 semaphore(%arg23 : memref<!tpu.dma_semaphore, #tpu.memory_space<semaphore_mem>>) src(%dma_wait3A_1912 : memref<64x128xf32, #tpu.memory_space<hbm>>) dst(%arg15 : memref<64x128xf32, #tpu.memory_space<vmem>>)
      %slice3A_1913 = vector.extract_strided_slice %get3A_396 {offsets = [14], sizes = [1], strides = [1]} : vector<16xi32> to vector<1xi32>
      %squeeze3A_1914 = vector.extract %slice3A_1913[0] : i32 from vector<1xi32>
      %jit3A_1915 = arith.constant 128 : i32
      %eq3A_1916 = arith.constant 0 : i32
      %eq3A_1917 = arith.cmpi eq, %jit3A_1915, %eq3A_1916 : i32
      %jit3A_1918 = arith.constant 1 : i32
      %select_n3A_1919 = arith.select %eq3A_1917, %jit3A_1918, %jit3A_1915 : i32
      %rem3A_1920 = arith.remsi %squeeze3A_1914, %select_n3A_1919 : i32
      %ne3A_1921 = arith.constant 0 : i32
      %ne3A_1922 = arith.cmpi ne, %rem3A_1920, %ne3A_1921 : i32
      %lt3A_1923 = arith.constant 0 : i32
      %lt3A_1924 = arith.cmpi slt, %rem3A_1920, %lt3A_1923 : i32
      %lt3A_1925 = arith.constant 0 : i32
      %lt3A_1926 = arith.cmpi slt, %select_n3A_1919, %lt3A_1925 : i32
      %ne3A_1927 = arith.xori %lt3A_1924, %lt3A_1926 : i1
      %and3A_1928 = arith.andi %ne3A_1927, %ne3A_1922 : i1
      %add3A_1929 = arith.addi %rem3A_1920, %select_n3A_1919 : i32
      %select_n3A_1930 = arith.select %and3A_1928, %add3A_1929, %rem3A_1920 : i32
      %mul3A_1931 = vector.broadcast %select_n3A_1930 : i32 to vector<16xi32>
      %mul3A_1932 = arith.muli %add3A_15, %mul3A_1931 : vector<16xi32>
      %add3A_1933 = arith.constant 0 : i32
      %add3A_1934 = vector.broadcast %add3A_1933 : i32 to vector<16xi32>
      %add3A_1935 = arith.addi %iota3A, %add3A_1934 : vector<16xi32>
      %gather3A_1936 = tpu.vector_load_idx %arg15[%add3A_1935, %mul3A_1932] : memref<64x128xf32, #tpu.memory_space<vmem>>[vector<16xi32>, vector<16xi32>], vector<16xf32>,
      %add3A_1937 = arith.addf %gather3A_1936, %get3A_3 : vector<16xf32>
      %add3A_1938 = arith.constant 14 : i32
      %add3A_1939 = arith.addi %mul3A_406, %add3A_1938 : i32
      %swap3A_1940 = arith.index_cast %add3A_1939 : i32 to index
      %swap3A_1941 = arith.constant 0 : index
      %swap3A_1942 = tpu.vector_load %arg7[%swap3A_1940, %swap3A_1941] {strides = array<i32>} : memref<64x64xf32, #tpu.memory_space<vmem>>, vector<16xf32>,
      tpu.vector_store %arg7[%swap3A_1940, %swap3A_1941], %add3A_1937 {strides = array<i32>} : memref<64x64xf32, #tpu.memory_space<vmem>>, vector<16xf32>,
      %add3A_1943 = arith.constant 16 : i32
      %add3A_1944 = vector.broadcast %add3A_1943 : i32 to vector<16xi32>
      %add3A_1945 = arith.addi %iota3A, %add3A_1944 : vector<16xi32>
      %gather3A_1946 = tpu.vector_load_idx %arg15[%add3A_1945, %mul3A_1932] : memref<64x128xf32, #tpu.memory_space<vmem>>[vector<16xi32>, vector<16xi32>], vector<16xf32>,
      %add3A_1947 = arith.addf %gather3A_1946, %get3A_5 : vector<16xf32>
      %add3A_1948 = arith.constant 14 : i32
      %add3A_1949 = arith.addi %mul3A_406, %add3A_1948 : i32
      %swap3A_1950 = arith.index_cast %add3A_1949 : i32 to index
      %swap3A_1951 = arith.constant 16 : index
      %swap3A_1952 = tpu.vector_load %arg7[%swap3A_1950, %swap3A_1951] {strides = array<i32>} : memref<64x64xf32, #tpu.memory_space<vmem>>, vector<16xf32>,
      tpu.vector_store %arg7[%swap3A_1950, %swap3A_1951], %add3A_1947 {strides = array<i32>} : memref<64x64xf32, #tpu.memory_space<vmem>>, vector<16xf32>,
      %add3A_1953 = arith.constant 32 : i32
      %add3A_1954 = vector.broadcast %add3A_1953 : i32 to vector<16xi32>
      %add3A_1955 = arith.addi %iota3A, %add3A_1954 : vector<16xi32>
      %gather3A_1956 = tpu.vector_load_idx %arg15[%add3A_1955, %mul3A_1932] : memref<64x128xf32, #tpu.memory_space<vmem>>[vector<16xi32>, vector<16xi32>], vector<16xf32>,
      %add3A_1957 = arith.addf %gather3A_1956, %get3A_7 : vector<16xf32>
      %add3A_1958 = arith.constant 14 : i32
      %add3A_1959 = arith.addi %mul3A_406, %add3A_1958 : i32
      %swap3A_1960 = arith.index_cast %add3A_1959 : i32 to index
      %swap3A_1961 = arith.constant 32 : index
      %swap3A_1962 = tpu.vector_load %arg7[%swap3A_1960, %swap3A_1961] {strides = array<i32>} : memref<64x64xf32, #tpu.memory_space<vmem>>, vector<16xf32>,
      tpu.vector_store %arg7[%swap3A_1960, %swap3A_1961], %add3A_1957 {strides = array<i32>} : memref<64x64xf32, #tpu.memory_space<vmem>>, vector<16xf32>,
      %add3A_1963 = arith.constant 48 : i32
      %add3A_1964 = vector.broadcast %add3A_1963 : i32 to vector<16xi32>
      %add3A_1965 = arith.addi %iota3A, %add3A_1964 : vector<16xi32>
      %gather3A_1966 = tpu.vector_load_idx %arg15[%add3A_1965, %mul3A_1932] : memref<64x128xf32, #tpu.memory_space<vmem>>[vector<16xi32>, vector<16xi32>], vector<16xf32>,
      %add3A_1967 = arith.addf %gather3A_1966, %get3A_9 : vector<16xf32>
      %add3A_1968 = arith.constant 14 : i32
      %add3A_1969 = arith.addi %mul3A_406, %add3A_1968 : i32
      %swap3A_1970 = arith.index_cast %add3A_1969 : i32 to index
      %swap3A_1971 = arith.constant 48 : index
      %swap3A_1972 = tpu.vector_load %arg7[%swap3A_1970, %swap3A_1971] {strides = array<i32>} : memref<64x64xf32, #tpu.memory_space<vmem>>, vector<16xf32>,
      tpu.vector_store %arg7[%swap3A_1970, %swap3A_1971], %add3A_1967 {strides = array<i32>} : memref<64x64xf32, #tpu.memory_space<vmem>>, vector<16xf32>,
      %slice3A_1973 = vector.extract_strided_slice %get3A_402 {offsets = [6], sizes = [1], strides = [1]} : vector<16xi32> to vector<1xi32>
      %squeeze3A_1974 = vector.extract %slice3A_1973[0] : i32 from vector<1xi32>
      %max3A_1975 = arith.constant 0 : i32
      %max3A_1976 = arith.maxsi %squeeze3A_1974, %max3A_1975 : i32
      %min3A_1977 = arith.constant 999999 : i32
      %min3A_1978 = arith.minsi %max3A_1976, %min3A_1977 : i32
      %jit3A_1979 = arith.constant 128 : i32
      %div3A_1980 = arith.divsi %min3A_1978, %jit3A_1979 : i32
      %sign3A_1981 = arith.constant 0 : i32
      %sign3A_1982 = arith.cmpi sgt, %min3A_1978, %sign3A_1981 : i32
      %sign3A_1983 = arith.extui %sign3A_1982 : i1 to i32
      %sign3A_1984 = arith.constant 0 : i32
      %sign3A_1985 = arith.cmpi slt, %min3A_1978, %sign3A_1984 : i32
      %sign3A_1986 = arith.extui %sign3A_1985 : i1 to i32
      %sign3A_1987 = arith.subi %sign3A_1983, %sign3A_1986 : i32
      %sign3A_1988 = arith.constant 0 : i32
      %sign3A_1989 = arith.cmpi sgt, %jit3A_1979, %sign3A_1988 : i32
      %sign3A_1990 = arith.extui %sign3A_1989 : i1 to i32
      %sign3A_1991 = arith.constant 0 : i32
      %sign3A_1992 = arith.cmpi slt, %jit3A_1979, %sign3A_1991 : i32
      %sign3A_1993 = arith.extui %sign3A_1992 : i1 to i32
      %sign3A_1994 = arith.subi %sign3A_1990, %sign3A_1993 : i32
      %ne3A_1995 = arith.cmpi ne, %sign3A_1987, %sign3A_1994 : i32
      %rem3A_1996 = arith.remsi %min3A_1978, %jit3A_1979 : i32
      %ne3A_1997 = arith.constant 0 : i32
      %ne3A_1998 = arith.cmpi ne, %rem3A_1996, %ne3A_1997 : i32
      %and3A_1999 = arith.andi %ne3A_1995, %ne3A_1998 : i1
      %sub3A_2000 = arith.constant 1 : i32
      %sub3A_2001 = arith.subi %div3A_1980, %sub3A_2000 : i32
      %select_n3A_2002 = arith.select %and3A_1999, %sub3A_2001, %div3A_1980 : i32
      %mul3A_2003 = arith.constant 128 : i32
      %mul3A_2004 = arith.muli %select_n3A_2002, %mul3A_2003 : i32
      %multiple_of3A_2005 = tpu.assume_multiple %mul3A_2004, 128 : i32
      %dma_start3A_2006 = arith.constant 0 : i32
      %dma_start3A_2007 = tpu.memref_slice %arg2[%dma_start3A_2006, %multiple_of3A_2005] : memref<64x1000000xf32, #tpu.memory_space<hbm>> -> memref<64x128xf32, #tpu.memory_space<hbm>>
      %dma_start3A_2008 = arith.constant 0 : i32
      %dma_start3A_2009 = tpu.memref_slice %arg2[%dma_start3A_2008, %multiple_of3A_2005] : memref<64x1000000xf32, #tpu.memory_space<hbm>> -> memref<64x128xf32, #tpu.memory_space<hbm>>
      tpu.enqueue_dma source(%dma_start3A_2009 : memref<64x128xf32, #tpu.memory_space<hbm>>) target(%arg15 : memref<64x128xf32, #tpu.memory_space<vmem>>) target_semaphore(%arg23 : memref<!tpu.dma_semaphore, #tpu.memory_space<semaphore_mem>>)
      %mul3A_2010 = arith.constant 16 : i32
      %mul3A_2011 = arith.muli %scan3A_392, %mul3A_2010 : i32
      %add3A_2012 = arith.constant 15 : i32
      %add3A_2013 = arith.addi %mul3A_2011, %add3A_2012 : i32
      %dma_wait3A_2014 = arith.constant 0 : i32
      %dma_wait3A_2015 = arith.constant 0 : i32
      %dma_wait3A_2016 = tpu.memref_slice %arg2[%dma_wait3A_2014, %dma_wait3A_2015] : memref<64x1000000xf32, #tpu.memory_space<hbm>> -> memref<64x128xf32, #tpu.memory_space<hbm>>
      %dma_wait3A_2017 = arith.constant 0 : i32
      %dma_wait3A_2018 = arith.constant 0 : i32
      %dma_wait3A_2019 = tpu.memref_slice %arg2[%dma_wait3A_2017, %dma_wait3A_2018] : memref<64x1000000xf32, #tpu.memory_space<hbm>> -> memref<64x128xf32, #tpu.memory_space<hbm>>
      tpu.wait_dma2 semaphore(%arg24 : memref<!tpu.dma_semaphore, #tpu.memory_space<semaphore_mem>>) src(%dma_wait3A_2019 : memref<64x128xf32, #tpu.memory_space<hbm>>) dst(%arg16 : memref<64x128xf32, #tpu.memory_space<vmem>>)
      %slice3A_2020 = vector.extract_strided_slice %get3A_396 {offsets = [15], sizes = [1], strides = [1]} : vector<16xi32> to vector<1xi32>
      %squeeze3A_2021 = vector.extract %slice3A_2020[0] : i32 from vector<1xi32>
      %jit3A_2022 = arith.constant 128 : i32
      %eq3A_2023 = arith.constant 0 : i32
      %eq3A_2024 = arith.cmpi eq, %jit3A_2022, %eq3A_2023 : i32
      %jit3A_2025 = arith.constant 1 : i32
      %select_n3A_2026 = arith.select %eq3A_2024, %jit3A_2025, %jit3A_2022 : i32
      %rem3A_2027 = arith.remsi %squeeze3A_2021, %select_n3A_2026 : i32
      %ne3A_2028 = arith.constant 0 : i32
      %ne3A_2029 = arith.cmpi ne, %rem3A_2027, %ne3A_2028 : i32
      %lt3A_2030 = arith.constant 0 : i32
      %lt3A_2031 = arith.cmpi slt, %rem3A_2027, %lt3A_2030 : i32
      %lt3A_2032 = arith.constant 0 : i32
      %lt3A_2033 = arith.cmpi slt, %select_n3A_2026, %lt3A_2032 : i32
      %ne3A_2034 = arith.xori %lt3A_2031, %lt3A_2033 : i1
      %and3A_2035 = arith.andi %ne3A_2034, %ne3A_2029 : i1
      %add3A_2036 = arith.addi %rem3A_2027, %select_n3A_2026 : i32
      %select_n3A_2037 = arith.select %and3A_2035, %add3A_2036, %rem3A_2027 : i32
      %mul3A_2038 = vector.broadcast %select_n3A_2037 : i32 to vector<16xi32>
      %mul3A_2039 = arith.muli %add3A_15, %mul3A_2038 : vector<16xi32>
      %add3A_2040 = arith.constant 0 : i32
      %add3A_2041 = vector.broadcast %add3A_2040 : i32 to vector<16xi32>
      %add3A_2042 = arith.addi %iota3A, %add3A_2041 : vector<16xi32>
      %gather3A_2043 = tpu.vector_load_idx %arg16[%add3A_2042, %mul3A_2039] : memref<64x128xf32, #tpu.memory_space<vmem>>[vector<16xi32>, vector<16xi32>], vector<16xf32>,
      %add3A_2044 = arith.addf %gather3A_2043, %get3A_3 : vector<16xf32>
      %add3A_2045 = arith.constant 15 : i32
      %add3A_2046 = arith.addi %mul3A_406, %add3A_2045 : i32
      %swap3A_2047 = arith.index_cast %add3A_2046 : i32 to index
      %swap3A_2048 = arith.constant 0 : index
      %swap3A_2049 = tpu.vector_load %arg7[%swap3A_2047, %swap3A_2048] {strides = array<i32>} : memref<64x64xf32, #tpu.memory_space<vmem>>, vector<16xf32>,
      tpu.vector_store %arg7[%swap3A_2047, %swap3A_2048], %add3A_2044 {strides = array<i32>} : memref<64x64xf32, #tpu.memory_space<vmem>>, vector<16xf32>,
      %add3A_2050 = arith.constant 16 : i32
      %add3A_2051 = vector.broadcast %add3A_2050 : i32 to vector<16xi32>
      %add3A_2052 = arith.addi %iota3A, %add3A_2051 : vector<16xi32>
      %gather3A_2053 = tpu.vector_load_idx %arg16[%add3A_2052, %mul3A_2039] : memref<64x128xf32, #tpu.memory_space<vmem>>[vector<16xi32>, vector<16xi32>], vector<16xf32>,
      %add3A_2054 = arith.addf %gather3A_2053, %get3A_5 : vector<16xf32>
      %add3A_2055 = arith.constant 15 : i32
      %add3A_2056 = arith.addi %mul3A_406, %add3A_2055 : i32
      %swap3A_2057 = arith.index_cast %add3A_2056 : i32 to index
      %swap3A_2058 = arith.constant 16 : index
      %swap3A_2059 = tpu.vector_load %arg7[%swap3A_2057, %swap3A_2058] {strides = array<i32>} : memref<64x64xf32, #tpu.memory_space<vmem>>, vector<16xf32>,
      tpu.vector_store %arg7[%swap3A_2057, %swap3A_2058], %add3A_2054 {strides = array<i32>} : memref<64x64xf32, #tpu.memory_space<vmem>>, vector<16xf32>,
      %add3A_2060 = arith.constant 32 : i32
      %add3A_2061 = vector.broadcast %add3A_2060 : i32 to vector<16xi32>
      %add3A_2062 = arith.addi %iota3A, %add3A_2061 : vector<16xi32>
      %gather3A_2063 = tpu.vector_load_idx %arg16[%add3A_2062, %mul3A_2039] : memref<64x128xf32, #tpu.memory_space<vmem>>[vector<16xi32>, vector<16xi32>], vector<16xf32>,
      %add3A_2064 = arith.addf %gather3A_2063, %get3A_7 : vector<16xf32>
      %add3A_2065 = arith.constant 15 : i32
      %add3A_2066 = arith.addi %mul3A_406, %add3A_2065 : i32
      %swap3A_2067 = arith.index_cast %add3A_2066 : i32 to index
      %swap3A_2068 = arith.constant 32 : index
      %swap3A_2069 = tpu.vector_load %arg7[%swap3A_2067, %swap3A_2068] {strides = array<i32>} : memref<64x64xf32, #tpu.memory_space<vmem>>, vector<16xf32>,
      tpu.vector_store %arg7[%swap3A_2067, %swap3A_2068], %add3A_2064 {strides = array<i32>} : memref<64x64xf32, #tpu.memory_space<vmem>>, vector<16xf32>,
      %add3A_2070 = arith.constant 48 : i32
      %add3A_2071 = vector.broadcast %add3A_2070 : i32 to vector<16xi32>
      %add3A_2072 = arith.addi %iota3A, %add3A_2071 : vector<16xi32>
      %gather3A_2073 = tpu.vector_load_idx %arg16[%add3A_2072, %mul3A_2039] : memref<64x128xf32, #tpu.memory_space<vmem>>[vector<16xi32>, vector<16xi32>], vector<16xf32>,
      %add3A_2074 = arith.addf %gather3A_2073, %get3A_9 : vector<16xf32>
      %add3A_2075 = arith.constant 15 : i32
      %add3A_2076 = arith.addi %mul3A_406, %add3A_2075 : i32
      %swap3A_2077 = arith.index_cast %add3A_2076 : i32 to index
      %swap3A_2078 = arith.constant 48 : index
      %swap3A_2079 = tpu.vector_load %arg7[%swap3A_2077, %swap3A_2078] {strides = array<i32>} : memref<64x64xf32, #tpu.memory_space<vmem>>, vector<16xf32>,
      tpu.vector_store %arg7[%swap3A_2077, %swap3A_2078], %add3A_2074 {strides = array<i32>} : memref<64x64xf32, #tpu.memory_space<vmem>>, vector<16xf32>,
      %slice3A_2080 = vector.extract_strided_slice %get3A_402 {offsets = [7], sizes = [1], strides = [1]} : vector<16xi32> to vector<1xi32>
      %squeeze3A_2081 = vector.extract %slice3A_2080[0] : i32 from vector<1xi32>
      %max3A_2082 = arith.constant 0 : i32
      %max3A_2083 = arith.maxsi %squeeze3A_2081, %max3A_2082 : i32
      %min3A_2084 = arith.constant 999999 : i32
      %min3A_2085 = arith.minsi %max3A_2083, %min3A_2084 : i32
      %jit3A_2086 = arith.constant 128 : i32
      %div3A_2087 = arith.divsi %min3A_2085, %jit3A_2086 : i32
      %sign3A_2088 = arith.constant 0 : i32
      %sign3A_2089 = arith.cmpi sgt, %min3A_2085, %sign3A_2088 : i32
      %sign3A_2090 = arith.extui %sign3A_2089 : i1 to i32
      %sign3A_2091 = arith.constant 0 : i32
      %sign3A_2092 = arith.cmpi slt, %min3A_2085, %sign3A_2091 : i32
      %sign3A_2093 = arith.extui %sign3A_2092 : i1 to i32
      %sign3A_2094 = arith.subi %sign3A_2090, %sign3A_2093 : i32
      %sign3A_2095 = arith.constant 0 : i32
      %sign3A_2096 = arith.cmpi sgt, %jit3A_2086, %sign3A_2095 : i32
      %sign3A_2097 = arith.extui %sign3A_2096 : i1 to i32
      %sign3A_2098 = arith.constant 0 : i32
      %sign3A_2099 = arith.cmpi slt, %jit3A_2086, %sign3A_2098 : i32
      %sign3A_2100 = arith.extui %sign3A_2099 : i1 to i32
      %sign3A_2101 = arith.subi %sign3A_2097, %sign3A_2100 : i32
      %ne3A_2102 = arith.cmpi ne, %sign3A_2094, %sign3A_2101 : i32
      %rem3A_2103 = arith.remsi %min3A_2085, %jit3A_2086 : i32
      %ne3A_2104 = arith.constant 0 : i32
      %ne3A_2105 = arith.cmpi ne, %rem3A_2103, %ne3A_2104 : i32
      %and3A_2106 = arith.andi %ne3A_2102, %ne3A_2105 : i1
      %sub3A_2107 = arith.constant 1 : i32
      %sub3A_2108 = arith.subi %div3A_2087, %sub3A_2107 : i32
      %select_n3A_2109 = arith.select %and3A_2106, %sub3A_2108, %div3A_2087 : i32
      %mul3A_2110 = arith.constant 128 : i32
      %mul3A_2111 = arith.muli %select_n3A_2109, %mul3A_2110 : i32
      %multiple_of3A_2112 = tpu.assume_multiple %mul3A_2111, 128 : i32
      %dma_start3A_2113 = arith.constant 0 : i32
      %dma_start3A_2114 = tpu.memref_slice %arg2[%dma_start3A_2113, %multiple_of3A_2112] : memref<64x1000000xf32, #tpu.memory_space<hbm>> -> memref<64x128xf32, #tpu.memory_space<hbm>>
      %dma_start3A_2115 = arith.constant 0 : i32
      %dma_start3A_2116 = tpu.memref_slice %arg2[%dma_start3A_2115, %multiple_of3A_2112] : memref<64x1000000xf32, #tpu.memory_space<hbm>> -> memref<64x128xf32, #tpu.memory_space<hbm>>
      tpu.enqueue_dma source(%dma_start3A_2116 : memref<64x128xf32, #tpu.memory_space<hbm>>) target(%arg16 : memref<64x128xf32, #tpu.memory_space<vmem>>) target_semaphore(%arg24 : memref<!tpu.dma_semaphore, #tpu.memory_space<semaphore_mem>>)
      %mul3A_2117 = arith.constant 16 : i32
      %mul3A_2118 = arith.muli %scan3A_392, %mul3A_2117 : i32
      %add3A_2119 = arith.addi %mul3A_2, %mul3A_2118 : i32
      %dma_start3A_2120 = arith.constant 0 : i32
      %dma_start3A_2121 = tpu.memref_slice %arg7[%mul3A_406, %dma_start3A_2120] : memref<64x64xf32, #tpu.memory_space<vmem>> -> memref<16x64xf32, #tpu.memory_space<vmem>>
      %dma_start3A_2122 = arith.constant 0 : i32
      %dma_start3A_2123 = tpu.memref_slice %arg5[%add3A_2119, %dma_start3A_2122] : memref<16384x64xf32, #tpu.memory_space<hbm>> -> memref<16x64xf32, #tpu.memory_space<hbm>>
      %dma_start3A_2124 = arith.constant 0 : i32
      %dma_start3A_2125 = tpu.memref_slice %arg5[%add3A_2119, %dma_start3A_2124] : memref<16384x64xf32, #tpu.memory_space<hbm>> -> memref<16x64xf32, #tpu.memory_space<hbm>>
      %dma_start3A_2126 = arith.constant 0 : i32
      %dma_start3A_2127 = tpu.memref_slice %arg7[%mul3A_406, %dma_start3A_2126] : memref<64x64xf32, #tpu.memory_space<vmem>> -> memref<16x64xf32, #tpu.memory_space<vmem>>
      tpu.enqueue_dma source(%dma_start3A_2127 : memref<16x64xf32, #tpu.memory_space<vmem>>) target(%dma_start3A_2125 : memref<16x64xf32, #tpu.memory_space<hbm>>) target_semaphore(%arg25 : memref<!tpu.dma_semaphore, #tpu.memory_space<semaphore_mem>>)
    }
    %scan3A_304 = arith.constant 32 : i32
    %dma_wait3A = arith.constant 0 : i32
    %dma_wait3A_305 = arith.constant 0 : i32
    %dma_wait3A_306 = tpu.memref_slice %arg2[%dma_wait3A, %dma_wait3A_305] : memref<64x1000000xf32, #tpu.memory_space<hbm>> -> memref<64x128xf32, #tpu.memory_space<hbm>>
    %dma_wait3A_307 = arith.constant 0 : i32
    %dma_wait3A_308 = arith.constant 0 : i32
    %dma_wait3A_309 = tpu.memref_slice %arg2[%dma_wait3A_307, %dma_wait3A_308] : memref<64x1000000xf32, #tpu.memory_space<hbm>> -> memref<64x128xf32, #tpu.memory_space<hbm>>
    tpu.wait_dma2 semaphore(%arg17 : memref<!tpu.dma_semaphore, #tpu.memory_space<semaphore_mem>>) src(%dma_wait3A_309 : memref<64x128xf32, #tpu.memory_space<hbm>>) dst(%arg9 : memref<64x128xf32, #tpu.memory_space<vmem>>)
    %dma_wait3A_310 = arith.constant 0 : i32
    %dma_wait3A_311 = arith.constant 0 : i32
    %dma_wait3A_312 = tpu.memref_slice %arg2[%dma_wait3A_310, %dma_wait3A_311] : memref<64x1000000xf32, #tpu.memory_space<hbm>> -> memref<64x128xf32, #tpu.memory_space<hbm>>
    %dma_wait3A_313 = arith.constant 0 : i32
    %dma_wait3A_314 = arith.constant 0 : i32
    %dma_wait3A_315 = tpu.memref_slice %arg2[%dma_wait3A_313, %dma_wait3A_314] : memref<64x1000000xf32, #tpu.memory_space<hbm>> -> memref<64x128xf32, #tpu.memory_space<hbm>>
    tpu.wait_dma2 semaphore(%arg18 : memref<!tpu.dma_semaphore, #tpu.memory_space<semaphore_mem>>) src(%dma_wait3A_315 : memref<64x128xf32, #tpu.memory_space<hbm>>) dst(%arg10 : memref<64x128xf32, #tpu.memory_space<vmem>>)
    %dma_wait3A_316 = arith.constant 0 : i32
    %dma_wait3A_317 = arith.constant 0 : i32
    %dma_wait3A_318 = tpu.memref_slice %arg2[%dma_wait3A_316, %dma_wait3A_317] : memref<64x1000000xf32, #tpu.memory_space<hbm>> -> memref<64x128xf32, #tpu.memory_space<hbm>>
    %dma_wait3A_319 = arith.constant 0 : i32
    %dma_wait3A_320 = arith.constant 0 : i32
    %dma_wait3A_321 = tpu.memref_slice %arg2[%dma_wait3A_319, %dma_wait3A_320] : memref<64x1000000xf32, #tpu.memory_space<hbm>> -> memref<64x128xf32, #tpu.memory_space<hbm>>
    tpu.wait_dma2 semaphore(%arg19 : memref<!tpu.dma_semaphore, #tpu.memory_space<semaphore_mem>>) src(%dma_wait3A_321 : memref<64x128xf32, #tpu.memory_space<hbm>>) dst(%arg11 : memref<64x128xf32, #tpu.memory_space<vmem>>)
    %dma_wait3A_322 = arith.constant 0 : i32
    %dma_wait3A_323 = arith.constant 0 : i32
    %dma_wait3A_324 = tpu.memref_slice %arg2[%dma_wait3A_322, %dma_wait3A_323] : memref<64x1000000xf32, #tpu.memory_space<hbm>> -> memref<64x128xf32, #tpu.memory_space<hbm>>
    %dma_wait3A_325 = arith.constant 0 : i32
    %dma_wait3A_326 = arith.constant 0 : i32
    %dma_wait3A_327 = tpu.memref_slice %arg2[%dma_wait3A_325, %dma_wait3A_326] : memref<64x1000000xf32, #tpu.memory_space<hbm>> -> memref<64x128xf32, #tpu.memory_space<hbm>>
    tpu.wait_dma2 semaphore(%arg20 : memref<!tpu.dma_semaphore, #tpu.memory_space<semaphore_mem>>) src(%dma_wait3A_327 : memref<64x128xf32, #tpu.memory_space<hbm>>) dst(%arg12 : memref<64x128xf32, #tpu.memory_space<vmem>>)
    %dma_wait3A_328 = arith.constant 0 : i32
    %dma_wait3A_329 = arith.constant 0 : i32
    %dma_wait3A_330 = tpu.memref_slice %arg2[%dma_wait3A_328, %dma_wait3A_329] : memref<64x1000000xf32, #tpu.memory_space<hbm>> -> memref<64x128xf32, #tpu.memory_space<hbm>>
    %dma_wait3A_331 = arith.constant 0 : i32
    %dma_wait3A_332 = arith.constant 0 : i32
    %dma_wait3A_333 = tpu.memref_slice %arg2[%dma_wait3A_331, %dma_wait3A_332] : memref<64x1000000xf32, #tpu.memory_space<hbm>> -> memref<64x128xf32, #tpu.memory_space<hbm>>
    tpu.wait_dma2 semaphore(%arg21 : memref<!tpu.dma_semaphore, #tpu.memory_space<semaphore_mem>>) src(%dma_wait3A_333 : memref<64x128xf32, #tpu.memory_space<hbm>>) dst(%arg13 : memref<64x128xf32, #tpu.memory_space<vmem>>)
    %dma_wait3A_334 = arith.constant 0 : i32
    %dma_wait3A_335 = arith.constant 0 : i32
    %dma_wait3A_336 = tpu.memref_slice %arg2[%dma_wait3A_334, %dma_wait3A_335] : memref<64x1000000xf32, #tpu.memory_space<hbm>> -> memref<64x128xf32, #tpu.memory_space<hbm>>
    %dma_wait3A_337 = arith.constant 0 : i32
    %dma_wait3A_338 = arith.constant 0 : i32
    %dma_wait3A_339 = tpu.memref_slice %arg2[%dma_wait3A_337, %dma_wait3A_338] : memref<64x1000000xf32, #tpu.memory_space<hbm>> -> memref<64x128xf32, #tpu.memory_space<hbm>>
    tpu.wait_dma2 semaphore(%arg22 : memref<!tpu.dma_semaphore, #tpu.memory_space<semaphore_mem>>) src(%dma_wait3A_339 : memref<64x128xf32, #tpu.memory_space<hbm>>) dst(%arg14 : memref<64x128xf32, #tpu.memory_space<vmem>>)
    %dma_wait3A_340 = arith.constant 0 : i32
    %dma_wait3A_341 = arith.constant 0 : i32
    %dma_wait3A_342 = tpu.memref_slice %arg2[%dma_wait3A_340, %dma_wait3A_341] : memref<64x1000000xf32, #tpu.memory_space<hbm>> -> memref<64x128xf32, #tpu.memory_space<hbm>>
    %dma_wait3A_343 = arith.constant 0 : i32
    %dma_wait3A_344 = arith.constant 0 : i32
    %dma_wait3A_345 = tpu.memref_slice %arg2[%dma_wait3A_343, %dma_wait3A_344] : memref<64x1000000xf32, #tpu.memory_space<hbm>> -> memref<64x128xf32, #tpu.memory_space<hbm>>
    tpu.wait_dma2 semaphore(%arg23 : memref<!tpu.dma_semaphore, #tpu.memory_space<semaphore_mem>>) src(%dma_wait3A_345 : memref<64x128xf32, #tpu.memory_space<hbm>>) dst(%arg15 : memref<64x128xf32, #tpu.memory_space<vmem>>)
    %dma_wait3A_346 = arith.constant 0 : i32
    %dma_wait3A_347 = arith.constant 0 : i32
    %dma_wait3A_348 = tpu.memref_slice %arg2[%dma_wait3A_346, %dma_wait3A_347] : memref<64x1000000xf32, #tpu.memory_space<hbm>> -> memref<64x128xf32, #tpu.memory_space<hbm>>
    %dma_wait3A_349 = arith.constant 0 : i32
    %dma_wait3A_350 = arith.constant 0 : i32
    %dma_wait3A_351 = tpu.memref_slice %arg2[%dma_wait3A_349, %dma_wait3A_350] : memref<64x1000000xf32, #tpu.memory_space<hbm>> -> memref<64x128xf32, #tpu.memory_space<hbm>>
    tpu.wait_dma2 semaphore(%arg24 : memref<!tpu.dma_semaphore, #tpu.memory_space<semaphore_mem>>) src(%dma_wait3A_351 : memref<64x128xf32, #tpu.memory_space<hbm>>) dst(%arg16 : memref<64x128xf32, #tpu.memory_space<vmem>>)
    %dma_wait3A_352 = arith.constant 0 : i32
    %dma_wait3A_353 = arith.constant 0 : i32
    %dma_wait3A_354 = tpu.memref_slice %arg7[%dma_wait3A_352, %dma_wait3A_353] : memref<64x64xf32, #tpu.memory_space<vmem>> -> memref<16x64xf32, #tpu.memory_space<vmem>>
    %dma_wait3A_355 = arith.constant 0 : i32
    %dma_wait3A_356 = tpu.memref_slice %arg5[%mul3A_2, %dma_wait3A_355] : memref<16384x64xf32, #tpu.memory_space<hbm>> -> memref<16x64xf32, #tpu.memory_space<hbm>>
    %dma_wait3A_357 = arith.constant 0 : i32
    %dma_wait3A_358 = tpu.memref_slice %arg5[%mul3A_2, %dma_wait3A_357] : memref<16384x64xf32, #tpu.memory_space<hbm>> -> memref<16x64xf32, #tpu.memory_space<hbm>>
    %dma_wait3A_359 = arith.constant 0 : i32
    %dma_wait3A_360 = arith.constant 0 : i32
    %dma_wait3A_361 = tpu.memref_slice %arg7[%dma_wait3A_359, %dma_wait3A_360] : memref<64x64xf32, #tpu.memory_space<vmem>> -> memref<16x64xf32, #tpu.memory_space<vmem>>
    tpu.wait_dma2 semaphore(%arg25 : memref<!tpu.dma_semaphore, #tpu.memory_space<semaphore_mem>>) src(%dma_wait3A_361 : memref<16x64xf32, #tpu.memory_space<vmem>>) dst(%dma_wait3A_358 : memref<16x64xf32, #tpu.memory_space<hbm>>)
    %dma_wait3A_362 = arith.constant 0 : i32
    %dma_wait3A_363 = arith.constant 0 : i32
    %dma_wait3A_364 = tpu.memref_slice %arg7[%dma_wait3A_362, %dma_wait3A_363] : memref<64x64xf32, #tpu.memory_space<vmem>> -> memref<16x64xf32, #tpu.memory_space<vmem>>
    %dma_wait3A_365 = arith.constant 0 : i32
    %dma_wait3A_366 = tpu.memref_slice %arg5[%mul3A_2, %dma_wait3A_365] : memref<16384x64xf32, #tpu.memory_space<hbm>> -> memref<16x64xf32, #tpu.memory_space<hbm>>
    %dma_wait3A_367 = arith.constant 0 : i32
    %dma_wait3A_368 = tpu.memref_slice %arg5[%mul3A_2, %dma_wait3A_367] : memref<16384x64xf32, #tpu.memory_space<hbm>> -> memref<16x64xf32, #tpu.memory_space<hbm>>
    %dma_wait3A_369 = arith.constant 0 : i32
    %dma_wait3A_370 = arith.constant 0 : i32
    %dma_wait3A_371 = tpu.memref_slice %arg7[%dma_wait3A_369, %dma_wait3A_370] : memref<64x64xf32, #tpu.memory_space<vmem>> -> memref<16x64xf32, #tpu.memory_space<vmem>>
    tpu.wait_dma2 semaphore(%arg25 : memref<!tpu.dma_semaphore, #tpu.memory_space<semaphore_mem>>) src(%dma_wait3A_371 : memref<16x64xf32, #tpu.memory_space<vmem>>) dst(%dma_wait3A_368 : memref<16x64xf32, #tpu.memory_space<hbm>>)
    %dma_wait3A_372 = arith.constant 0 : i32
    %dma_wait3A_373 = arith.constant 0 : i32
    %dma_wait3A_374 = tpu.memref_slice %arg7[%dma_wait3A_372, %dma_wait3A_373] : memref<64x64xf32, #tpu.memory_space<vmem>> -> memref<16x64xf32, #tpu.memory_space<vmem>>
    %dma_wait3A_375 = arith.constant 0 : i32
    %dma_wait3A_376 = tpu.memref_slice %arg5[%mul3A_2, %dma_wait3A_375] : memref<16384x64xf32, #tpu.memory_space<hbm>> -> memref<16x64xf32, #tpu.memory_space<hbm>>
    %dma_wait3A_377 = arith.constant 0 : i32
    %dma_wait3A_378 = tpu.memref_slice %arg5[%mul3A_2, %dma_wait3A_377] : memref<16384x64xf32, #tpu.memory_space<hbm>> -> memref<16x64xf32, #tpu.memory_space<hbm>>
    %dma_wait3A_379 = arith.constant 0 : i32
    %dma_wait3A_380 = arith.constant 0 : i32
    %dma_wait3A_381 = tpu.memref_slice %arg7[%dma_wait3A_379, %dma_wait3A_380] : memref<64x64xf32, #tpu.memory_space<vmem>> -> memref<16x64xf32, #tpu.memory_space<vmem>>
    tpu.wait_dma2 semaphore(%arg25 : memref<!tpu.dma_semaphore, #tpu.memory_space<semaphore_mem>>) src(%dma_wait3A_381 : memref<16x64xf32, #tpu.memory_space<vmem>>) dst(%dma_wait3A_378 : memref<16x64xf32, #tpu.memory_space<hbm>>)
    %dma_wait3A_382 = arith.constant 0 : i32
    %dma_wait3A_383 = arith.constant 0 : i32
    %dma_wait3A_384 = tpu.memref_slice %arg7[%dma_wait3A_382, %dma_wait3A_383] : memref<64x64xf32, #tpu.memory_space<vmem>> -> memref<16x64xf32, #tpu.memory_space<vmem>>
    %dma_wait3A_385 = arith.constant 0 : i32
    %dma_wait3A_386 = tpu.memref_slice %arg5[%mul3A_2, %dma_wait3A_385] : memref<16384x64xf32, #tpu.memory_space<hbm>> -> memref<16x64xf32, #tpu.memory_space<hbm>>
    %dma_wait3A_387 = arith.constant 0 : i32
    %dma_wait3A_388 = tpu.memref_slice %arg5[%mul3A_2, %dma_wait3A_387] : memref<16384x64xf32, #tpu.memory_space<hbm>> -> memref<16x64xf32, #tpu.memory_space<hbm>>
    %dma_wait3A_389 = arith.constant 0 : i32
    %dma_wait3A_390 = arith.constant 0 : i32
    %dma_wait3A_391 = tpu.memref_slice %arg7[%dma_wait3A_389, %dma_wait3A_390] : memref<64x64xf32, #tpu.memory_space<vmem>> -> memref<16x64xf32, #tpu.memory_space<vmem>>
    tpu.wait_dma2 semaphore(%arg25 : memref<!tpu.dma_semaphore, #tpu.memory_space<semaphore_mem>>) src(%dma_wait3A_391 : memref<16x64xf32, #tpu.memory_space<vmem>>) dst(%dma_wait3A_388 : memref<16x64xf32, #tpu.memory_space<hbm>>)
    return
  }
}

</mosaic_0001>

<sc_bundles>
// kernel: kernel.3.cloned.1.call-start
scs
__scs_entry_jumppad:
0x0: {  	(pc) =	sbr.rel $0x88, $3  }
0x1: {  	(tag) =	ssettag $0x0;
	lr =	simm.s32 $0x1  }
0x2: {  	[smem:$0x3F9E] =	sst lr;
	_ =	strace $0xD0000000  }
0x3: {  	_ = 	snop  }
0x4: {  	_ = 	snop  }
0x5: {  	_ = 	snop  }
0x6: {  	_ = 	snop  }
0x7: {  	_ = 	snop  }
__scs_overlays_trampoline_lowered:
0x8: {  	[smem:$0x3FAD] =	sst s0  }
0x9: {  	[smem:$0x3FAE] =	sst s1  }
0xa: {  	[smem:$0x3FAF] =	sst s2  }
0xb: {  	[smem:$0x3FB0] =	sst s3  }
0xc: {  	[smem:$0x3FB1] =	sst s4  }
0xd: {  	[smem:$0x3FB2] =	sst s5  }
0xe: {  	[smem:$0x3FB3] =	sst s6  }
0xf: {  	[smem:$0x3FB4] =	sst s7  }
0x10: {  	[smem:$0x3FB5] =	sst s8  }
0x11: {  	[smem:$0x3FB6] =	sst s9;
	s0 =	simm.s32 @!p0 $0x0  }
0x12: {  	s1 =	sld [smem:$0x3F9C];
	s0 =	simm.s32 @p0 $0x1  }
0x13: {  	[smem:$0x3FB7] =	sst s0;
	s0 =	simm.s32 @!p1 $0x0  }
0x14: {  	s2 =	sld [smem:$0x3F9B];
	s0 =	simm.s32 @p1 $0x1  }
0x15: {  	[smem:$0x3FB8] =	sst s0;
	s0 =	simm.s32 @!p2 $0x0  }
0x16: {  	s3 =	sld [smem:$0x3FDB];
	s0 =	simm.s32 @p2 $0x1  }
0x17: {  	s4 =	simm.s32 $0x1BF5;
	[smem:$0x3FBA] =	sst s0  }
0x18: {  	s0 =	sld [smem:$0x3F9D];
	_ =	swait.ge [sflag:s4], $0x0  }
0x19: {  	s7 =	sld [smem:$0x3F9E]  }
0x1a: {  	s8 =	sadd.s32 $0xFFFFE003, lr  }
0x1b: {  	s9 =	sadd.s32 $0xFFFFFEF7, lr;
	s5 =	simm.s32 $0xFFFFFFFF;
	p2 =	slt.u32 s8, $0xFFFFF086  }
0x1c: {  	p1 =	slt.u32 s9, $0xF7A;
	s5 =	simm.s32 @!p2 $0x0  }
0x1d: {  	s5 =	simm.s32 @p1 $0x1;
	p0 =	seq.s32 s7, s2  }
0x1e: {  	s7 =	smul.u32 @!p0 $0xF7A, s2;
	p2 =	seq.s32 @!p0 s5, $0x0  }
0x1f: {  	s9 =	smul.u32 $0xF7A, s1;
	s8 =	simm.s32 @!p0 $0x1BF5;
	p2 =	por !p2, p0  }
0x20: {  	[sflag:s8] =	ssyncset.s32 @!p0 $0xFFFFF086;
	s6 =	sadd.s32 @!p0 s3, s7;
	s7 =	simm.s32 @!p0 $0x108  }
0x21: {  	s3 =	sadd.s32 s3, s9;
	s6 =	sadd.s32 @!p0 $0x88, s6;
	s7 =	simm.s32 @p2 $0x1082  }
0x22: {  	[simem:s7], [sflag:s8] =	dma.local @!p0 [hbm:s6], $0xF7A  }
0x23: {  	s9 =	sor.u32 $0xD0000000, s2;
	s6 =	simm.s32 $0x108;
	_ =	swait.ge @!p0 [sflag:s8], $0x0  }
0x24: {  	s3 =	sadd.s32 $0x88, s3;
	s6 =	simm.s32 @!p1 $0x1082;
	[sflag:s4] =	ssyncset.s32 $0xFFFFF086  }
0x25: {  	[simem:s6], [sflag:s4] =	dma.local [hbm:s3], $0xF7A  }
0x26: {  	[smem:$0x3F9E] =	sst s1;
	(tag) =	ssettag s2;
	_ =	strace s9  }
0x27: {  	s1 =	sld [smem:$0x3FAE]  }
0x28: {  	s2 =	sld [smem:$0x3FAF]  }
0x29: {  	s4 =	sld [smem:$0x3FB1]  }
0x2a: {  	p0 =	seq.s32 s5, $0x0;
	s5 =	sld [smem:$0x3FB2]  }
0x2b: {  	s6 =	sld [smem:$0x3FB3]  }
0x2c: {  	s7 =	sld [smem:$0x3FB4]  }
0x2d: {  	s3 =	simm.s32 $0x108;
	s8 =	sld [smem:$0x3FB5]  }
0x2e: {  	s3 =	simm.s32 @!p0 $0x1082;
	s9 =	sld [smem:$0x3FB6]  }
0x2f: {  	lr =	sadd.s32 s0, s3;
	s0 =	sld [smem:$0x3FAD]  }
0x30: {  	s3 =	sld [smem:$0x3FB0]  }
0x31: {  	[smem:$0x3FB9] =	sst s10  }
0x32: {  	s10 =	sld [smem:$0x3FB7];
	_ =	sdelay $0x3  }
0x33: {  	p0 =	seq.s32 s10, $0x1;
	s10 =	sld [smem:$0x3FB9];
	_ =	sdelay $0x3  }
0x34: {  	[smem:$0x3FB9] =	sst s10  }
0x35: {  	s10 =	sld [smem:$0x3FB8];
	_ =	sdelay $0x3  }
0x36: {  	p1 =	seq.s32 s10, $0x1;
	s10 =	sld [smem:$0x3FB9];
	_ =	sdelay $0x3  }
0x37: {  	[smem:$0x3FB9] =	sst s10  }
0x38: {  	s10 =	sld [smem:$0x3FBA]  }
0x39: {  	_ = 	snop;
	(pc) =	sbr.ind lr, $3  }
0x3a: {  	_ = 	snop  }
0x3b: {  	_ = 	snop  }
0x3c: {  	p2 =	seq.s32 s10, $0x1;
	s10 =	sld [smem:$0x3FB9]  }
0x3d: {  	_ =	shalt  }
0x3e: {  	_ =	shalt  }
0x3f: {  	_ =	shalt  }
0x40: {  	_ =	shalt  }
0x41: {  	_ =	shalt  }
0x42: {  	_ =	shalt  }
0x43: {  	_ =	shalt  }
0x44: {  	_ =	shalt  }
0x45: {  	_ =	shalt  }
0x46: {  	_ =	shalt  }
0x47: {  	_ =	shalt  }
0x48: {  	_ =	shalt  }
0x49: {  	_ =	shalt  }
0x4a: {  	_ =	shalt  }
0x4b: {  	_ =	shalt  }
0x4c: {  	_ =	shalt  }
0x4d: {  	_ =	shalt  }
0x4e: {  	_ =	shalt  }
0x4f: {  	_ =	shalt  }
0x50: {  	_ =	shalt  }
0x51: {  	_ =	shalt  }
0x52: {  	_ =	shalt  }
0x53: {  	_ =	shalt  }
0x54: {  	_ =	shalt  }
0x55: {  	_ =	shalt  }
0x56: {  	_ =	shalt  }
0x57: {  	_ =	shalt  }
0x58: {  	_ =	shalt  }
0x59: {  	_ =	shalt  }
0x5a: {  	_ =	shalt  }
0x5b: {  	_ =	shalt  }
0x5c: {  	_ =	shalt  }
0x5d: {  	_ =	shalt  }
0x5e: {  	_ =	shalt  }
0x5f: {  	_ =	shalt  }
0x60: {  	_ =	shalt  }
0x61: {  	_ =	shalt  }
0x62: {  	_ =	shalt  }
0x63: {  	_ =	shalt  }
0x64: {  	_ =	shalt  }
0x65: {  	_ =	shalt  }
0x66: {  	_ =	shalt  }
0x67: {  	_ =	shalt  }
0x68: {  	_ =	shalt  }
0x69: {  	_ =	shalt  }
0x6a: {  	_ =	shalt  }
0x6b: {  	_ =	shalt  }
0x6c: {  	_ =	shalt  }
0x6d: {  	_ =	shalt  }
0x6e: {  	_ =	shalt  }
0x6f: {  	_ =	shalt  }
0x70: {  	_ =	shalt  }
0x71: {  	_ =	shalt  }
0x72: {  	_ =	shalt  }
0x73: {  	_ =	shalt  }
0x74: {  	_ =	shalt  }
0x75: {  	_ =	shalt  }
0x76: {  	_ =	shalt  }
0x77: {  	_ =	shalt  }
0x78: {  	_ =	shalt  }
0x79: {  	_ =	shalt  }
0x7a: {  	_ =	shalt  }
0x7b: {  	_ =	shalt  }
0x7c: {  	_ =	shalt  }
0x7d: {  	_ =	shalt  }
0x7e: {  	_ =	shalt  }
0x7f: {  	_ =	shalt  }
0x80: {  	_ =	shalt  }
0x81: {  	_ =	shalt  }
0x82: {  	_ =	shalt  }
0x83: {  	_ =	shalt  }
0x84: {  	_ =	shalt  }
0x85: {  	_ =	shalt  }
0x86: {  	_ =	shalt  }
0x87: {  	_ =	shalt  }
.Lfunc_end0:
.L_simem_size_0:
called_computation_lowered:
.L_overlay_start_0:
0x88: {  	s2 =	sld [smem:$0x3FD9]  }
0x89: {  	s3 =	sld [smem:$0x3FFE];
	_ =	sdelay $0x1  }
0x8a: {  	s1 =	srdreg.scid  }
0x8b: {  	s0 =	sand.u32 $0x1, s1  }
0x8c: {  	s17 =	sshll.u32 s0, $0xA;
	s2 =	sadd.s32 s3, s2  }
0x8d: {  	s2 =	sadd.s32 s2, s17  }
0x8e: {  	[smem:$0x3FC5] =	sst s2  }
0x8f: {  	_ = 	snop  }
0x90: {  	s2 =	sld [smem:$0x3FC9]  }
0x91: {  	s18 =	sld [smem:$0x3FC8]  }
0x92: {  	s4 =	sld [smem:$0x3FD0];
	(tm) =	ssettm $0x1  }
0x93: {  	s5 =	sld [smem:$0x3FFB];
	_ =	sdelay $0x3  }
0x94: {  	_ =	strace s5  }
0x95: {  	s5 =	sld [smem:$0x3FFC];
	_ =	sdelay $0x3  }
0x96: {  	_ =	strace s5  }
0x97: {  	s5 =	sld [smem:$0x3FFD];
	_ =	sdelay $0x3  }
0x98: {  	_ =	strace s5  }
0x99: {  	_ =	strace $0x8FFFFFFF  }
0x9a: {  	s19 =	sld [smem:$0x3FDB];
	_ =	sdelay $0x1  }
0x9b: {  	s6 =	simm.s32 $_scs_section_size  }
0x9c: {  	s7 =	simm.s32 $_size__tile_overlayer_lowered;
	s8 =	simm.s32 $_tile_overlayer_lowered  }
0x9d: {  	s22 =	simm.s32 $0x1BFF;
	s21 =	sshll.u32 s8, $0x1;
	s5 =	sadd.s32 s6, s19  }
0x9e: {  	s9 =	simm.s32 $0x0;
	s20 =	sshll.u32 s7, $0x1;
	s7 =	sadd.s32 s21, s5  }
0x9f: {  	[timem:s9], [sflag:s22] =	dma.local [hbm:s7], s20  }
0xa0: {  	_ =	swait.ge [sflag:s22], s20  }
0xa1: {  	s6 =	ssub.s32 $0x0, s20;
	[sflag:s22] =	ssyncset.done $0x0  }
0xa2: {  	[sflag:s22] =	ssyncadd.s32 s6;
	_ =	sdelay $0x1  }
0xa3: {  	s23 =	simm.s32 $0x1B8B  }
0xa4: {  	_ =	swait.ge [sflag:s23], $0x1  }
0xa5: {  	[sflag:s23] =	ssyncset.done $0x0  }
0xa6: {  	s25 =	simm.s32 $0x1B8E;
	s24 =	sld [smem:$0x3FFE];
	[sflag:s23] =	ssyncadd.s32 $0xFFFFFFFF  }
0xa7: {  	s26 =	simm.s32 $execute0_lowered;
	[smem:$0x3FD2] =	sst s25  }
0xa8: {  	s7 =	sshll.u32 s26, $0x1;
	_ =	strace $0x80000046;
	[dreg:$0x1] =	wrdreg $0xFFFFFFFF  }
0xa9: {  	s28 =	simm.s32 $_size_execute0_lowered;
	s5 =	sadd.s32 s5, s7;
	[dreg:$0x0] =	wrdreg $0x0  }
0xaa: {  	s7 =	sshll.u32 s28, $0x1;
	[dreg:$0x2] =	wrdreg s5  }
0xab: {  	[dreg:$0x3] =	wrdreg s7  }
0xac: {  	[dreg:$0x4] =	wrdreg $0xC0  }
0xad: {  	_ =	task [dreg:s9], $0x5FFFF  }
0xae: {  	[dreg:$0x1] =	wrdreg $0xFFFFFFFF  }
0xaf: {  	[dreg:$0x0] =	wrdreg $0x60  }
0xb0: {  	[dreg:$0x2] =	wrdreg s18  }
0xb1: {  	[dreg:$0x3] =	wrdreg s2  }
0xb2: {  	[dreg:$0x4] =	wrdreg s4  }
0xb3: {  	[dreg:$0x5] =	wrdreg s24  }
0xb4: {  	[dreg:$0x6] =	wrdreg $0x9  }
0xb5: {  	_ =	task.clear_ibuf [dreg:s9], $0x7FFFF;
	_ =	strace $0x90000046  }
0xb6: {  	s29 =	simm.s32 $0x9;
	_ =	strace $0x80000048  }
0xb7: {  	_ =	swait.ge [sflag:s29], $0x1  }
0xb8: {  	[sflag:s29] =	ssyncadd.s32 $0xFFFFFFFF  }
0xb9: {  	_ =	strace $0x90000048  }
0xba: {  	_ =	sfence  }
0xbb: {  	s30 =	sld [smem:$0x0];
	_ =	sdelay $0x2  }
0xbc: {  	s31 =	sshll.u32 s1, $0xD;
	s1 =	sshrl.u32 s1, $0x2  }
0xbd: {  	s3 =	sand.u32 $0x4000, s31;
	s1 =	sadd.s32 s1, s30  }
0xbe: {  	s0 =	sor.u32 s3, s0;
	s1 =	sshll.u32 s1, $0x11  }
0xbf: {  	s0 =	sor.u32 s1, s0  }
0xc0: {  	s0 =	sadd.s32 $0x8F2B, s0  }
0xc1: {  	[sflag:s0] =	ssyncadd.remote.s32 $0x1  }
0xc2: {  	_ =	sfence.sel $0xFFFF  }
0xc3: {  	[dreg:$0x0] =	wrdreg $0xFFFFFFFF;
	(pc) =	sbr.abs _section_cstart, $3  }
0xc4: {  	[dreg:$0x1] =	wrdreg $0xFFFFFFFF  }
0xc5: {  	_ =	task.clear_ibuf [dreg:s9], $0x2FFFF;
	_ =	strace $0x9FFFFFFF  }
0xc6: {  	(tm) =	ssettm $0x7FFFFFFF  }
0xc7: {  	_ =	shalt  }
tec
execute0_lowered:
.L_overlay_start_1:
0x0: {  	(tag) =	ssettag $0x1  }
0x1: {  	s1 =	rddreg [dreg:$0x0]  }
0x2: {  	s7 =	rddreg [dreg:$0x1]  }
0x3: {  	s0 =	rddreg [dreg:$0x3]  }
0x4: {  	s9 =	simm.s32 $0x0;
	s5 =	stileid.u32;
	s2 =	srdreg.scid  }
0x5: {  	s12 =	simm.s32 $0x400;
	s13 =	simm.s32 $0x7A1400;
	s14 =	simm.s32 $0x2300  }
0x6: {  	s15 =	simm.s32 $0x4300;
	s16 =	simm.s32 $0x6300;
	s17 =	simm.s32 $0x8300  }
0x7: {  	s18 =	simm.s32 $0xA300;
	s19 =	simm.s32 $0xC300;
	s20 =	simm.s32 $0xE300  }
0x8: {  	s21 =	simm.s32 $0x10300;
	s24 =	simm.s32 $0x1;
	s23 =	simm.s32 $0x2  }
0x9: {  	s10 =	simm.s32 $0x3;
	s25 =	simm.s32 $0x4;
	s28 =	simm.s32 $0x6  }
0xa: {  	s29 =	simm.s32 $0x7;
	[smem:$0x7FF] =	sst s9;
	s2 =	sand.u32 $0x1, s2  }
0xb: {  	s3 =	sshll.u32 s5, $0xE;
	s5 =	sshll.u32 s5, $0xA;
	s4 =	ssub.s32 $0x2, s2  }
0xc: {  	s6 =	sshll.u32 s2, $0x9;
	s0 =	sadd.s32 s3, s0;
	s2 =	sshll.u32 s2, $0xD  }
0xd: {  	_ =	strace $0x80000047;
	s5 =	sor.u32 s6, s5;
	s0 =	sadd.s32 s2, s0  }
0xe: {  	v0 =	vlaneseq.u32;
	s26 =	sshrl.u32 s4, $0x1;
	s31 =	sshrl.u32 s5, $0x3;
	s0 =	sadd.s32 $0x400, s0  }
0xf: {  	v0 =	vmul.u32 $0x80, v0;
	s3 =	ssub.s32 s4, s26;
	s4 =	sadd.s32 s7, s31;
	[dreg:$0x7] =	wrdreg s0  }
0x10: {  	s30 =	simm.s32 $0x8;
	s3 =	smax.u32 s3, $0x1;
	[dreg:$0x5] =	wrdreg s4  }
0x11: {  	v1 =	vor.u32 $0x800, v0;
	v2 =	vor.u32 $0x1000, v0;
	v3 =	vor.u32 $0x1800, v0;
	s26 =	simm.s32 $0x5;
	[dreg:$0x6] =	wrdreg s3;
	s3 =	simm.s32 $0x0  }
.LBB2_1:
0x12: {  	[dreg:$0x8] =	wrdreg s3  }
0x13: {  	s0 =	rddreg [dreg:$0x5];
	s2 =	simm.s32 $0xA  }
0x14: {  	[tilespmem:s9], [sflag:$0xA] =	stream.linear.gather [hbm4b:s0+s9], $0x200, $0x38;
	[tilespmem:$0x12300] =	vst v63  }
0x15: {  	_ =	swait.ge [sflag:s2], $0x200  }
0x16: {  	[sflag:s2] =	ssyncset.done $0x0  }
0x17: {  	[sflag:s2] =	ssyncadd.s32 $0xFFFFFE00  }
0x18: {  	s31 =	simm.s32 $0x200;
	s22 =	rddreg [dreg:$0x1]  }
0x19: {  	[tilespmem:s31], [sflag:$0xA] =	stream.linear.gather [hbm4b:s22+s9], $0x10, $0x38;
	[tilespmem:$0x12300] =	vst v63  }
0x1a: {  	_ =	swait.ge [sflag:s2], $0x10  }
0x1b: {  	[sflag:s2] =	ssyncset.done $0x0  }
0x1c: {  	[sflag:s2] =	ssyncadd.s32 $0xFFFFFFF0  }
0x1d: {  	s4 =	simm.s32 $0x2280;
	s3 =	rddreg [dreg:$0x2]  }
0x1e: {  	[tilespmem:s4], [sflag:$0xA] =	stream.linear.gather [hbm4b:s3+s9], $0x80, $0x38;
	[tilespmem:$0x12300] =	vst v63  }
0x1f: {  	_ =	swait.ge [sflag:s2], $0x80  }
0x20: {  	[sflag:s2] =	ssyncset.done $0x0  }
0x21: {  	[sflag:s2] =	ssyncadd.s32 $0xFFFFFF80  }
0x22: {  	v8 =	vld [tilespmem:$0x0];
	_ =	sdelay $0x4  }
0x23: {  	(v2sf) =	vpush v8, $0x0;
	_ =	sdelay $0xd  }
0x24: {  	(v2sf) =	vpush v8, $0x1  }
0x25: {  	s0 =	spop (v2sf)  }
0x26: {  	p1 =	sgt.s32 s0, $0x0  }
0x27: {  	p0 =	slt.s32 s0, $0x1;
	s0 =	simm.s32 @!p1 $0x0  }
0x28: {  	s0 =	smin.u32 s0, $0xF423F  }
0x29: {  	s5 =	sand.u32 $0x7F, s0  }
0x2a: {  	p2 =	sne.s32 s5, $0x0  }
0x2b: {  	p0 =	por !p0, !p2  }
0x2c: {  	s2 =	simm.s32 $0xFFFFFFFF;
	p0 =	por !p0, !p0  }
0x2d: {  	s2 =	simm.s32 @!p0 $0x0  }
0x2e: {  	s2 =	sshll.u32 s2, $0x7  }
0x2f: {  	v4 =	vld [tilespmem:$0x2280];
	s0 =	sadd.s32 s0, s2  }
0x30: {  	v5 =	vld [tilespmem:$0x2290];
	s0 =	sand.u32 $0x1FFFFF80, s0  }
0x31: {  	v6 =	vld [tilespmem:$0x22A0];
	s0 =	sadd.s32 s1, s0  }
0x32: {  	v7 =	vld [tilespmem:$0x22B0];
	(v2sf) =	vpush v8, $0x2;
	[tilespmem:s14], [sflag:$0x1] =	stream.strided.gather [hbm4b:s0+s12], $0x2000, s13, s12, $0x38  }
0x33: {  	s0 =	spop (v2sf)  }
0x34: {  	p1 =	sgt.s32 s0, $0x0  }
0x35: {  	p3 =	slt.s32 s0, $0x1;
	s0 =	simm.s32 @!p1 $0x0  }
0x36: {  	s0 =	smin.u32 s0, $0xF423F  }
0x37: {  	s6 =	sand.u32 $0x7F, s0  }
0x38: {  	p4 =	sne.s32 s6, $0x0  }
0x39: {  	p0 =	por !p3, !p4  }
0x3a: {  	s2 =	simm.s32 $0xFFFFFFFF;
	p0 =	por !p0, !p0  }
0x3b: {  	s2 =	simm.s32 @!p0 $0x0  }
0x3c: {  	s2 =	sshll.u32 s2, $0x7  }
0x3d: {  	s0 =	sadd.s32 s0, s2  }
0x3e: {  	s0 =	sand.u32 $0x1FFFFF80, s0  }
0x3f: {  	s0 =	sadd.s32 s1, s0  }
0x40: {  	(v2sf) =	vpush v8, $0x3;
	[tilespmem:s15], [sflag:$0x2] =	stream.strided.gather [hbm4b:s0+s12], $0x2000, s13, s12, $0x38;
	[tilespmem:$0x12300] =	vst v63  }
0x41: {  	s0 =	spop (v2sf)  }
0x42: {  	p1 =	sgt.s32 s0, $0x0  }
0x43: {  	p5 =	slt.s32 s0, $0x1;
	s0 =	simm.s32 @!p1 $0x0  }
0x44: {  	s0 =	smin.u32 s0, $0xF423F  }
0x45: {  	s7 =	sand.u32 $0x7F, s0  }
0x46: {  	p6 =	sne.s32 s7, $0x0  }
0x47: {  	p0 =	por !p5, !p6  }
0x48: {  	s2 =	simm.s32 $0xFFFFFFFF;
	p0 =	por !p0, !p0  }
0x49: {  	s2 =	simm.s32 @!p0 $0x0  }
0x4a: {  	s2 =	sshll.u32 s2, $0x7  }
0x4b: {  	s0 =	sadd.s32 s0, s2  }
0x4c: {  	s0 =	sand.u32 $0x1FFFFF80, s0  }
0x4d: {  	s0 =	sadd.s32 s1, s0  }
0x4e: {  	(v2sf) =	vpush v8, $0x4;
	[tilespmem:s16], [sflag:$0x3] =	stream.strided.gather [hbm4b:s0+s12], $0x2000, s13, s12, $0x38;
	[tilespmem:$0x12300] =	vst v63  }
0x4f: {  	s0 =	spop (v2sf)  }
0x50: {  	p1 =	sgt.s32 s0, $0x0  }
0x51: {  	p2 =	slt.s32 s0, $0x1;
	s0 =	simm.s32 @!p1 $0x0  }
0x52: {  	s0 =	smin.u32 s0, $0xF423F  }
0x53: {  	s8 =	sand.u32 $0x7F, s0  }
0x54: {  	p3 =	sne.s32 s8, $0x0  }
0x55: {  	p0 =	por !p2, !p3  }
0x56: {  	s2 =	simm.s32 $0xFFFFFFFF;
	p0 =	por !p0, !p0  }
0x57: {  	s2 =	simm.s32 @!p0 $0x0  }
0x58: {  	(v2sf) =	vpush v8, $0x5;
	s2 =	sshll.u32 s2, $0x7  }
0x59: {  	s0 =	sadd.s32 s0, s2  }
0x5a: {  	s0 =	sand.u32 $0x1FFFFF80, s0  }
0x5b: {  	s0 =	sadd.s32 s1, s0  }
0x5c: {  	[tilespmem:s17], [sflag:$0x4] =	stream.strided.gather [hbm4b:s0+s12], $0x2000, s13, s12, $0x38;
	[tilespmem:$0x12300] =	vst v63  }
0x5d: {  	s0 =	spop (v2sf)  }
0x5e: {  	p1 =	sgt.s32 s0, $0x0  }
0x5f: {  	p4 =	slt.s32 s0, $0x1;
	s0 =	simm.s32 @!p1 $0x0  }
0x60: {  	s0 =	smin.u32 s0, $0xF423F  }
0x61: {  	s9 =	sand.u32 $0x7F, s0  }
0x62: {  	p5 =	sne.s32 s9, $0x0  }
0x63: {  	(v2sf) =	vpush v8, $0x6;
	p0 =	por !p4, !p5  }
0x64: {  	s2 =	simm.s32 $0xFFFFFFFF;
	p0 =	por !p0, !p0  }
0x65: {  	s2 =	simm.s32 @!p0 $0x0  }
0x66: {  	s2 =	sshll.u32 s2, $0x7  }
0x67: {  	s0 =	sadd.s32 s0, s2;
	s2 =	spop (v2sf)  }
0x68: {  	s0 =	sand.u32 $0x1FFFFF80, s0;
	p1 =	sgt.s32 s2, $0x0  }
0x69: {  	p6 =	slt.s32 s2, $0x1;
	s0 =	sadd.s32 s1, s0;
	s2 =	simm.s32 @!p1 $0x0  }
0x6a: {  	[tilespmem:s18], [sflag:$0x5] =	stream.strided.gather [hbm4b:s0+s12], $0x2000, s13, s12, $0x38;
	[tilespmem:$0x12300] =	vst v63  }
0x6b: {  	s11 =	smin.u32 s2, $0xF423F  }
0x6c: {  	s2 =	sand.u32 $0x7F, s11  }
0x6d: {  	p2 =	sne.s32 s2, $0x0  }
0x6e: {  	p0 =	por !p6, !p2  }
0x6f: {  	s2 =	simm.s32 $0xFFFFFFFF;
	p0 =	por !p0, !p0  }
0x70: {  	s2 =	simm.s32 @!p0 $0x0  }
0x71: {  	s2 =	sshll.u32 s2, $0x7  }
0x72: {  	s0 =	sadd.s32 s11, s2;
	s2 =	spop (v2sf);
	(v2sf) =	vpush v8, $0x7  }
0x73: {  	s0 =	sand.u32 $0x1FFFFF80, s0;
	p1 =	sgt.s32 s2, $0x0  }
0x74: {  	p3 =	slt.s32 s2, $0x1;
	s0 =	sadd.s32 s1, s0;
	s2 =	simm.s32 @!p1 $0x0  }
0x75: {  	[tilespmem:s19], [sflag:$0x6] =	stream.strided.gather [hbm4b:s0+s12], $0x2000, s13, s12, $0x38;
	[tilespmem:$0x12300] =	vst v63  }
0x76: {  	s22 =	smin.u32 s2, $0xF423F  }
0x77: {  	s2 =	sand.u32 $0x7F, s22  }
0x78: {  	p4 =	sne.s32 s2, $0x0  }
0x79: {  	p0 =	por !p3, !p4  }
0x7a: {  	s2 =	simm.s32 $0xFFFFFFFF;
	p0 =	por !p0, !p0  }
0x7b: {  	s2 =	simm.s32 @!p0 $0x0  }
0x7c: {  	s2 =	sshll.u32 s2, $0x7  }
0x7d: {  	s0 =	sadd.s32 s22, s2  }
0x7e: {  	s0 =	sand.u32 $0x1FFFFF80, s0  }
0x7f: {  	s0 =	sadd.s32 s1, s0  }
0x80: {  	[tilespmem:s20], [sflag:$0x7] =	stream.strided.gather [hbm4b:s0+s12], $0x2000, s13, s12, $0x38;
	[tilespmem:$0x12300] =	vst v63  }
0x81: {  	s0 =	spop (v2sf)  }
0x82: {  	p1 =	sgt.s32 s0, $0x0  }
0x83: {  	p5 =	slt.s32 s0, $0x1;
	s0 =	simm.s32 @!p1 $0x0  }
0x84: {  	s0 =	smin.u32 s0, $0xF423F  }
0x85: {  	s31 =	sand.u32 $0x7F, s0  }
0x86: {  	p6 =	sne.s32 s31, $0x0  }
0x87: {  	p0 =	por !p5, !p6  }
0x88: {  	s2 =	simm.s32 $0xFFFFFFFF;
	p0 =	por !p0, !p0  }
0x89: {  	s2 =	simm.s32 @!p0 $0x0  }
0x8a: {  	s2 =	sshll.u32 s2, $0x7  }
0x8b: {  	s0 =	sadd.s32 s0, s2  }
0x8c: {  	s4 =	simm.s32 $0x10;
	s3 =	simm.s32 $0x0;
	s0 =	sand.u32 $0x1FFFFF80, s0  }
0x8d: {  	s8 =	rddreg [dreg:$0x7];
	s11 =	simm.s32 $0x0;
	s0 =	sadd.s32 s1, s0  }
0x8e: {  	[tilespmem:s21], [sflag:$0x8] =	stream.strided.gather [hbm4b:s0+s12], $0x2000, s13, s12, $0x38;
	[tilespmem:$0x12300] =	vst v63  }
.LBB2_2:
0x8f: {  	p0 =	slt.u32 s11, $0x4  }
0x90: {  	v9 =	vld [tilespmem:s4+$0xFFFFFFF0];
	s0 =	simm.s32 @!p0 $0x9  }
0x91: {  	v8 =	vld [tilespmem:s4+$0x0];
	_ =	swait.ge @!p0 [sflag:s0], $0x800  }
0x92: {  	[sflag:s0] =	ssyncset.done @!p0 $0x0  }
0x93: {  	[sflag:s0] =	ssyncadd.s32 @!p0 $0xFFFFF800  }
0x94: {  	_ =	swait.ge [sflag:s24], $0x2000  }
0x95: {  	(v2sf) =	vpush v9, $0x0;
	_ =	sdelay $0xe  }
0x96: {  	s9 =	spop (v2sf)  }
0x97: {  	s0 =	sand.u32 $0x7F, s9  }
0x98: {  	v10 =	vor.u32 s0, v0;
	_ =	sdelay $0x2  }
0x99: {  	[sflag:s24] =	ssyncset.done $0x0  }
0x9a: {  	[sflag:s24] =	ssyncadd.s32 $0xFFFFE000  }
0x9b: {  	v10 =	vld.idx.msk [tilespmem:v10+s14+$0x0], $0xffff;
	_ =	sdelay $0x2  }
0x9c: {  	v11 =	vor.u32 s0, v1  }
0x9d: {  	(v2sf) =	vpush v9, $0x8  }
0x9e: {  	v10 =	vadd.f32 v10, v4  }
0x9f: {  	s2 =	sand.u32 $0x1800, s3  }
0xa0: {  	[tilespmem:s2+$0x280] =	vst v10  }
0xa1: {  	v10 =	vld.idx.msk [tilespmem:v11+s14+$0x0], $0xffff;
	_ =	sdelay $0x2  }
0xa2: {  	v53 =	vor.u32 s0, v2;
	_ =	sdelay $0x1  }
0xa3: {  	v10 =	vadd.f32 v10, v5;
	_ =	sdelay $0x1  }
0xa4: {  	[tilespmem:s2+$0x290] =	vst v10  }
0xa5: {  	v10 =	vld.idx.msk [tilespmem:v53+s14+$0x0], $0xffff;
	_ =	sdelay $0x2  }
0xa6: {  	v54 =	vor.u32 s0, v3;
	s6 =	spop (v2sf)  }
0xa7: {  	p0 =	sgt.s32 s6, $0x0;
	s0 =	smov.u32 s6  }
0xa8: {  	s0 =	simm.s32 @!p0 $0x0;
	v10 =	vadd.f32 v10, v6  }
0xa9: {  	s0 =	smin.u32 s0, $0xF423F  }
0xaa: {  	s5 =	sand.u32 $0x7F, s0;
	[tilespmem:s2+$0x2A0] =	vst v10  }
0xab: {  	p2 =	slt.s32 s6, $0x1;
	p1 =	sne.s32 s5, $0x0;
	v10 =	vld.idx.msk [tilespmem:v54+s14+$0x0], $0xffff  }
0xac: {  	p0 =	por !p2, !p1  }
0xad: {  	s5 =	simm.s32 $0xFFFFFFFF;
	p0 =	por !p0, !p0  }
0xae: {  	s5 =	simm.s32 @!p0 $0x0  }
0xaf: {  	s5 =	sshll.u32 s5, $0x7  }
0xb0: {  	s0 =	sadd.s32 s0, s5;
	v10 =	vadd.f32 v10, v7  }
0xb1: {  	s0 =	sand.u32 $0x1FFFFF80, s0  }
0xb2: {  	s0 =	sadd.s32 s1, s0;
	[tilespmem:s2+$0x2B0] =	vst v10  }
0xb3: {  	[tilespmem:s14], [sflag:$0x1] =	stream.strided.gather [hbm4b:s0+s12], $0x2000, s13, s12, $0x38;
	[tilespmem:$0x12300] =	vst v63  }
0xb4: {  	_ =	swait.ge [sflag:s23], $0x2000  }
0xb5: {  	(v2sf) =	vpush v9, $0x1;
	_ =	sdelay $0xe  }
0xb6: {  	s22 =	spop (v2sf)  }
0xb7: {  	s0 =	sand.u32 $0x7F, s22  }
0xb8: {  	v55 =	vor.u32 s0, v0;
	_ =	sdelay $0x2  }
0xb9: {  	[sflag:s23] =	ssyncset.done $0x0  }
0xba: {  	[sflag:s23] =	ssyncadd.s32 $0xFFFFE000  }
0xbb: {  	v10 =	vld.idx.msk [tilespmem:v55+s15+$0x0], $0xffff;
	_ =	sdelay $0x2  }
0xbc: {  	v56 =	vor.u32 s0, v1  }
0xbd: {  	(v2sf) =	vpush v9, $0x9  }
0xbe: {  	v10 =	vadd.f32 v10, v4;
	_ =	sdelay $0x1  }
0xbf: {  	[tilespmem:s2+$0x300] =	vst v10  }
0xc0: {  	v10 =	vld.idx.msk [tilespmem:v56+s15+$0x0], $0xffff;
	_ =	sdelay $0x2  }
0xc1: {  	v57 =	vor.u32 s0, v2;
	_ =	sdelay $0x1  }
0xc2: {  	v10 =	vadd.f32 v10, v5;
	_ =	sdelay $0x1  }
0xc3: {  	[tilespmem:s2+$0x310] =	vst v10  }
0xc4: {  	v10 =	vld.idx.msk [tilespmem:v57+s15+$0x0], $0xffff;
	_ =	sdelay $0x2  }
0xc5: {  	v58 =	vor.u32 s0, v3;
	s7 =	spop (v2sf)  }
0xc6: {  	p0 =	sgt.s32 s7, $0x0;
	s0 =	smov.u32 s7  }
0xc7: {  	s0 =	simm.s32 @!p0 $0x0;
	v10 =	vadd.f32 v10, v6  }
0xc8: {  	s0 =	smin.u32 s0, $0xF423F  }
0xc9: {  	s23 =	sand.u32 $0x7F, s0;
	[tilespmem:s2+$0x320] =	vst v10  }
0xca: {  	p3 =	slt.s32 s7, $0x1;
	p4 =	sne.s32 s23, $0x0;
	v10 =	vld.idx.msk [tilespmem:v58+s15+$0x0], $0xffff  }
0xcb: {  	p0 =	por !p3, !p4  }
0xcc: {  	s5 =	simm.s32 $0xFFFFFFFF;
	p0 =	por !p0, !p0  }
0xcd: {  	s5 =	simm.s32 @!p0 $0x0  }
0xce: {  	s5 =	sshll.u32 s5, $0x7  }
0xcf: {  	s0 =	sadd.s32 s0, s5;
	v10 =	vadd.f32 v10, v7  }
0xd0: {  	s0 =	sand.u32 $0x1FFFFF80, s0  }
0xd1: {  	s0 =	sadd.s32 s1, s0;
	[tilespmem:s2+$0x330] =	vst v10  }
0xd2: {  	[tilespmem:s15], [sflag:$0x2] =	stream.strided.gather [hbm4b:s0+s12], $0x2000, s13, s12, $0x38;
	[tilespmem:$0x12300] =	vst v63  }
0xd3: {  	_ =	swait.ge [sflag:s10], $0x2000  }
0xd4: {  	(v2sf) =	vpush v9, $0x2;
	_ =	sdelay $0xe  }
0xd5: {  	s24 =	spop (v2sf)  }
0xd6: {  	s0 =	sand.u32 $0x7F, s24  }
0xd7: {  	v59 =	vor.u32 s0, v0;
	_ =	sdelay $0x2  }
0xd8: {  	[sflag:s10] =	ssyncset.done $0x0  }
0xd9: {  	[sflag:s10] =	ssyncadd.s32 $0xFFFFE000  }
0xda: {  	v10 =	vld.idx.msk [tilespmem:v59+s16+$0x0], $0xffff;
	_ =	sdelay $0x2  }
0xdb: {  	v60 =	vor.u32 s0, v1  }
0xdc: {  	(v2sf) =	vpush v9, $0xA  }
0xdd: {  	v10 =	vadd.f32 v10, v4;
	_ =	sdelay $0x1  }
0xde: {  	[tilespmem:s2+$0x380] =	vst v10  }
0xdf: {  	v10 =	vld.idx.msk [tilespmem:v60+s16+$0x0], $0xffff;
	_ =	sdelay $0x2  }
0xe0: {  	v61 =	vor.u32 s0, v2;
	_ =	sdelay $0x1  }
0xe1: {  	v10 =	vadd.f32 v10, v5;
	_ =	sdelay $0x1  }
0xe2: {  	[tilespmem:s2+$0x390] =	vst v10  }
0xe3: {  	v10 =	vld.idx.msk [tilespmem:v61+s16+$0x0], $0xffff;
	_ =	sdelay $0x2  }
0xe4: {  	v62 =	vor.u32 s0, v3;
	s10 =	spop (v2sf)  }
0xe5: {  	p0 =	sgt.s32 s10, $0x0;
	s0 =	smov.u32 s10  }
0xe6: {  	s0 =	simm.s32 @!p0 $0x0;
	v10 =	vadd.f32 v10, v6  }
0xe7: {  	s0 =	smin.u32 s0, $0xF423F  }
0xe8: {  	s31 =	sand.u32 $0x7F, s0;
	[tilespmem:s2+$0x3A0] =	vst v10  }
0xe9: {  	p5 =	slt.s32 s10, $0x1;
	p6 =	sne.s32 s31, $0x0;
	v10 =	vld.idx.msk [tilespmem:v62+s16+$0x0], $0xffff  }
0xea: {  	p0 =	por !p5, !p6  }
0xeb: {  	s5 =	simm.s32 $0xFFFFFFFF;
	p0 =	por !p0, !p0  }
0xec: {  	s5 =	simm.s32 @!p0 $0x0  }
0xed: {  	s5 =	sshll.u32 s5, $0x7  }
0xee: {  	s0 =	sadd.s32 s0, s5;
	v10 =	vadd.f32 v10, v7  }
0xef: {  	s0 =	sand.u32 $0x1FFFFF80, s0  }
0xf0: {  	s0 =	sadd.s32 s1, s0;
	[tilespmem:s2+$0x3B0] =	vst v10  }
0xf1: {  	[tilespmem:s16], [sflag:$0x3] =	stream.strided.gather [hbm4b:s0+s12], $0x2000, s13, s12, $0x38;
	[tilespmem:$0x12300] =	vst v63  }
0xf2: {  	_ =	swait.ge [sflag:s25], $0x2000  }
0xf3: {  	(v2sf) =	vpush v9, $0x3;
	_ =	sdelay $0xe  }
0xf4: {  	s9 =	spop (v2sf)  }
0xf5: {  	s0 =	sand.u32 $0x7F, s9  }
0xf6: {  	v63 =	vor.u32 s0, v0;
	_ =	sdelay $0x2  }
0xf7: {  	[sflag:s25] =	ssyncset.done $0x0  }
0xf8: {  	[sflag:s25] =	ssyncadd.s32 $0xFFFFE000  }
0xf9: {  	v10 =	vld.idx.msk [tilespmem:v63+s17+$0x0], $0xffff;
	_ =	sdelay $0x2  }
0xfa: {  	v12 =	vor.u32 s0, v1  }
0xfb: {  	(v2sf) =	vpush v9, $0xB  }
0xfc: {  	v10 =	vadd.f32 v10, v4;
	_ =	sdelay $0x1  }
0xfd: {  	[tilespmem:s2+$0x400] =	vst v10  }
0xfe: {  	v10 =	vld.idx.msk [tilespmem:v12+s17+$0x0], $0xffff;
	_ =	sdelay $0x2  }
0xff: {  	v13 =	vor.u32 s0, v2;
	_ =	sdelay $0x1  }
0x100: {  	v10 =	vadd.f32 v10, v5;
	_ =	sdelay $0x1  }
0x101: {  	[tilespmem:s2+$0x410] =	vst v10  }
0x102: {  	v10 =	vld.idx.msk [tilespmem:v13+s17+$0x0], $0xffff;
	_ =	sdelay $0x2  }
0x103: {  	v14 =	vor.u32 s0, v3;
	s9 =	spop (v2sf)  }
0x104: {  	p0 =	sgt.s32 s9, $0x0;
	s0 =	smov.u32 s9  }
0x105: {  	s0 =	simm.s32 @!p0 $0x0;
	v10 =	vadd.f32 v10, v6  }
0x106: {  	s0 =	smin.u32 s0, $0xF423F  }
0x107: {  	s22 =	sand.u32 $0x7F, s0;
	[tilespmem:s2+$0x420] =	vst v10  }
0x108: {  	p1 =	slt.s32 s9, $0x1;
	p2 =	sne.s32 s22, $0x0;
	v10 =	vld.idx.msk [tilespmem:v14+s17+$0x0], $0xffff  }
0x109: {  	p0 =	por !p1, !p2  }
0x10a: {  	s5 =	simm.s32 $0xFFFFFFFF;
	p0 =	por !p0, !p0  }
0x10b: {  	s5 =	simm.s32 @!p0 $0x0  }
0x10c: {  	s5 =	sshll.u32 s5, $0x7  }
0x10d: {  	s0 =	sadd.s32 s0, s5;
	v10 =	vadd.f32 v10, v7  }
0x10e: {  	s0 =	sand.u32 $0x1FFFFF80, s0  }
0x10f: {  	s0 =	sadd.s32 s1, s0;
	[tilespmem:s2+$0x430] =	vst v10  }
0x110: {  	[tilespmem:s17], [sflag:$0x4] =	stream.strided.gather [hbm4b:s0+s12], $0x2000, s13, s12, $0x38;
	[tilespmem:$0x12300] =	vst v63  }
0x111: {  	_ =	swait.ge [sflag:s26], $0x2000  }
0x112: {  	(v2sf) =	vpush v9, $0x4;
	_ =	sdelay $0xe  }
0x113: {  	s23 =	spop (v2sf)  }
0x114: {  	s0 =	sand.u32 $0x7F, s23  }
0x115: {  	v15 =	vor.u32 s0, v0;
	_ =	sdelay $0x2  }
0x116: {  	[sflag:s26] =	ssyncset.done $0x0  }
0x117: {  	[sflag:s26] =	ssyncadd.s32 $0xFFFFE000  }
0x118: {  	v10 =	vld.idx.msk [tilespmem:v15+s18+$0x0], $0xffff;
	_ =	sdelay $0x2  }
0x119: {  	v16 =	vor.u32 s0, v1  }
0x11a: {  	(v2sf) =	vpush v9, $0xC  }
0x11b: {  	v10 =	vadd.f32 v10, v4;
	_ =	sdelay $0x1  }
0x11c: {  	[tilespmem:s2+$0x480] =	vst v10  }
0x11d: {  	v10 =	vld.idx.msk [tilespmem:v16+s18+$0x0], $0xffff;
	_ =	sdelay $0x2  }
0x11e: {  	v17 =	vor.u32 s0, v2;
	_ =	sdelay $0x1  }
0x11f: {  	v10 =	vadd.f32 v10, v5;
	_ =	sdelay $0x1  }
0x120: {  	[tilespmem:s2+$0x490] =	vst v10  }
0x121: {  	v10 =	vld.idx.msk [tilespmem:v17+s18+$0x0], $0xffff;
	_ =	sdelay $0x2  }
0x122: {  	v18 =	vor.u32 s0, v3;
	s31 =	spop (v2sf)  }
0x123: {  	p0 =	sgt.s32 s31, $0x0;
	s0 =	smov.u32 s31  }
0x124: {  	s0 =	simm.s32 @!p0 $0x0;
	v10 =	vadd.f32 v10, v6  }
0x125: {  	s0 =	smin.u32 s0, $0xF423F  }
0x126: {  	s24 =	sand.u32 $0x7F, s0;
	[tilespmem:s2+$0x4A0] =	vst v10  }
0x127: {  	p3 =	slt.s32 s31, $0x1;
	p4 =	sne.s32 s24, $0x0;
	v10 =	vld.idx.msk [tilespmem:v18+s18+$0x0], $0xffff  }
0x128: {  	p0 =	por !p3, !p4  }
0x129: {  	s5 =	simm.s32 $0xFFFFFFFF;
	p0 =	por !p0, !p0  }
0x12a: {  	s5 =	simm.s32 @!p0 $0x0  }
0x12b: {  	s5 =	sshll.u32 s5, $0x7  }
0x12c: {  	s0 =	sadd.s32 s0, s5;
	v10 =	vadd.f32 v10, v7  }
0x12d: {  	s0 =	sand.u32 $0x1FFFFF80, s0  }
0x12e: {  	s0 =	sadd.s32 s1, s0;
	[tilespmem:s2+$0x4B0] =	vst v10  }
0x12f: {  	[tilespmem:s18], [sflag:$0x5] =	stream.strided.gather [hbm4b:s0+s12], $0x2000, s13, s12, $0x38;
	[tilespmem:$0x12300] =	vst v63  }
0x130: {  	_ =	swait.ge [sflag:s28], $0x2000  }
0x131: {  	(v2sf) =	vpush v9, $0x5;
	_ =	sdelay $0xe  }
0x132: {  	s22 =	spop (v2sf)  }
0x133: {  	s0 =	sand.u32 $0x7F, s22  }
0x134: {  	v19 =	vor.u32 s0, v0;
	_ =	sdelay $0x2  }
0x135: {  	[sflag:s28] =	ssyncset.done $0x0  }
0x136: {  	[sflag:s28] =	ssyncadd.s32 $0xFFFFE000  }
0x137: {  	v10 =	vld.idx.msk [tilespmem:v19+s19+$0x0], $0xffff;
	_ =	sdelay $0x2  }
0x138: {  	v20 =	vor.u32 s0, v1  }
0x139: {  	(v2sf) =	vpush v9, $0xD  }
0x13a: {  	v10 =	vadd.f32 v10, v4;
	_ =	sdelay $0x1  }
0x13b: {  	[tilespmem:s2+$0x500] =	vst v10  }
0x13c: {  	v10 =	vld.idx.msk [tilespmem:v20+s19+$0x0], $0xffff;
	_ =	sdelay $0x2  }
0x13d: {  	v21 =	vor.u32 s0, v2;
	_ =	sdelay $0x1  }
0x13e: {  	v10 =	vadd.f32 v10, v5;
	_ =	sdelay $0x1  }
0x13f: {  	[tilespmem:s2+$0x510] =	vst v10  }
0x140: {  	v10 =	vld.idx.msk [tilespmem:v21+s19+$0x0], $0xffff;
	_ =	sdelay $0x2  }
0x141: {  	v22 =	vor.u32 s0, v3;
	s0 =	spop (v2sf)  }
0x142: {  	p0 =	sgt.s32 s0, $0x0;
	s5 =	smov.u32 s0  }
0x143: {  	s5 =	simm.s32 @!p0 $0x0;
	v10 =	vadd.f32 v10, v6  }
0x144: {  	s5 =	smin.u32 s5, $0xF423F  }
0x145: {  	s22 =	sand.u32 $0x7F, s5;
	[tilespmem:s2+$0x520] =	vst v10  }
0x146: {  	p5 =	slt.s32 s0, $0x1;
	p6 =	sne.s32 s22, $0x0;
	v10 =	vld.idx.msk [tilespmem:v22+s19+$0x0], $0xffff  }
0x147: {  	p0 =	por !p5, !p6  }
0x148: {  	s22 =	simm.s32 $0xFFFFFFFF;
	p0 =	por !p0, !p0  }
0x149: {  	s22 =	simm.s32 @!p0 $0x0  }
0x14a: {  	s22 =	sshll.u32 s22, $0x7  }
0x14b: {  	s5 =	sadd.s32 s5, s22;
	v10 =	vadd.f32 v10, v7  }
0x14c: {  	s5 =	sand.u32 $0x1FFFFF80, s5  }
0x14d: {  	s5 =	sadd.s32 s1, s5;
	[tilespmem:s2+$0x530] =	vst v10  }
0x14e: {  	[tilespmem:s19], [sflag:$0x6] =	stream.strided.gather [hbm4b:s5+s12], $0x2000, s13, s12, $0x38;
	[tilespmem:$0x12300] =	vst v63  }
0x14f: {  	_ =	swait.ge [sflag:s29], $0x2000  }
0x150: {  	(v2sf) =	vpush v9, $0x6;
	_ =	sdelay $0xe  }
0x151: {  	s23 =	spop (v2sf)  }
0x152: {  	s5 =	sand.u32 $0x7F, s23  }
0x153: {  	v23 =	vor.u32 s5, v0;
	_ =	sdelay $0x2  }
0x154: {  	[sflag:s29] =	ssyncset.done $0x0  }
0x155: {  	[sflag:s29] =	ssyncadd.s32 $0xFFFFE000  }
0x156: {  	v10 =	vld.idx.msk [tilespmem:v23+s20+$0x0], $0xffff;
	_ =	sdelay $0x2  }
0x157: {  	v24 =	vor.u32 s5, v1  }
0x158: {  	(v2sf) =	vpush v9, $0xE  }
0x159: {  	v10 =	vadd.f32 v10, v4;
	_ =	sdelay $0x1  }
0x15a: {  	[tilespmem:s2+$0x580] =	vst v10  }
0x15b: {  	v10 =	vld.idx.msk [tilespmem:v24+s20+$0x0], $0xffff;
	_ =	sdelay $0x2  }
0x15c: {  	v25 =	vor.u32 s5, v2;
	_ =	sdelay $0x1  }
0x15d: {  	v10 =	vadd.f32 v10, v5;
	_ =	sdelay $0x1  }
0x15e: {  	[tilespmem:s2+$0x590] =	vst v10  }
0x15f: {  	v10 =	vld.idx.msk [tilespmem:v25+s20+$0x0], $0xffff;
	_ =	sdelay $0x2  }
0x160: {  	v26 =	vor.u32 s5, v3;
	s5 =	spop (v2sf)  }
0x161: {  	p0 =	sgt.s32 s5, $0x0;
	s22 =	smov.u32 s5  }
0x162: {  	s22 =	simm.s32 @!p0 $0x0;
	v10 =	vadd.f32 v10, v6  }
0x163: {  	s22 =	smin.u32 s22, $0xF423F  }
0x164: {  	s24 =	sand.u32 $0x7F, s22;
	[tilespmem:s2+$0x5A0] =	vst v10  }
0x165: {  	p2 =	slt.s32 s5, $0x1;
	p3 =	sne.s32 s24, $0x0;
	v10 =	vld.idx.msk [tilespmem:v26+s20+$0x0], $0xffff  }
0x166: {  	p0 =	por !p2, !p3  }
0x167: {  	s23 =	simm.s32 $0xFFFFFFFF;
	p0 =	por !p0, !p0  }
0x168: {  	s23 =	simm.s32 @!p0 $0x0  }
0x169: {  	s23 =	sshll.u32 s23, $0x7  }
0x16a: {  	s22 =	sadd.s32 s22, s23;
	v10 =	vadd.f32 v10, v7  }
0x16b: {  	s22 =	sand.u32 $0x1FFFFF80, s22  }
0x16c: {  	s22 =	sadd.s32 s1, s22;
	[tilespmem:s2+$0x5B0] =	vst v10  }
0x16d: {  	[tilespmem:s20], [sflag:$0x7] =	stream.strided.gather [hbm4b:s22+s12], $0x2000, s13, s12, $0x38;
	[tilespmem:$0x12300] =	vst v63  }
0x16e: {  	_ =	swait.ge [sflag:s30], $0x2000  }
0x16f: {  	(v2sf) =	vpush v9, $0x7;
	_ =	sdelay $0xe  }
0x170: {  	s24 =	spop (v2sf)  }
0x171: {  	s22 =	sand.u32 $0x7F, s24  }
0x172: {  	v27 =	vor.u32 s22, v0;
	_ =	sdelay $0x2  }
0x173: {  	[sflag:s30] =	ssyncset.done $0x0  }
0x174: {  	[sflag:s30] =	ssyncadd.s32 $0xFFFFE000  }
0x175: {  	v10 =	vld.idx.msk [tilespmem:v27+s21+$0x0], $0xffff;
	_ =	sdelay $0x2  }
0x176: {  	v28 =	vor.u32 s22, v1  }
0x177: {  	(v2sf) =	vpush v9, $0xF  }
0x178: {  	v29 =	vadd.f32 v10, v4;
	_ =	sdelay $0x1  }
0x179: {  	[tilespmem:s2+$0x600] =	vst v29  }
0x17a: {  	v9 =	vld.idx.msk [tilespmem:v28+s21+$0x0], $0xffff;
	_ =	sdelay $0x2  }
0x17b: {  	v30 =	vor.u32 s22, v2;
	_ =	sdelay $0x1  }
0x17c: {  	v9 =	vadd.f32 v9, v5;
	_ =	sdelay $0x1  }
0x17d: {  	[tilespmem:s2+$0x610] =	vst v9  }
0x17e: {  	v9 =	vld.idx.msk [tilespmem:v30+s21+$0x0], $0xffff;
	_ =	sdelay $0x2  }
0x17f: {  	v31 =	vor.u32 s22, v3;
	s22 =	spop (v2sf)  }
0x180: {  	p0 =	sgt.s32 s22, $0x0;
	s23 =	smov.u32 s22  }
0x181: {  	s23 =	simm.s32 @!p0 $0x0;
	v9 =	vadd.f32 v9, v6  }
0x182: {  	s23 =	smin.u32 s23, $0xF423F  }
0x183: {  	s24 =	sand.u32 $0x7F, s23;
	[tilespmem:s2+$0x620] =	vst v9  }
0x184: {  	p4 =	slt.s32 s22, $0x1;
	p5 =	sne.s32 s24, $0x0;
	v9 =	vld.idx.msk [tilespmem:v31+s21+$0x0], $0xffff  }
0x185: {  	p0 =	por !p4, !p5  }
0x186: {  	s24 =	simm.s32 $0xFFFFFFFF;
	p0 =	por !p0, !p0  }
0x187: {  	s24 =	simm.s32 @!p0 $0x0  }
0x188: {  	s24 =	sshll.u32 s24, $0x7  }
0x189: {  	s23 =	sadd.s32 s23, s24;
	v9 =	vadd.f32 v9, v7  }
0x18a: {  	s6 =	sand.u32 $0x7F, s6;
	s23 =	sand.u32 $0x1FFFFF80, s23  }
0x18b: {  	v32 =	vor.u32 s6, v0;
	s24 =	simm.s32 $0x1;
	s23 =	sadd.s32 s1, s23;
	[tilespmem:s2+$0x630] =	vst v9  }
0x18c: {  	[tilespmem:s21], [sflag:$0x8] =	stream.strided.gather [hbm4b:s23+s12], $0x2000, s13, s12, $0x38;
	[tilespmem:$0x12300] =	vst v63  }
0x18d: {  	_ =	swait.ge [sflag:s24], $0x2000  }
0x18e: {  	[sflag:s24] =	ssyncset.done $0x0  }
0x18f: {  	[sflag:s24] =	ssyncadd.s32 $0xFFFFE000  }
0x190: {  	v9 =	vld.idx.msk [tilespmem:v32+s14+$0x0], $0xffff;
	_ =	sdelay $0x2  }
0x191: {  	v33 =	vor.u32 s6, v1  }
0x192: {  	(v2sf) =	vpush v8, $0x0  }
0x193: {  	v9 =	vadd.f32 v9, v4;
	_ =	sdelay $0x1  }
0x194: {  	[tilespmem:s2+$0x680] =	vst v9  }
0x195: {  	v9 =	vld.idx.msk [tilespmem:v33+s14+$0x0], $0xffff;
	_ =	sdelay $0x2  }
0x196: {  	v34 =	vor.u32 s6, v2;
	_ =	sdelay $0x1  }
0x197: {  	v9 =	vadd.f32 v9, v5;
	_ =	sdelay $0x1  }
0x198: {  	[tilespmem:s2+$0x690] =	vst v9  }
0x199: {  	v9 =	vld.idx.msk [tilespmem:v34+s14+$0x0], $0xffff;
	_ =	sdelay $0x2  }
0x19a: {  	v35 =	vor.u32 s6, v3;
	s6 =	spop (v2sf)  }
0x19b: {  	p1 =	sgt.s32 s6, $0x0  }
0x19c: {  	p6 =	slt.s32 s6, $0x1;
	s6 =	simm.s32 @!p1 $0x0;
	v9 =	vadd.f32 v9, v6  }
0x19d: {  	s6 =	smin.u32 s6, $0xF423F  }
0x19e: {  	s23 =	sand.u32 $0x7F, s6;
	[tilespmem:s2+$0x6A0] =	vst v9  }
0x19f: {  	p2 =	sne.s32 s23, $0x0;
	v9 =	vld.idx.msk [tilespmem:v35+s14+$0x0], $0xffff  }
0x1a0: {  	p0 =	por !p6, !p2  }
0x1a1: {  	s23 =	simm.s32 $0xFFFFFFFF;
	p0 =	por !p0, !p0  }
0x1a2: {  	s23 =	simm.s32 @!p0 $0x0  }
0x1a3: {  	s23 =	sshll.u32 s23, $0x7  }
0x1a4: {  	s6 =	sadd.s32 s6, s23;
	v9 =	vadd.f32 v9, v7  }
0x1a5: {  	s7 =	sand.u32 $0x7F, s7;
	s6 =	sand.u32 $0x1FFFFF80, s6  }
0x1a6: {  	v36 =	vor.u32 s7, v0;
	s23 =	simm.s32 $0x2;
	s6 =	sadd.s32 s1, s6;
	[tilespmem:s2+$0x6B0] =	vst v9  }
0x1a7: {  	[tilespmem:s14], [sflag:$0x1] =	stream.strided.gather [hbm4b:s6+s12], $0x2000, s13, s12, $0x38;
	[tilespmem:$0x12300] =	vst v63  }
0x1a8: {  	_ =	swait.ge [sflag:s23], $0x2000  }
0x1a9: {  	[sflag:s23] =	ssyncset.done $0x0  }
0x1aa: {  	[sflag:s23] =	ssyncadd.s32 $0xFFFFE000  }
0x1ab: {  	v9 =	vld.idx.msk [tilespmem:v36+s15+$0x0], $0xffff;
	_ =	sdelay $0x2  }
0x1ac: {  	v37 =	vor.u32 s7, v1  }
0x1ad: {  	(v2sf) =	vpush v8, $0x1  }
0x1ae: {  	v9 =	vadd.f32 v9, v4;
	_ =	sdelay $0x1  }
0x1af: {  	[tilespmem:s2+$0x700] =	vst v9  }
0x1b0: {  	v9 =	vld.idx.msk [tilespmem:v37+s15+$0x0], $0xffff;
	_ =	sdelay $0x2  }
0x1b1: {  	v38 =	vor.u32 s7, v2;
	_ =	sdelay $0x1  }
0x1b2: {  	v9 =	vadd.f32 v9, v5;
	_ =	sdelay $0x1  }
0x1b3: {  	[tilespmem:s2+$0x710] =	vst v9  }
0x1b4: {  	v9 =	vld.idx.msk [tilespmem:v38+s15+$0x0], $0xffff;
	_ =	sdelay $0x2  }
0x1b5: {  	v39 =	vor.u32 s7, v3;
	s6 =	spop (v2sf)  }
0x1b6: {  	p1 =	sgt.s32 s6, $0x0  }
0x1b7: {  	p3 =	slt.s32 s6, $0x1;
	s6 =	simm.s32 @!p1 $0x0;
	v9 =	vadd.f32 v9, v6  }
0x1b8: {  	s6 =	smin.u32 s6, $0xF423F  }
0x1b9: {  	s7 =	sand.u32 $0x7F, s6;
	[tilespmem:s2+$0x720] =	vst v9  }
0x1ba: {  	p4 =	sne.s32 s7, $0x0;
	v9 =	vld.idx.msk [tilespmem:v39+s15+$0x0], $0xffff  }
0x1bb: {  	p0 =	por !p3, !p4  }
0x1bc: {  	s7 =	simm.s32 $0xFFFFFFFF;
	p0 =	por !p0, !p0  }
0x1bd: {  	s7 =	simm.s32 @!p0 $0x0  }
0x1be: {  	s7 =	sshll.u32 s7, $0x7  }
0x1bf: {  	s6 =	sadd.s32 s6, s7;
	v9 =	vadd.f32 v9, v7  }
0x1c0: {  	s7 =	sand.u32 $0x7F, s10;
	s6 =	sand.u32 $0x1FFFFF80, s6  }
0x1c1: {  	s10 =	simm.s32 $0x3;
	v40 =	vor.u32 s7, v0;
	s6 =	sadd.s32 s1, s6;
	[tilespmem:s2+$0x730] =	vst v9  }
0x1c2: {  	[tilespmem:s15], [sflag:$0x2] =	stream.strided.gather [hbm4b:s6+s12], $0x2000, s13, s12, $0x38;
	[tilespmem:$0x12300] =	vst v63  }
0x1c3: {  	_ =	swait.ge [sflag:s10], $0x2000  }
0x1c4: {  	[sflag:s10] =	ssyncset.done $0x0  }
0x1c5: {  	[sflag:s10] =	ssyncadd.s32 $0xFFFFE000  }
0x1c6: {  	v9 =	vld.idx.msk [tilespmem:v40+s16+$0x0], $0xffff;
	_ =	sdelay $0x2  }
0x1c7: {  	v41 =	vor.u32 s7, v1  }
0x1c8: {  	(v2sf) =	vpush v8, $0x2  }
0x1c9: {  	v9 =	vadd.f32 v9, v4;
	_ =	sdelay $0x1  }
0x1ca: {  	[tilespmem:s2+$0x780] =	vst v9  }
0x1cb: {  	v9 =	vld.idx.msk [tilespmem:v41+s16+$0x0], $0xffff;
	_ =	sdelay $0x2  }
0x1cc: {  	v42 =	vor.u32 s7, v2;
	_ =	sdelay $0x1  }
0x1cd: {  	v9 =	vadd.f32 v9, v5;
	_ =	sdelay $0x1  }
0x1ce: {  	[tilespmem:s2+$0x790] =	vst v9  }
0x1cf: {  	v9 =	vld.idx.msk [tilespmem:v42+s16+$0x0], $0xffff;
	_ =	sdelay $0x2  }
0x1d0: {  	v43 =	vor.u32 s7, v3;
	s6 =	spop (v2sf)  }
0x1d1: {  	p1 =	sgt.s32 s6, $0x0  }
0x1d2: {  	p5 =	slt.s32 s6, $0x1;
	s6 =	simm.s32 @!p1 $0x0;
	v9 =	vadd.f32 v9, v6  }
0x1d3: {  	s6 =	smin.u32 s6, $0xF423F  }
0x1d4: {  	s7 =	sand.u32 $0x7F, s6;
	[tilespmem:s2+$0x7A0] =	vst v9  }
0x1d5: {  	p6 =	sne.s32 s7, $0x0;
	v9 =	vld.idx.msk [tilespmem:v43+s16+$0x0], $0xffff  }
0x1d6: {  	p0 =	por !p5, !p6  }
0x1d7: {  	s7 =	simm.s32 $0xFFFFFFFF;
	p0 =	por !p0, !p0  }
0x1d8: {  	s7 =	simm.s32 @!p0 $0x0  }
0x1d9: {  	s7 =	sshll.u32 s7, $0x7  }
0x1da: {  	s6 =	sadd.s32 s6, s7;
	v9 =	vadd.f32 v9, v7  }
0x1db: {  	s7 =	sand.u32 $0x7F, s9;
	s6 =	sand.u32 $0x1FFFFF80, s6  }
0x1dc: {  	v44 =	vor.u32 s7, v0;
	s6 =	sadd.s32 s1, s6;
	[tilespmem:s2+$0x7B0] =	vst v9  }
0x1dd: {  	[tilespmem:s16], [sflag:$0x3] =	stream.strided.gather [hbm4b:s6+s12], $0x2000, s13, s12, $0x38;
	[tilespmem:$0x12300] =	vst v63  }
0x1de: {  	_ =	swait.ge [sflag:s25], $0x2000  }
0x1df: {  	[sflag:s25] =	ssyncset.done $0x0  }
0x1e0: {  	[sflag:s25] =	ssyncadd.s32 $0xFFFFE000  }
0x1e1: {  	v9 =	vld.idx.msk [tilespmem:v44+s17+$0x0], $0xffff;
	_ =	sdelay $0x2  }
0x1e2: {  	v45 =	vor.u32 s7, v1  }
0x1e3: {  	(v2sf) =	vpush v8, $0x3  }
0x1e4: {  	v9 =	vadd.f32 v9, v4;
	_ =	sdelay $0x1  }
0x1e5: {  	[tilespmem:s2+$0x800] =	vst v9  }
0x1e6: {  	v9 =	vld.idx.msk [tilespmem:v45+s17+$0x0], $0xffff;
	_ =	sdelay $0x2  }
0x1e7: {  	v46 =	vor.u32 s7, v2;
	_ =	sdelay $0x1  }
0x1e8: {  	v9 =	vadd.f32 v9, v5;
	_ =	sdelay $0x1  }
0x1e9: {  	[tilespmem:s2+$0x810] =	vst v9  }
0x1ea: {  	v9 =	vld.idx.msk [tilespmem:v46+s17+$0x0], $0xffff;
	_ =	sdelay $0x2  }
0x1eb: {  	v47 =	vor.u32 s7, v3;
	s6 =	spop (v2sf)  }
0x1ec: {  	p1 =	sgt.s32 s6, $0x0  }
0x1ed: {  	p2 =	slt.s32 s6, $0x1;
	s6 =	simm.s32 @!p1 $0x0;
	v9 =	vadd.f32 v9, v6  }
0x1ee: {  	s6 =	smin.u32 s6, $0xF423F  }
0x1ef: {  	s7 =	sand.u32 $0x7F, s6;
	[tilespmem:s2+$0x820] =	vst v9  }
0x1f0: {  	p3 =	sne.s32 s7, $0x0;
	v9 =	vld.idx.msk [tilespmem:v47+s17+$0x0], $0xffff  }
0x1f1: {  	p0 =	por !p2, !p3  }
0x1f2: {  	s7 =	simm.s32 $0xFFFFFFFF;
	p0 =	por !p0, !p0  }
0x1f3: {  	s7 =	simm.s32 @!p0 $0x0  }
0x1f4: {  	s7 =	sshll.u32 s7, $0x7  }
0x1f5: {  	s6 =	sadd.s32 s6, s7;
	v9 =	vadd.f32 v9, v7  }
0x1f6: {  	s31 =	sand.u32 $0x7F, s31;
	s6 =	sand.u32 $0x1FFFFF80, s6  }
0x1f7: {  	v48 =	vor.u32 s31, v0;
	s6 =	sadd.s32 s1, s6;
	[tilespmem:s2+$0x830] =	vst v9  }
0x1f8: {  	[tilespmem:s17], [sflag:$0x4] =	stream.strided.gather [hbm4b:s6+s12], $0x2000, s13, s12, $0x38;
	[tilespmem:$0x12300] =	vst v63  }
0x1f9: {  	_ =	swait.ge [sflag:s26], $0x2000  }
0x1fa: {  	[sflag:s26] =	ssyncset.done $0x0  }
0x1fb: {  	[sflag:s26] =	ssyncadd.s32 $0xFFFFE000  }
0x1fc: {  	v9 =	vld.idx.msk [tilespmem:v48+s18+$0x0], $0xffff;
	_ =	sdelay $0x2  }
0x1fd: {  	v49 =	vor.u32 s31, v1  }
0x1fe: {  	(v2sf) =	vpush v8, $0x4  }
0x1ff: {  	v9 =	vadd.f32 v9, v4;
	_ =	sdelay $0x1  }
0x200: {  	[tilespmem:s2+$0x880] =	vst v9  }
0x201: {  	v9 =	vld.idx.msk [tilespmem:v49+s18+$0x0], $0xffff;
	_ =	sdelay $0x2  }
0x202: {  	v50 =	vor.u32 s31, v2;
	_ =	sdelay $0x1  }
0x203: {  	v9 =	vadd.f32 v9, v5;
	_ =	sdelay $0x1  }
0x204: {  	[tilespmem:s2+$0x890] =	vst v9  }
0x205: {  	v9 =	vld.idx.msk [tilespmem:v50+s18+$0x0], $0xffff;
	_ =	sdelay $0x2  }
0x206: {  	v51 =	vor.u32 s31, v3;
	s6 =	spop (v2sf)  }
0x207: {  	p1 =	sgt.s32 s6, $0x0  }
0x208: {  	p4 =	slt.s32 s6, $0x1;
	s6 =	simm.s32 @!p1 $0x0;
	v9 =	vadd.f32 v9, v6  }
0x209: {  	s6 =	smin.u32 s6, $0xF423F  }
0x20a: {  	s31 =	sand.u32 $0x7F, s6;
	[tilespmem:s2+$0x8A0] =	vst v9  }
0x20b: {  	p5 =	sne.s32 s31, $0x0;
	v9 =	vld.idx.msk [tilespmem:v51+s18+$0x0], $0xffff  }
0x20c: {  	p0 =	por !p4, !p5  }
0x20d: {  	s7 =	simm.s32 $0xFFFFFFFF;
	p0 =	por !p0, !p0  }
0x20e: {  	s7 =	simm.s32 @!p0 $0x0  }
0x20f: {  	s7 =	sshll.u32 s7, $0x7  }
0x210: {  	s6 =	sadd.s32 s6, s7;
	v9 =	vadd.f32 v9, v7  }
0x211: {  	s0 =	sand.u32 $0x7F, s0;
	s6 =	sand.u32 $0x1FFFFF80, s6  }
0x212: {  	v52 =	vor.u32 s0, v0;
	s6 =	sadd.s32 s1, s6;
	[tilespmem:s2+$0x8B0] =	vst v9  }
0x213: {  	[tilespmem:s18], [sflag:$0x5] =	stream.strided.gather [hbm4b:s6+s12], $0x2000, s13, s12, $0x38;
	[tilespmem:$0x12300] =	vst v63  }
0x214: {  	_ =	swait.ge [sflag:s28], $0x2000  }
0x215: {  	[sflag:s28] =	ssyncset.done $0x0  }
0x216: {  	[sflag:s28] =	ssyncadd.s32 $0xFFFFE000  }
0x217: {  	v9 =	vld.idx.msk [tilespmem:v52+s19+$0x0], $0xffff;
	_ =	sdelay $0x2  }
0x218: {  	v53 =	vor.u32 s0, v1  }
0x219: {  	(v2sf) =	vpush v8, $0x5  }
0x21a: {  	v9 =	vadd.f32 v9, v4;
	_ =	sdelay $0x1  }
0x21b: {  	[tilespmem:s2+$0x900] =	vst v9  }
0x21c: {  	v9 =	vld.idx.msk [tilespmem:v53+s19+$0x0], $0xffff;
	_ =	sdelay $0x2  }
0x21d: {  	v54 =	vor.u32 s0, v2;
	_ =	sdelay $0x1  }
0x21e: {  	v9 =	vadd.f32 v9, v5;
	_ =	sdelay $0x1  }
0x21f: {  	[tilespmem:s2+$0x910] =	vst v9  }
0x220: {  	v9 =	vld.idx.msk [tilespmem:v54+s19+$0x0], $0xffff;
	_ =	sdelay $0x2  }
0x221: {  	v55 =	vor.u32 s0, v3;
	s0 =	spop (v2sf)  }
0x222: {  	p1 =	sgt.s32 s0, $0x0  }
0x223: {  	p6 =	slt.s32 s0, $0x1;
	s0 =	simm.s32 @!p1 $0x0;
	v9 =	vadd.f32 v9, v6  }
0x224: {  	s0 =	smin.u32 s0, $0xF423F  }
0x225: {  	s31 =	sand.u32 $0x7F, s0;
	[tilespmem:s2+$0x920] =	vst v9  }
0x226: {  	p2 =	sne.s32 s31, $0x0;
	v9 =	vld.idx.msk [tilespmem:v55+s19+$0x0], $0xffff  }
0x227: {  	p0 =	por !p6, !p2  }
0x228: {  	s6 =	simm.s32 $0xFFFFFFFF;
	p0 =	por !p0, !p0  }
0x229: {  	s6 =	simm.s32 @!p0 $0x0  }
0x22a: {  	s6 =	sshll.u32 s6, $0x7  }
0x22b: {  	s0 =	sadd.s32 s0, s6;
	v9 =	vadd.f32 v9, v7  }
0x22c: {  	s5 =	sand.u32 $0x7F, s5;
	s0 =	sand.u32 $0x1FFFFF80, s0  }
0x22d: {  	v56 =	vor.u32 s5, v0;
	s0 =	sadd.s32 s1, s0;
	[tilespmem:s2+$0x930] =	vst v9  }
0x22e: {  	[tilespmem:s19], [sflag:$0x6] =	stream.strided.gather [hbm4b:s0+s12], $0x2000, s13, s12, $0x38;
	[tilespmem:$0x12300] =	vst v63  }
0x22f: {  	_ =	swait.ge [sflag:s29], $0x2000  }
0x230: {  	[sflag:s29] =	ssyncset.done $0x0  }
0x231: {  	[sflag:s29] =	ssyncadd.s32 $0xFFFFE000  }
0x232: {  	v9 =	vld.idx.msk [tilespmem:v56+s20+$0x0], $0xffff;
	_ =	sdelay $0x2  }
0x233: {  	v57 =	vor.u32 s5, v1  }
0x234: {  	(v2sf) =	vpush v8, $0x6  }
0x235: {  	v9 =	vadd.f32 v9, v4;
	_ =	sdelay $0x1  }
0x236: {  	[tilespmem:s2+$0x980] =	vst v9  }
0x237: {  	v9 =	vld.idx.msk [tilespmem:v57+s20+$0x0], $0xffff;
	_ =	sdelay $0x2  }
0x238: {  	v58 =	vor.u32 s5, v2;
	_ =	sdelay $0x1  }
0x239: {  	v9 =	vadd.f32 v9, v5;
	_ =	sdelay $0x1  }
0x23a: {  	[tilespmem:s2+$0x990] =	vst v9  }
0x23b: {  	v9 =	vld.idx.msk [tilespmem:v58+s20+$0x0], $0xffff;
	_ =	sdelay $0x2  }
0x23c: {  	v59 =	vor.u32 s5, v3;
	s0 =	spop (v2sf)  }
0x23d: {  	p1 =	sgt.s32 s0, $0x0  }
0x23e: {  	p3 =	slt.s32 s0, $0x1;
	s0 =	simm.s32 @!p1 $0x0;
	v9 =	vadd.f32 v9, v6  }
0x23f: {  	s0 =	smin.u32 s0, $0xF423F  }
0x240: {  	s6 =	sand.u32 $0x7F, s0;
	[tilespmem:s2+$0x9A0] =	vst v9  }
0x241: {  	p4 =	sne.s32 s6, $0x0;
	v9 =	vld.idx.msk [tilespmem:v59+s20+$0x0], $0xffff  }
0x242: {  	p0 =	por !p3, !p4  }
0x243: {  	s5 =	simm.s32 $0xFFFFFFFF;
	p0 =	por !p0, !p0  }
0x244: {  	s5 =	simm.s32 @!p0 $0x0  }
0x245: {  	s5 =	sshll.u32 s5, $0x7  }
0x246: {  	s0 =	sadd.s32 s0, s5;
	v9 =	vadd.f32 v9, v7  }
0x247: {  	s7 =	sand.u32 $0x7F, s22;
	s0 =	sand.u32 $0x1FFFFF80, s0  }
0x248: {  	v60 =	vor.u32 s7, v0;
	s0 =	sadd.s32 s1, s0;
	[tilespmem:s2+$0x9B0] =	vst v9  }
0x249: {  	[tilespmem:s20], [sflag:$0x7] =	stream.strided.gather [hbm4b:s0+s12], $0x2000, s13, s12, $0x38;
	[tilespmem:$0x12300] =	vst v63  }
0x24a: {  	_ =	swait.ge [sflag:s30], $0x2000  }
0x24b: {  	[sflag:s30] =	ssyncset.done $0x0  }
0x24c: {  	[sflag:s30] =	ssyncadd.s32 $0xFFFFE000  }
0x24d: {  	v9 =	vld.idx.msk [tilespmem:v60+s21+$0x0], $0xffff;
	_ =	sdelay $0x2  }
0x24e: {  	v61 =	vor.u32 s7, v1  }
0x24f: {  	(v2sf) =	vpush v8, $0x7  }
0x250: {  	v8 =	vadd.f32 v9, v4;
	_ =	sdelay $0x1  }
0x251: {  	[tilespmem:s2+$0xA00] =	vst v8  }
0x252: {  	v8 =	vld.idx.msk [tilespmem:v61+s21+$0x0], $0xffff;
	_ =	sdelay $0x2  }
0x253: {  	v62 =	vor.u32 s7, v2;
	_ =	sdelay $0x1  }
0x254: {  	v8 =	vadd.f32 v8, v5;
	_ =	sdelay $0x1  }
0x255: {  	[tilespmem:s2+$0xA10] =	vst v8  }
0x256: {  	v8 =	vld.idx.msk [tilespmem:v62+s21+$0x0], $0xffff;
	_ =	sdelay $0x2  }
0x257: {  	v63 =	vor.u32 s7, v3;
	s0 =	spop (v2sf)  }
0x258: {  	p1 =	sgt.s32 s0, $0x0  }
0x259: {  	p5 =	slt.s32 s0, $0x1;
	s0 =	simm.s32 @!p1 $0x0;
	v8 =	vadd.f32 v8, v6  }
0x25a: {  	s0 =	smin.u32 s0, $0xF423F  }
0x25b: {  	s22 =	sand.u32 $0x7F, s0;
	[tilespmem:s2+$0xA20] =	vst v8  }
0x25c: {  	p6 =	sne.s32 s22, $0x0;
	v8 =	vld.idx.msk [tilespmem:v63+s21+$0x0], $0xffff  }
0x25d: {  	p0 =	por !p5, !p6  }
0x25e: {  	s5 =	simm.s32 $0xFFFFFFFF;
	p0 =	por !p0, !p0  }
0x25f: {  	s5 =	simm.s32 @!p0 $0x0  }
0x260: {  	s5 =	sshll.u32 s5, $0x7  }
0x261: {  	s11 =	sadd.s32 $0x1, s11;
	s0 =	sadd.s32 s0, s5;
	v8 =	vadd.f32 v8, v7  }
0x262: {  	p0 =	sne.s32 s11, $0x20;
	s0 =	sand.u32 $0x1FFFFF80, s0  }
.Ltmp0:
0x263: {  	s0 =	sadd.s32 s1, s0;
	[tilespmem:s2+$0xA30] =	vst v8;
	(pc) =	sbr.rel @p0 .LBB2_2-.Ltmp0, $4  }
0x264: {  	[tilespmem:s21], [sflag:$0x8] =	stream.strided.gather [hbm4b:s0+s12], $0x2000, s13, s12, $0x38;
	[tilespmem:$0x12300] =	vst v63  }
0x265: {  	s9 =	simm.s32 $0x0;
	s31 =	sadd.s32 $0x280, s2  }
0x266: {  	[hbm4b:s8+s9] =	stream.linear.scatter [tilespmem:s31], [sflag:$0x9], $0x800, $0x38;
	[tilespmem:$0x12300] =	vst v63  }
0x267: {  	s4 =	sadd.s32 $0x10, s4;
	s3 =	sadd.s32 $0x800, s3;
	s8 =	sadd.s32 $0x100, s8  }
0x268: {  	_ =	swait.ge [sflag:s24], $0x2000  }
0x269: {  	[sflag:s24] =	ssyncset.done $0x0  }
0x26a: {  	[sflag:s24] =	ssyncadd.s32 $0xFFFFE000  }
0x26b: {  	_ =	swait.ge [sflag:s23], $0x2000  }
0x26c: {  	[sflag:s23] =	ssyncset.done $0x0  }
0x26d: {  	[sflag:s23] =	ssyncadd.s32 $0xFFFFE000  }
0x26e: {  	_ =	swait.ge [sflag:s10], $0x2000  }
0x26f: {  	[sflag:s10] =	ssyncset.done $0x0  }
0x270: {  	[sflag:s10] =	ssyncadd.s32 $0xFFFFE000  }
0x271: {  	_ =	swait.ge [sflag:s25], $0x2000  }
0x272: {  	[sflag:s25] =	ssyncset.done $0x0  }
0x273: {  	[sflag:s25] =	ssyncadd.s32 $0xFFFFE000  }
0x274: {  	_ =	swait.ge [sflag:s26], $0x2000  }
0x275: {  	[sflag:s26] =	ssyncset.done $0x0  }
0x276: {  	[sflag:s26] =	ssyncadd.s32 $0xFFFFE000  }
0x277: {  	_ =	swait.ge [sflag:s28], $0x2000  }
0x278: {  	[sflag:s28] =	ssyncset.done $0x0  }
0x279: {  	[sflag:s28] =	ssyncadd.s32 $0xFFFFE000  }
0x27a: {  	_ =	swait.ge [sflag:s29], $0x2000  }
0x27b: {  	[sflag:s29] =	ssyncset.done $0x0  }
0x27c: {  	[sflag:s29] =	ssyncadd.s32 $0xFFFFE000  }
0x27d: {  	_ =	swait.ge [sflag:s30], $0x2000  }
0x27e: {  	[sflag:s30] =	ssyncset.done $0x0  }
0x27f: {  	s2 =	simm.s32 $0x9;
	[sflag:s30] =	ssyncadd.s32 $0xFFFFE000  }
0x280: {  	_ =	swait.ge [sflag:s2], $0x800  }
0x281: {  	[sflag:s2] =	ssyncset.done $0x0  }
0x282: {  	[sflag:s2] =	ssyncadd.s32 $0xFFFFF800  }
0x283: {  	_ =	swait.ge [sflag:s2], $0x800  }
0x284: {  	[sflag:s2] =	ssyncset.done $0x0  }
0x285: {  	[sflag:s2] =	ssyncadd.s32 $0xFFFFF800  }
0x286: {  	_ =	swait.ge [sflag:s2], $0x800  }
0x287: {  	[sflag:s2] =	ssyncset.done $0x0  }
0x288: {  	[sflag:s2] =	ssyncadd.s32 $0xFFFFF800  }
0x289: {  	_ =	swait.ge [sflag:s2], $0x800  }
0x28a: {  	s3 =	rddreg [dreg:$0x8]  }
0x28b: {  	s0 =	rddreg [dreg:$0x6];
	s3 =	sadd.s32 $0x1, s3  }
0x28c: {  	p0 =	sne.s32 s3, s0  }
.Ltmp1:
0x28d: {  	_ = 	snop;
	(pc) =	sbr.rel @p0 .LBB2_1-.Ltmp1, $3  }
0x28e: {  	_ =	sdelay $0x1  }
0x28f: {  	[sflag:s2] =	ssyncset.done $0x0  }
0x290: {  	[sflag:s2] =	ssyncadd.s32 $0xFFFFF800  }
0x291: {  	_ =	sfence.sel $0x180000  }
0x292: {  	[bflag:$0x0] =	sbarrier.arrive $0xFFFF  }
0x293: {  	_ =	strace $0x90000047  }
0x294: {  	s0 =	stileid.u32;
	[bflag:$0x2] =	sbarrier.arrive $0xFFFF  }
0x295: {  	p0 =	sne.s32 s0, $0x0;
	s0 =	rddreg [dreg:$0x4]  }
0x296: {  	s0 =	sadd.s32 @!p0 $0x100000, s0  }
0x297: {  	[sflag:s0] =	ssyncadd.tile.s32 @!p0 $0x1;
	_ =	shalt  }
.Lfunc_end2:
_tile_overlayer_lowered:
.L_overlay_start_2:
0x298: {  	(tag) =	ssettag $0x2  }
0x299: {  	s0 =	rddreg [dreg:$0x0];
	s2 =	stileid.u32  }
0x29a: {  	s1 =	rddreg [dreg:$0x1];
	p0 =	sne.s32 s2, $0x0  }
0x29b: {  	s3 =	rddreg [dreg:$0x2];
	[bflag:$0x3] =	sbarrier.arrive $0xFFFF;
	s2 =	simm.s32 @!p0 $0x1C0A  }
0x29c: {  	[timem:s3], [sflag:s2] =	dma.local @!p0 [hbm:s0], s1  }
0x29d: {  	s0 =	simm.s32 @!p0 $0xA  }
0x29e: {  	_ =	swait.ge @!p0 [sflag:s0], s1  }
0x29f: {  	s1 =	ssub.s32 @!p0 $0x0, s1;
	[sflag:s0] =	ssyncset.done @!p0 $0x0  }
0x2a0: {  	[sflag:s0] =	ssyncadd.s32 @!p0 s1  }
0x2a1: {  	[bflag:$0x3] =	sbarrier.arrive $0xFFFF  }
0x2a2: {  	_ =	shalt  }

</sc_bundles>
